<compile_context>
chip_gen: v7x
topology: tpu7x:2x2x1
jax: 0.10.2.dev20260603
libtpu: 0.0.44.dev20260713+nightly
codegen_flags: <defaults>
</compile_context>

<pallas_src>
import functools

import jax
import jax.numpy as jnp
from jax import lax
from jax.experimental import pallas as pl
from jax.experimental.pallas import tpu as pltpu
from jax.experimental.pallas import tpu_sc as plsc

N = 10000
E = 320000
D = 128
H = 4
DH = 32
DW = D + 16

NC = 2
NS = 16
NW = NC * NS
K = 128
NB = 80
EW = NB * K
EPAD = NW * EW
NACC = N + 1

_f32 = jnp.float32
_i32 = jnp.int32


def _prep_body(h_ref, wc_ref, ss_ref, sd_ref, xfa_ref, ad_ref):
    xfb = jax.lax.dot_general(
        h_ref[...], wc_ref[...], (((1,), (0,)), ((), ())),
        precision=jax.lax.Precision.HIGHEST, preferred_element_type=_f32)
    xfa_ref[:, pl.ds(0, D)] = xfb
    xfa_ref[:, pl.ds(D, 16)] = jax.lax.dot_general(
        xfb, ss_ref[...], (((1,), (0,)), ((), ())),
        precision=jax.lax.Precision.HIGHEST, preferred_element_type=_f32)
    ad_ref[...] = jax.lax.dot_general(
        xfb, sd_ref[...], (((1,), (0,)), ((), ())),
        precision=jax.lax.Precision.HIGHEST, preferred_element_type=_f32)


def _prep(h, wcat, ssrc, sdst):
    bm = 400
    grid = (N // bm,)
    return pl.pallas_call(
        _prep_body,
        grid=grid,
        in_specs=[
            pl.BlockSpec((bm, D), lambda i: (i, 0)),
            pl.BlockSpec((D, D), lambda i: (0, 0)),
            pl.BlockSpec((D, 16), lambda i: (0, 0)),
            pl.BlockSpec((D, 16), lambda i: (0, 0)),
        ],
        out_specs=[
            pl.BlockSpec((bm, DW), lambda i: (i, 0)),
            pl.BlockSpec((bm, 16), lambda i: (i, 0)),
        ],
        out_shape=[
            jax.ShapeDtypeStruct((N, DW), _f32),
            jax.ShapeDtypeStruct((N, 16), _f32),
        ],
    )(h, wcat, ssrc, sdst)


def _edge_body(xfa_hbm, ad_hbm, src_hbm, dst_hbm, g_hbm, z_hbm, p_hbm,
               acc, src_i0, src_i1, dst_i0, dst_i1, b0, b1, ad_b,
               g_v, sem0, sem1):
    c = lax.axis_index("c")
    s = lax.axis_index("s")
    wid = c * NS + s

    iota = lax.iota(_i32, 16)
    headmask = iota < H
    zeros16 = jnp.zeros((16,), _f32)

    src_i = (src_i0, src_i1)
    dst_i = (dst_i0, dst_i1)
    bufs = (b0, b1)
    sems = (sem0, sem1)

    nz = (NACC + K - 1) // K
    for k in range(5):
        t = s + NS * k

        @pl.when(t < nz)
        def _():
            start = jnp.minimum(t * K, NACC - K)
            pltpu.sync_copy(z_hbm, acc.at[pl.ds(start, K)])

    pltpu.sync_copy(g_hbm, g_v)
    plsc.subcore_barrier()

    gv = g_v[...]

    def _prefetch(p, blk):
        base = wid * EW + blk * K
        pltpu.sync_copy(src_hbm.at[pl.ds(base, K)], src_i[p])
        pltpu.sync_copy(dst_hbm.at[pl.ds(base, K)], dst_i[p])
        pltpu.async_copy(xfa_hbm.at[src_i[p]], bufs[p], sems[p])

    def _consume(p):
        pltpu.sync_copy(ad_hbm.at[dst_i[p]], ad_b)
        pltpu.make_async_copy(xfa_hbm.at[src_i[p]], bufs[p], sems[p]).wait()
        buf = bufs[p]

        @plsc.parallel_loop(0, K, 1, unroll=4)
        def _edge(e):
            asv = buf[e, pl.ds(D, 16)]
            adv = ad_b[e, :]
            sv = asv + adv
            lr = jnp.maximum(sv, 0.2 * sv)
            tv = gv + adv
            mv = jnp.maximum(tv, 0.2 * tv)
            wv = jnp.where(headmask, jnp.exp(lr - mv), zeros16)
            buf[e, pl.ds(D, 16)] = wv
            for h in range(H):
                wb = wv.at[jnp.full((16,), h, _i32)].get(
                    mode="promise_in_bounds")
                for half in range(2):
                    j = (h * 2 + half) * 16
                    buf[e, pl.ds(j, 16)] = buf[e, pl.ds(j, 16)] * wb
        pltpu.sync_copy(buf, acc.at[dst_i[p]], add=True)

    _prefetch(0, 0)

    def _pair(i, _):
        _prefetch(1, 2 * i + 1)
        _consume(0)
        _prefetch(0, 2 * i + 2)
        _consume(1)
        return 0
    lax.fori_loop(0, NB // 2, _pair, 0)

    pltpu.make_async_copy(xfa_hbm.at[src_i[0]], bufs[0], sems[0]).wait()

    plsc.subcore_barrier()

    nd = (N + K - 1) // K
    for k in range(5):
        t = s + NS * k

        @pl.when(t < nd)
        def _():
            start = jnp.minimum(t * K, N - K)
            pltpu.sync_copy(acc.at[pl.ds(start, K)],
                            p_hbm.at[c, pl.ds(start, K)])


@functools.cache
def _edge_sc_build():
    return pl.kernel(
        _edge_body,
        out_type=[
            jax.ShapeDtypeStruct((NC, N, DW), _f32),
        ],
        mesh=plsc.VectorSubcoreMesh(core_axis_name="c", subcore_axis_name="s",
                                    num_cores=NC, num_subcores=NS),
        compiler_params=pltpu.CompilerParams(use_tc_tiling_on_sc=False),
        scratch_types=[
            pltpu.VMEM_SHARED((NACC, DW), _f32),
            pltpu.VMEM((K,), _i32),
            pltpu.VMEM((K,), _i32),
            pltpu.VMEM((K,), _i32),
            pltpu.VMEM((K,), _i32),
            pltpu.VMEM((K, DW), _f32),
            pltpu.VMEM((K, DW), _f32),
            pltpu.VMEM((K, 16), _f32),
            pltpu.VMEM((16,), _f32),
            pltpu.SemaphoreType.DMA,
            pltpu.SemaphoreType.DMA,
        ],
    )


def _comb_body(p_ref, rep_ref, b_ref, h_ref, out_ref):
    num = p_ref[0, :, pl.ds(0, D)] + p_ref[1, :, pl.ds(0, D)]
    den = p_ref[0, :, pl.ds(D, 16)] + p_ref[1, :, pl.ds(D, 16)]
    denx = jax.lax.dot_general(
        den, rep_ref[...], (((1,), (0,)), ((), ())),
        precision=jax.lax.Precision.HIGHEST, preferred_element_type=_f32)
    att = num / (denx + 1e-16) + b_ref[...]
    out_ref[...] = h_ref[...] + jnp.where(
        att > 0, att, jnp.exp(jnp.minimum(att, 0.0)) - 1.0)


def _combine(p, rep, b2d, h):
    bm = 400
    grid = (N // bm,)
    return pl.pallas_call(
        _comb_body,
        grid=grid,
        in_specs=[
            pl.BlockSpec((NC, bm, DW), lambda i: (0, i, 0)),
            pl.BlockSpec((16, D), lambda i: (0, 0)),
            pl.BlockSpec((1, D), lambda i: (0, 0)),
            pl.BlockSpec((bm, D), lambda i: (i, 0)),
        ],
        out_specs=pl.BlockSpec((bm, D), lambda i: (i, 0)),
        out_shape=jax.ShapeDtypeStruct((N, D), _f32),
    )(p, rep, b2d, h)


def kernel(x, edge_index, edge_indice, edge_type, edge_dialog,
           W1, A1, b1, W2, A2, b2):
    src = edge_index[0]
    dst = edge_index[1]
    npad = EPAD + K - E
    srcp = jnp.concatenate([src, jnp.zeros((npad,), _i32)])
    dstp = jnp.concatenate([dst, jnp.full((npad,), N, _i32)])

    mask = jnp.kron(jnp.eye(H, dtype=_f32), jnp.ones((DH, 1), _f32))
    mask = jnp.concatenate([mask, jnp.zeros((D, 16 - H), _f32)], axis=1)
    rep = jnp.concatenate(
        [jnp.kron(jnp.eye(H, dtype=_f32), jnp.ones((1, DH), _f32)),
         jnp.zeros((16 - H, D), _f32)], axis=0)

    h = x
    for (W, A, b) in ((W1, A1, b1), (W2, A2, b2)):
        wcat = W.transpose(1, 0, 2).reshape(D, D)
        ssrc = mask * A[:, :DH, 0].reshape(D, 1)
        sdst = mask * A[:, DH:, 0].reshape(D, 1)
        xfa, ad_t = _prep(h, wcat, ssrc, sdst)
        g16 = jnp.max(xfa[:, D:], axis=0)
        ad_tp = jnp.concatenate([ad_t, jnp.zeros((1, 16), _f32)])
        (part,) = _edge_sc_build()(
            xfa, ad_tp, srcp, dstp, g16, jnp.zeros((K, DW), _f32))
        h = _combine(part, rep, b.reshape(1, D), h)
    return h

# --- scband reference (transcript-rebuilt; emitter-appended) ---
"""Pipeline reference for scband-interactive-gat-16174846836806 (READ-ONLY COPY).

The authoritative reference and input builder live on the scoring server;
editing this copy changes nothing except your own understanding.
"""

import jax, jax.numpy as jnp
import numpy as np

N = 10000
E = 320000
D = 128
HEADS = 4
DH = D // HEADS  # 32


def segment_softmax(scores, seg, num_segments):
    m = jax.ops.segment_max(scores, seg, num_segments)
    m = jnp.where(jnp.isfinite(m), m, 0.0)
    e = jnp.exp(scores - m[seg])
    d = jax.ops.segment_sum(e, seg, num_segments)
    return e / (d[seg] + 1e-16)


def conv(x, W, A, b, edge_index):
    # one RealtionalGATConv layer (training=False -> dropout is identity)
    src = edge_index[0]
    dst = edge_index[1]
    outs = []
    for h in range(HEADS):
        xf = x @ W[h]  # [N, DH]
        cat = jnp.concatenate([xf[src], xf[dst]], axis=-1)  # [E, 2*DH]
        score = cat @ A[h]  # [E, 1]
        score = jax.nn.leaky_relu(score, negative_slope=0.2)
        alpha = segment_softmax(score[:, 0], dst, N)  # [E]
        msg = alpha[:, None] * xf[src]  # message: norm.view(-1,1) * x_j
        out = jax.ops.segment_sum(msg, dst, N)  # aggr='add'
        outs.append(out)
    return jnp.concatenate(outs, axis=-1) + b


def setup_inputs(seed: int = 0) -> dict:
    key = jax.random.key(seed)
    ks = jax.random.split(key, 12)
    x = jax.random.normal(ks[0], (N, D), dtype=jnp.float32)
    edge_index = jax.random.randint(ks[1], (2, E), 0, N, dtype=jnp.int64 if jax.config.jax_enable_x64 else jnp.int32).astype(jnp.int32)
    edge_indice = jax.random.randint(ks[2], (E,), 0, N).astype(jnp.int32)
    edge_type = jax.random.randint(ks[3], (E,), 0, 8).astype(jnp.int32)
    edge_dialog = jax.random.randint(ks[4], (E,), 0, 100).astype(jnp.int32)
    g = (2.0 / (D + DH)) ** 0.5
    ga = (2.0 / (2 * DH + 1)) ** 0.5
    W1 = jax.random.normal(ks[5], (HEADS, D, DH), dtype=jnp.float32) * g
    A1 = jax.random.normal(ks[6], (HEADS, 2 * DH, 1), dtype=jnp.float32) * ga
    b1 = jnp.zeros((D,), dtype=jnp.float32)
    W2 = jax.random.normal(ks[7], (HEADS, D, DH), dtype=jnp.float32) * g
    A2 = jax.random.normal(ks[8], (HEADS, 2 * DH, 1), dtype=jnp.float32) * ga
    b2 = jnp.zeros((D,), dtype=jnp.float32)
    return {"x": x, "edge_index": edge_index, "edge_indice": edge_indice,
            "edge_type": edge_type, "edge_dialog": edge_dialog,
            "W1": W1, "A1": A1, "b1": b1, "W2": W2, "A2": A2, "b2": b2}


def reference(x, edge_index, edge_indice, edge_type, edge_dialog, W1, A1, b1, W2, A2, b2):
    # interactiveGAT.forward with layer_nums=2, training=False (dropout = identity)
    h = x
    out = jax.nn.elu(conv(h, W1, A1, b1, edge_index))
    h = h + out
    out = jax.nn.elu(conv(h, W2, A2, b2, edge_index))
    h = h + out
    return h

if __name__ == "__main__":
    import jax
    _d = setup_inputs()
    print(jax.jit(kernel)(*tuple(_d.values())))

</pallas_src>

<mosaic_0001>
#map = affine_map<(d0, d1) -> (0, 0)>
#map1 = affine_map<(d0, d1) -> (0)>
#map2 = affine_map<(d0, d1) -> (0, 0, 0)>
module attributes {stable_mosaic.version = 14 : i64} {
  func.func @_edge_body(%arg0: i32, %arg1: i32, %arg2: memref<10000x144xf32, #tpu.memory_space<hbm>>, %arg3: memref<10001x16xf32, #tpu.memory_space<hbm>>, %arg4: memref<327808xi32, #tpu.memory_space<hbm>>, %arg5: memref<327808xi32, #tpu.memory_space<hbm>>, %arg6: memref<16xf32, #tpu.memory_space<hbm>>, %arg7: memref<128x144xf32, #tpu.memory_space<hbm>>, %arg8: memref<2x10000x144xf32, #tpu.memory_space<hbm>>, %arg9: memref<10001x144xf32, #tpu.memory_space<vmem_shared>>, %arg10: memref<128xi32, #tpu.memory_space<vmem>>, %arg11: memref<128xi32, #tpu.memory_space<vmem>>, %arg12: memref<128xi32, #tpu.memory_space<vmem>>, %arg13: memref<128xi32, #tpu.memory_space<vmem>>, %arg14: memref<128x144xf32, #tpu.memory_space<vmem>>, %arg15: memref<128x144xf32, #tpu.memory_space<vmem>>, %arg16: memref<128x16xf32, #tpu.memory_space<vmem>>, %arg17: memref<16xf32, #tpu.memory_space<vmem>>, %arg18: memref<!tpu.dma_semaphore, #tpu.memory_space<semaphore_mem>>, %arg19: memref<!tpu.dma_semaphore, #tpu.memory_space<semaphore_mem>>) attributes {dimension_semantics = [#tpu.dimension_semantics<core_parallel>, #tpu.dimension_semantics<subcore_parallel>], iteration_bounds = array<i64: 2, 16>, scalar_prefetch = 0 : i64, scratch_operands = 11 : i64, tpu.core_type = #tpu.core_type<sc_vector_subcore>, window_params = [{transform_indices = #map}, {transform_indices = #map}, {transform_indices = #map1}, {transform_indices = #map1}, {transform_indices = #map1}, {transform_indices = #map}, {transform_indices = #map2}]} {
    %mul3A = arith.constant 16 : i32
    %mul3A_0 = arith.muli %arg0, %mul3A : i32
    %add3A = arith.addi %mul3A_0, %arg1 : i32
    %iota3A = tpu.iota {dimensions = array<i32: 0>} : vector<16xi32>
    %lt3A = arith.constant 4 : i32
    %lt3A_1 = vector.broadcast %lt3A : i32 to vector<16xi32>
    %lt3A_2 = arith.cmpi slt, %iota3A, %lt3A_1 : vector<16xi32>
    %broadcast_in_dim3A = arith.constant 0.000000e+00 : f32
    %broadcast_in_dim3A_3 = vector.broadcast %broadcast_in_dim3A : f32 to vector<16xf32>
    %add3A_4 = arith.constant 0 : i32
    %add3A_5 = arith.addi %arg1, %add3A_4 : i32
    %lt3A_6 = arith.constant 79 : i32
    %lt3A_7 = arith.cmpi slt, %add3A_5, %lt3A_6 : i32
    %convert_element_type3A = arith.extui %lt3A_7 : i1 to i32
    %cond3A = arith.constant 0 : i32
    %cond3A_8 = arith.cmpi ne, %convert_element_type3A, %cond3A : i32
    scf.if %cond3A_8 {
      %mul3A_89 = arith.constant 128 : i32
      %mul3A_90 = arith.muli %add3A_5, %mul3A_89 : i32
      %min3A = arith.constant 9873 : i32
      %min3A_91 = arith.minsi %mul3A_90, %min3A : i32
      "tpu.region"() ({
        %run_scoped3A = tpu.sem_alloc : memref<!tpu.dma_semaphore, #tpu.memory_space<semaphore_mem>>
        %dma_start3A_92 = arith.constant 0 : i32
        %dma_start3A_93 = tpu.memref_slice %arg9[%min3A_91, %dma_start3A_92] : memref<10001x144xf32, #tpu.memory_space<vmem_shared>> -> memref<128x144xf32, #tpu.memory_space<vmem_shared>>
        tpu.enqueue_dma source(%arg7 : memref<128x144xf32, #tpu.memory_space<hbm>>) target(%dma_start3A_93 : memref<128x144xf32, #tpu.memory_space<vmem_shared>>) target_semaphore(%run_scoped3A : memref<!tpu.dma_semaphore, #tpu.memory_space<semaphore_mem>>)
        %dma_wait3A_94 = arith.constant 0 : i32
        %dma_wait3A_95 = tpu.memref_slice %arg9[%min3A_91, %dma_wait3A_94] : memref<10001x144xf32, #tpu.memory_space<vmem_shared>> -> memref<128x144xf32, #tpu.memory_space<vmem_shared>>
        tpu.wait_dma2 semaphore(%run_scoped3A : memref<!tpu.dma_semaphore, #tpu.memory_space<semaphore_mem>>) src(%arg7 : memref<128x144xf32, #tpu.memory_space<hbm>>) dst(%dma_wait3A_95 : memref<128x144xf32, #tpu.memory_space<vmem_shared>>)
        tpu.yield
      }) : () -> ()
    } else {
    }
    %add3A_9 = arith.constant 16 : i32
    %add3A_10 = arith.addi %arg1, %add3A_9 : i32
    %lt3A_11 = arith.constant 79 : i32
    %lt3A_12 = arith.cmpi slt, %add3A_10, %lt3A_11 : i32
    %convert_element_type3A_13 = arith.extui %lt3A_12 : i1 to i32
    %cond3A_14 = arith.constant 0 : i32
    %cond3A_15 = arith.cmpi ne, %convert_element_type3A_13, %cond3A_14 : i32
    scf.if %cond3A_15 {
      %mul3A_89 = arith.constant 128 : i32
      %mul3A_90 = arith.muli %add3A_10, %mul3A_89 : i32
      %min3A = arith.constant 9873 : i32
      %min3A_91 = arith.minsi %mul3A_90, %min3A : i32
      "tpu.region"() ({
        %run_scoped3A = tpu.sem_alloc : memref<!tpu.dma_semaphore, #tpu.memory_space<semaphore_mem>>
        %dma_start3A_92 = arith.constant 0 : i32
        %dma_start3A_93 = tpu.memref_slice %arg9[%min3A_91, %dma_start3A_92] : memref<10001x144xf32, #tpu.memory_space<vmem_shared>> -> memref<128x144xf32, #tpu.memory_space<vmem_shared>>
        tpu.enqueue_dma source(%arg7 : memref<128x144xf32, #tpu.memory_space<hbm>>) target(%dma_start3A_93 : memref<128x144xf32, #tpu.memory_space<vmem_shared>>) target_semaphore(%run_scoped3A : memref<!tpu.dma_semaphore, #tpu.memory_space<semaphore_mem>>)
        %dma_wait3A_94 = arith.constant 0 : i32
        %dma_wait3A_95 = tpu.memref_slice %arg9[%min3A_91, %dma_wait3A_94] : memref<10001x144xf32, #tpu.memory_space<vmem_shared>> -> memref<128x144xf32, #tpu.memory_space<vmem_shared>>
        tpu.wait_dma2 semaphore(%run_scoped3A : memref<!tpu.dma_semaphore, #tpu.memory_space<semaphore_mem>>) src(%arg7 : memref<128x144xf32, #tpu.memory_space<hbm>>) dst(%dma_wait3A_95 : memref<128x144xf32, #tpu.memory_space<vmem_shared>>)
        tpu.yield
      }) : () -> ()
    } else {
    }
    %add3A_16 = arith.constant 32 : i32
    %add3A_17 = arith.addi %arg1, %add3A_16 : i32
    %lt3A_18 = arith.constant 79 : i32
    %lt3A_19 = arith.cmpi slt, %add3A_17, %lt3A_18 : i32
    %convert_element_type3A_20 = arith.extui %lt3A_19 : i1 to i32
    %cond3A_21 = arith.constant 0 : i32
    %cond3A_22 = arith.cmpi ne, %convert_element_type3A_20, %cond3A_21 : i32
    scf.if %cond3A_22 {
      %mul3A_89 = arith.constant 128 : i32
      %mul3A_90 = arith.muli %add3A_17, %mul3A_89 : i32
      %min3A = arith.constant 9873 : i32
      %min3A_91 = arith.minsi %mul3A_90, %min3A : i32
      "tpu.region"() ({
        %run_scoped3A = tpu.sem_alloc : memref<!tpu.dma_semaphore, #tpu.memory_space<semaphore_mem>>
        %dma_start3A_92 = arith.constant 0 : i32
        %dma_start3A_93 = tpu.memref_slice %arg9[%min3A_91, %dma_start3A_92] : memref<10001x144xf32, #tpu.memory_space<vmem_shared>> -> memref<128x144xf32, #tpu.memory_space<vmem_shared>>
        tpu.enqueue_dma source(%arg7 : memref<128x144xf32, #tpu.memory_space<hbm>>) target(%dma_start3A_93 : memref<128x144xf32, #tpu.memory_space<vmem_shared>>) target_semaphore(%run_scoped3A : memref<!tpu.dma_semaphore, #tpu.memory_space<semaphore_mem>>)
        %dma_wait3A_94 = arith.constant 0 : i32
        %dma_wait3A_95 = tpu.memref_slice %arg9[%min3A_91, %dma_wait3A_94] : memref<10001x144xf32, #tpu.memory_space<vmem_shared>> -> memref<128x144xf32, #tpu.memory_space<vmem_shared>>
        tpu.wait_dma2 semaphore(%run_scoped3A : memref<!tpu.dma_semaphore, #tpu.memory_space<semaphore_mem>>) src(%arg7 : memref<128x144xf32, #tpu.memory_space<hbm>>) dst(%dma_wait3A_95 : memref<128x144xf32, #tpu.memory_space<vmem_shared>>)
        tpu.yield
      }) : () -> ()
    } else {
    }
    %add3A_23 = arith.constant 48 : i32
    %add3A_24 = arith.addi %arg1, %add3A_23 : i32
    %lt3A_25 = arith.constant 79 : i32
    %lt3A_26 = arith.cmpi slt, %add3A_24, %lt3A_25 : i32
    %convert_element_type3A_27 = arith.extui %lt3A_26 : i1 to i32
    %cond3A_28 = arith.constant 0 : i32
    %cond3A_29 = arith.cmpi ne, %convert_element_type3A_27, %cond3A_28 : i32
    scf.if %cond3A_29 {
      %mul3A_89 = arith.constant 128 : i32
      %mul3A_90 = arith.muli %add3A_24, %mul3A_89 : i32
      %min3A = arith.constant 9873 : i32
      %min3A_91 = arith.minsi %mul3A_90, %min3A : i32
      "tpu.region"() ({
        %run_scoped3A = tpu.sem_alloc : memref<!tpu.dma_semaphore, #tpu.memory_space<semaphore_mem>>
        %dma_start3A_92 = arith.constant 0 : i32
        %dma_start3A_93 = tpu.memref_slice %arg9[%min3A_91, %dma_start3A_92] : memref<10001x144xf32, #tpu.memory_space<vmem_shared>> -> memref<128x144xf32, #tpu.memory_space<vmem_shared>>
        tpu.enqueue_dma source(%arg7 : memref<128x144xf32, #tpu.memory_space<hbm>>) target(%dma_start3A_93 : memref<128x144xf32, #tpu.memory_space<vmem_shared>>) target_semaphore(%run_scoped3A : memref<!tpu.dma_semaphore, #tpu.memory_space<semaphore_mem>>)
        %dma_wait3A_94 = arith.constant 0 : i32
        %dma_wait3A_95 = tpu.memref_slice %arg9[%min3A_91, %dma_wait3A_94] : memref<10001x144xf32, #tpu.memory_space<vmem_shared>> -> memref<128x144xf32, #tpu.memory_space<vmem_shared>>
        tpu.wait_dma2 semaphore(%run_scoped3A : memref<!tpu.dma_semaphore, #tpu.memory_space<semaphore_mem>>) src(%arg7 : memref<128x144xf32, #tpu.memory_space<hbm>>) dst(%dma_wait3A_95 : memref<128x144xf32, #tpu.memory_space<vmem_shared>>)
        tpu.yield
      }) : () -> ()
    } else {
    }
    %add3A_30 = arith.constant 64 : i32
    %add3A_31 = arith.addi %arg1, %add3A_30 : i32
    %lt3A_32 = arith.constant 79 : i32
    %lt3A_33 = arith.cmpi slt, %add3A_31, %lt3A_32 : i32
    %convert_element_type3A_34 = arith.extui %lt3A_33 : i1 to i32
    %cond3A_35 = arith.constant 0 : i32
    %cond3A_36 = arith.cmpi ne, %convert_element_type3A_34, %cond3A_35 : i32
    scf.if %cond3A_36 {
      %mul3A_89 = arith.constant 128 : i32
      %mul3A_90 = arith.muli %add3A_31, %mul3A_89 : i32
      %min3A = arith.constant 9873 : i32
      %min3A_91 = arith.minsi %mul3A_90, %min3A : i32
      "tpu.region"() ({
        %run_scoped3A = tpu.sem_alloc : memref<!tpu.dma_semaphore, #tpu.memory_space<semaphore_mem>>
        %dma_start3A_92 = arith.constant 0 : i32
        %dma_start3A_93 = tpu.memref_slice %arg9[%min3A_91, %dma_start3A_92] : memref<10001x144xf32, #tpu.memory_space<vmem_shared>> -> memref<128x144xf32, #tpu.memory_space<vmem_shared>>
        tpu.enqueue_dma source(%arg7 : memref<128x144xf32, #tpu.memory_space<hbm>>) target(%dma_start3A_93 : memref<128x144xf32, #tpu.memory_space<vmem_shared>>) target_semaphore(%run_scoped3A : memref<!tpu.dma_semaphore, #tpu.memory_space<semaphore_mem>>)
        %dma_wait3A_94 = arith.constant 0 : i32
        %dma_wait3A_95 = tpu.memref_slice %arg9[%min3A_91, %dma_wait3A_94] : memref<10001x144xf32, #tpu.memory_space<vmem_shared>> -> memref<128x144xf32, #tpu.memory_space<vmem_shared>>
        tpu.wait_dma2 semaphore(%run_scoped3A : memref<!tpu.dma_semaphore, #tpu.memory_space<semaphore_mem>>) src(%arg7 : memref<128x144xf32, #tpu.memory_space<hbm>>) dst(%dma_wait3A_95 : memref<128x144xf32, #tpu.memory_space<vmem_shared>>)
        tpu.yield
      }) : () -> ()
    } else {
    }
    "tpu.region"() ({
      %run_scoped3A = tpu.sem_alloc : memref<!tpu.dma_semaphore, #tpu.memory_space<semaphore_mem>>
      tpu.enqueue_dma source(%arg6 : memref<16xf32, #tpu.memory_space<hbm>>) target(%arg17 : memref<16xf32, #tpu.memory_space<vmem>>) target_semaphore(%run_scoped3A : memref<!tpu.dma_semaphore, #tpu.memory_space<semaphore_mem>>)
      tpu.wait_dma2 semaphore(%run_scoped3A : memref<!tpu.dma_semaphore, #tpu.memory_space<semaphore_mem>>) src(%arg6 : memref<16xf32, #tpu.memory_space<hbm>>) dst(%arg17 : memref<16xf32, #tpu.memory_space<vmem>>)
      tpu.yield
    }) : () -> ()
    %barrier3A = arith.constant 0 : index
    tpu.barrier barrier_id(%barrier3A)
    %get3A = arith.constant 0 : index
    %get3A_37 = tpu.vector_load %arg17[%get3A] {strides = array<i32>} : memref<16xf32, #tpu.memory_space<vmem>>, vector<16xf32>,
    %get3A_38 = vector.shape_cast %get3A_37 : vector<16xf32> to vector<16xf32>
    %mul3A_39 = arith.constant 10240 : i32
    %mul3A_40 = arith.muli %add3A, %mul3A_39 : i32
    %add3A_41 = arith.constant 0 : i32
    %add3A_42 = arith.addi %mul3A_40, %add3A_41 : i32
    "tpu.region"() ({
      %run_scoped3A = tpu.sem_alloc : memref<!tpu.dma_semaphore, #tpu.memory_space<semaphore_mem>>
      %dma_start3A_89 = tpu.memref_slice %arg4[%add3A_42] : memref<327808xi32, #tpu.memory_space<hbm>> -> memref<128xi32, #tpu.memory_space<hbm>>
      %dma_start3A_90 = tpu.memref_slice %arg4[%add3A_42] : memref<327808xi32, #tpu.memory_space<hbm>> -> memref<128xi32, #tpu.memory_space<hbm>>
      tpu.enqueue_dma source(%dma_start3A_90 : memref<128xi32, #tpu.memory_space<hbm>>) target(%arg10 : memref<128xi32, #tpu.memory_space<vmem>>) target_semaphore(%run_scoped3A : memref<!tpu.dma_semaphore, #tpu.memory_space<semaphore_mem>>)
      %dma_wait3A_91 = tpu.memref_slice %arg4[%add3A_42] : memref<327808xi32, #tpu.memory_space<hbm>> -> memref<128xi32, #tpu.memory_space<hbm>>
      %dma_wait3A_92 = tpu.memref_slice %arg4[%add3A_42] : memref<327808xi32, #tpu.memory_space<hbm>> -> memref<128xi32, #tpu.memory_space<hbm>>
      tpu.wait_dma2 semaphore(%run_scoped3A : memref<!tpu.dma_semaphore, #tpu.memory_space<semaphore_mem>>) src(%dma_wait3A_92 : memref<128xi32, #tpu.memory_space<hbm>>) dst(%arg10 : memref<128xi32, #tpu.memory_space<vmem>>)
      tpu.yield
    }) : () -> ()
    "tpu.region"() ({
      %run_scoped3A = tpu.sem_alloc : memref<!tpu.dma_semaphore, #tpu.memory_space<semaphore_mem>>
      %dma_start3A_89 = tpu.memref_slice %arg5[%add3A_42] : memref<327808xi32, #tpu.memory_space<hbm>> -> memref<128xi32, #tpu.memory_space<hbm>>
      %dma_start3A_90 = tpu.memref_slice %arg5[%add3A_42] : memref<327808xi32, #tpu.memory_space<hbm>> -> memref<128xi32, #tpu.memory_space<hbm>>
      tpu.enqueue_dma source(%dma_start3A_90 : memref<128xi32, #tpu.memory_space<hbm>>) target(%arg12 : memref<128xi32, #tpu.memory_space<vmem>>) target_semaphore(%run_scoped3A : memref<!tpu.dma_semaphore, #tpu.memory_space<semaphore_mem>>)
      %dma_wait3A_91 = tpu.memref_slice %arg5[%add3A_42] : memref<327808xi32, #tpu.memory_space<hbm>> -> memref<128xi32, #tpu.memory_space<hbm>>
      %dma_wait3A_92 = tpu.memref_slice %arg5[%add3A_42] : memref<327808xi32, #tpu.memory_space<hbm>> -> memref<128xi32, #tpu.memory_space<hbm>>
      tpu.wait_dma2 semaphore(%run_scoped3A : memref<!tpu.dma_semaphore, #tpu.memory_space<semaphore_mem>>) src(%dma_wait3A_92 : memref<128xi32, #tpu.memory_space<hbm>>) dst(%arg12 : memref<128xi32, #tpu.memory_space<vmem>>)
      tpu.yield
    }) : () -> ()
    %dma_start3A = arith.constant 0 : i32
    %dma_start3A_43 = arith.constant 0 : i32
    %dma_start3A_44 = tpu.memref_slice %arg2[%dma_start3A, %dma_start3A_43] : memref<10000x144xf32, #tpu.memory_space<hbm>> -> memref<10000x144xf32, #tpu.memory_space<hbm>>
    tpu.enqueue_indirect_dma source(%dma_start3A_44 : memref<10000x144xf32, #tpu.memory_space<hbm>>) target(%arg14 : memref<128x144xf32, #tpu.memory_space<vmem>>) offsets(%arg10 : memref<128xi32, #tpu.memory_space<vmem>>) semaphore(%arg18 : memref<!tpu.dma_semaphore, #tpu.memory_space<semaphore_mem>>)
    %scan3A = arith.constant 0 : i32
    %scan3A_45 = arith.constant 0 : i32
    %scan3A_46 = arith.constant 40 : i32
    %scan3A_47 = arith.addi %scan3A_45, %scan3A_46 : i32
    %scan3A_48 = arith.constant 1 : i32
    %scan3A_49 = scf.for %scan3A_89 = %scan3A_45 to %scan3A_47 step %scan3A_48 iter_args(%scan3A_90 = %scan3A) -> (i32)  : i32 {
      %mul3A_91 = arith.constant 2 : i32
      %mul3A_92 = arith.muli %mul3A_91, %scan3A_89 : i32
      %add3A_93 = arith.constant 1 : i32
      %add3A_94 = arith.addi %mul3A_92, %add3A_93 : i32
      %mul3A_95 = arith.constant 10240 : i32
      %mul3A_96 = arith.muli %add3A, %mul3A_95 : i32
      %mul3A_97 = arith.constant 128 : i32
      %mul3A_98 = arith.muli %add3A_94, %mul3A_97 : i32
      %add3A_99 = arith.addi %mul3A_96, %mul3A_98 : i32
      "tpu.region"() ({
        %run_scoped3A = tpu.sem_alloc : memref<!tpu.dma_semaphore, #tpu.memory_space<semaphore_mem>>
        %dma_start3A_127 = tpu.memref_slice %arg4[%add3A_99] : memref<327808xi32, #tpu.memory_space<hbm>> -> memref<128xi32, #tpu.memory_space<hbm>>
        %dma_start3A_128 = tpu.memref_slice %arg4[%add3A_99] : memref<327808xi32, #tpu.memory_space<hbm>> -> memref<128xi32, #tpu.memory_space<hbm>>
        tpu.enqueue_dma source(%dma_start3A_128 : memref<128xi32, #tpu.memory_space<hbm>>) target(%arg11 : memref<128xi32, #tpu.memory_space<vmem>>) target_semaphore(%run_scoped3A : memref<!tpu.dma_semaphore, #tpu.memory_space<semaphore_mem>>)
        %dma_wait3A_129 = tpu.memref_slice %arg4[%add3A_99] : memref<327808xi32, #tpu.memory_space<hbm>> -> memref<128xi32, #tpu.memory_space<hbm>>
        %dma_wait3A_130 = tpu.memref_slice %arg4[%add3A_99] : memref<327808xi32, #tpu.memory_space<hbm>> -> memref<128xi32, #tpu.memory_space<hbm>>
        tpu.wait_dma2 semaphore(%run_scoped3A : memref<!tpu.dma_semaphore, #tpu.memory_space<semaphore_mem>>) src(%dma_wait3A_130 : memref<128xi32, #tpu.memory_space<hbm>>) dst(%arg11 : memref<128xi32, #tpu.memory_space<vmem>>)
        tpu.yield
      }) : () -> ()
      "tpu.region"() ({
        %run_scoped3A = tpu.sem_alloc : memref<!tpu.dma_semaphore, #tpu.memory_space<semaphore_mem>>
        %dma_start3A_127 = tpu.memref_slice %arg5[%add3A_99] : memref<327808xi32, #tpu.memory_space<hbm>> -> memref<128xi32, #tpu.memory_space<hbm>>
        %dma_start3A_128 = tpu.memref_slice %arg5[%add3A_99] : memref<327808xi32, #tpu.memory_space<hbm>> -> memref<128xi32, #tpu.memory_space<hbm>>
        tpu.enqueue_dma source(%dma_start3A_128 : memref<128xi32, #tpu.memory_space<hbm>>) target(%arg13 : memref<128xi32, #tpu.memory_space<vmem>>) target_semaphore(%run_scoped3A : memref<!tpu.dma_semaphore, #tpu.memory_space<semaphore_mem>>)
        %dma_wait3A_129 = tpu.memref_slice %arg5[%add3A_99] : memref<327808xi32, #tpu.memory_space<hbm>> -> memref<128xi32, #tpu.memory_space<hbm>>
        %dma_wait3A_130 = tpu.memref_slice %arg5[%add3A_99] : memref<327808xi32, #tpu.memory_space<hbm>> -> memref<128xi32, #tpu.memory_space<hbm>>
        tpu.wait_dma2 semaphore(%run_scoped3A : memref<!tpu.dma_semaphore, #tpu.memory_space<semaphore_mem>>) src(%dma_wait3A_130 : memref<128xi32, #tpu.memory_space<hbm>>) dst(%arg13 : memref<128xi32, #tpu.memory_space<vmem>>)
        tpu.yield
      }) : () -> ()
      %dma_start3A_100 = arith.constant 0 : i32
      %dma_start3A_101 = arith.constant 0 : i32
      %dma_start3A_102 = tpu.memref_slice %arg2[%dma_start3A_100, %dma_start3A_101] : memref<10000x144xf32, #tpu.memory_space<hbm>> -> memref<10000x144xf32, #tpu.memory_space<hbm>>
      tpu.enqueue_indirect_dma source(%dma_start3A_102 : memref<10000x144xf32, #tpu.memory_space<hbm>>) target(%arg15 : memref<128x144xf32, #tpu.memory_space<vmem>>) offsets(%arg11 : memref<128xi32, #tpu.memory_space<vmem>>) semaphore(%arg19 : memref<!tpu.dma_semaphore, #tpu.memory_space<semaphore_mem>>)
      "tpu.region"() ({
        %run_scoped3A = tpu.sem_alloc : memref<!tpu.dma_semaphore, #tpu.memory_space<semaphore_mem>>
        %dma_start3A_127 = arith.constant 0 : i32
        %dma_start3A_128 = arith.constant 0 : i32
        %dma_start3A_129 = tpu.memref_slice %arg3[%dma_start3A_127, %dma_start3A_128] : memref<10001x16xf32, #tpu.memory_space<hbm>> -> memref<10001x16xf32, #tpu.memory_space<hbm>>
        tpu.enqueue_indirect_dma source(%dma_start3A_129 : memref<10001x16xf32, #tpu.memory_space<hbm>>) target(%arg16 : memref<128x16xf32, #tpu.memory_space<vmem>>) offsets(%arg12 : memref<128xi32, #tpu.memory_space<vmem>>) semaphore(%run_scoped3A : memref<!tpu.dma_semaphore, #tpu.memory_space<semaphore_mem>>)
        %dma_wait3A_130 = arith.constant 0 : i32
        %dma_wait3A_131 = arith.constant 0 : i32
        %dma_wait3A_132 = tpu.memref_slice %arg3[%dma_wait3A_130, %dma_wait3A_131] : memref<10001x16xf32, #tpu.memory_space<hbm>> -> memref<10001x16xf32, #tpu.memory_space<hbm>>
        tpu.wait_indirect_dma semaphore(%run_scoped3A : memref<!tpu.dma_semaphore, #tpu.memory_space<semaphore_mem>>) src(%dma_wait3A_132 : memref<10001x16xf32, #tpu.memory_space<hbm>>) dst(%arg16 : memref<128x16xf32, #tpu.memory_space<vmem>>)
        tpu.yield
      }) : () -> ()
      %dma_wait3A_103 = arith.constant 0 : i32
      %dma_wait3A_104 = arith.constant 0 : i32
      %dma_wait3A_105 = tpu.memref_slice %arg2[%dma_wait3A_103, %dma_wait3A_104] : memref<10000x144xf32, #tpu.memory_space<hbm>> -> memref<10000x144xf32, #tpu.memory_space<hbm>>
      tpu.wait_indirect_dma semaphore(%arg18 : memref<!tpu.dma_semaphore, #tpu.memory_space<semaphore_mem>>) src(%dma_wait3A_105 : memref<10000x144xf32, #tpu.memory_space<hbm>>) dst(%arg14 : memref<128x144xf32, #tpu.memory_space<vmem>>)
      %parallel_loop3A = arith.constant 0 : i32
      %parallel_loop3A_106 = arith.constant 128 : i32
      %parallel_loop3A_107 = arith.constant 1 : i32
      scf.for %parallel_loop3A_127 = %parallel_loop3A to %parallel_loop3A_106 step %parallel_loop3A_107  : i32 {
        %parallel_loop3A_128 = arith.index_cast %parallel_loop3A_127 : i32 to index
        %parallel_loop3A_129 = arith.constant 128 : index
        %parallel_loop3A_130 = tpu.vector_load %arg14[%parallel_loop3A_128, %parallel_loop3A_129] {strides = array<i32>} : memref<128x144xf32, #tpu.memory_space<vmem>>, vector<1x16xf32>,
        %parallel_loop3A_131 = vector.shape_cast %parallel_loop3A_130 : vector<1x16xf32> to vector<16xf32>
        %parallel_loop3A_132 = arith.index_cast %parallel_loop3A_127 : i32 to index
        %parallel_loop3A_133 = arith.constant 0 : index
        %parallel_loop3A_134 = tpu.vector_load %arg16[%parallel_loop3A_132, %parallel_loop3A_133] {strides = array<i32>} : memref<128x16xf32, #tpu.memory_space<vmem>>, vector<1x16xf32>,
        %parallel_loop3A_135 = vector.shape_cast %parallel_loop3A_134 : vector<1x16xf32> to vector<16xf32>
        %parallel_loop3A_136 = arith.addf %parallel_loop3A_131, %parallel_loop3A_135 : vector<16xf32>
        %parallel_loop3A_137 = arith.constant 2.000000e-01 : f32
        %parallel_loop3A_138 = vector.broadcast %parallel_loop3A_137 : f32 to vector<16xf32>
        %parallel_loop3A_139 = arith.mulf %parallel_loop3A_138, %parallel_loop3A_136 : vector<16xf32>
        %parallel_loop3A_140 = arith.maximumf %parallel_loop3A_136, %parallel_loop3A_139 : vector<16xf32>
        %parallel_loop3A_141 = arith.addf %get3A_38, %parallel_loop3A_135 : vector<16xf32>
        %parallel_loop3A_142 = arith.constant 2.000000e-01 : f32
        %parallel_loop3A_143 = vector.broadcast %parallel_loop3A_142 : f32 to vector<16xf32>
        %parallel_loop3A_144 = arith.mulf %parallel_loop3A_143, %parallel_loop3A_141 : vector<16xf32>
        %parallel_loop3A_145 = arith.maximumf %parallel_loop3A_141, %parallel_loop3A_144 : vector<16xf32>
        %parallel_loop3A_146 = arith.subf %parallel_loop3A_140, %parallel_loop3A_145 : vector<16xf32>
        %parallel_loop3A_147 = math.exp %parallel_loop3A_146 : vector<16xf32>
        %parallel_loop3A_148 = arith.select %lt3A_2, %parallel_loop3A_147, %broadcast_in_dim3A_3 : vector<16xi1>, vector<16xf32>
        %parallel_loop3A_149 = arith.index_cast %parallel_loop3A_127 : i32 to index
        %parallel_loop3A_150 = arith.constant 128 : index
        %parallel_loop3A_151 = tpu.vector_load %arg14[%parallel_loop3A_149, %parallel_loop3A_150] {strides = array<i32>} : memref<128x144xf32, #tpu.memory_space<vmem>>, vector<1x16xf32>,
        %parallel_loop3A_152 = vector.shape_cast %parallel_loop3A_151 : vector<1x16xf32> to vector<16xf32>
        %parallel_loop3A_153 = vector.shape_cast %parallel_loop3A_148 : vector<16xf32> to vector<1x16xf32>
        tpu.vector_store %arg14[%parallel_loop3A_149, %parallel_loop3A_150], %parallel_loop3A_153 {strides = array<i32>} : memref<128x144xf32, #tpu.memory_space<vmem>>, vector<1x16xf32>,
        %parallel_loop3A_154 = arith.constant 0 : i32
        %parallel_loop3A_155 = vector.broadcast %parallel_loop3A_154 : i32 to vector<16xi32>
        %parallel_loop3A_156 = arith.constant 0 : i32
        %parallel_loop3A_157 = vector.broadcast %parallel_loop3A_156 : i32 to vector<16xi32>
        %parallel_loop3A_158 = arith.cmpi slt, %parallel_loop3A_155, %parallel_loop3A_157 : vector<16xi32>
        %parallel_loop3A_159 = arith.constant 16 : i32
        %parallel_loop3A_160 = vector.broadcast %parallel_loop3A_159 : i32 to vector<16xi32>
        %parallel_loop3A_161 = arith.addi %parallel_loop3A_155, %parallel_loop3A_160 : vector<16xi32>
        %parallel_loop3A_162 = arith.select %parallel_loop3A_158, %parallel_loop3A_161, %parallel_loop3A_155 : vector<16xi1>, vector<16xi32>
        %parallel_loop3A_163 = vector.shape_cast %parallel_loop3A_162 : vector<16xi32> to vector<16x1xi32>
        %parallel_loop3A_164 = vector.shape_cast %parallel_loop3A_163 : vector<16x1xi32> to vector<16xi32>
        %parallel_loop3A_165 = tpu.dynamic_gather %parallel_loop3A_148[%parallel_loop3A_164] in [0] : vector<16xf32>, vector<16xi32> -> vector<16xf32>
        %parallel_loop3A_166 = arith.index_cast %parallel_loop3A_127 : i32 to index
        %parallel_loop3A_167 = arith.constant 0 : index
        %parallel_loop3A_168 = tpu.vector_load %arg14[%parallel_loop3A_166, %parallel_loop3A_167] {strides = array<i32>} : memref<128x144xf32, #tpu.memory_space<vmem>>, vector<1x16xf32>,
        %parallel_loop3A_169 = vector.shape_cast %parallel_loop3A_168 : vector<1x16xf32> to vector<16xf32>
        %parallel_loop3A_170 = arith.mulf %parallel_loop3A_169, %parallel_loop3A_165 : vector<16xf32>
        %parallel_loop3A_171 = arith.index_cast %parallel_loop3A_127 : i32 to index
        %parallel_loop3A_172 = arith.constant 0 : index
        %parallel_loop3A_173 = tpu.vector_load %arg14[%parallel_loop3A_171, %parallel_loop3A_172] {strides = array<i32>} : memref<128x144xf32, #tpu.memory_space<vmem>>, vector<1x16xf32>,
        %parallel_loop3A_174 = vector.shape_cast %parallel_loop3A_173 : vector<1x16xf32> to vector<16xf32>
        %parallel_loop3A_175 = vector.shape_cast %parallel_loop3A_170 : vector<16xf32> to vector<1x16xf32>
        tpu.vector_store %arg14[%parallel_loop3A_171, %parallel_loop3A_172], %parallel_loop3A_175 {strides = array<i32>} : memref<128x144xf32, #tpu.memory_space<vmem>>, vector<1x16xf32>,
        %parallel_loop3A_176 = arith.index_cast %parallel_loop3A_127 : i32 to index
        %parallel_loop3A_177 = arith.constant 16 : index
        %parallel_loop3A_178 = tpu.vector_load %arg14[%parallel_loop3A_176, %parallel_loop3A_177] {strides = array<i32>} : memref<128x144xf32, #tpu.memory_space<vmem>>, vector<1x16xf32>,
        %parallel_loop3A_179 = vector.shape_cast %parallel_loop3A_178 : vector<1x16xf32> to vector<16xf32>
        %parallel_loop3A_180 = arith.mulf %parallel_loop3A_179, %parallel_loop3A_165 : vector<16xf32>
        %parallel_loop3A_181 = arith.index_cast %parallel_loop3A_127 : i32 to index
        %parallel_loop3A_182 = arith.constant 16 : index
        %parallel_loop3A_183 = tpu.vector_load %arg14[%parallel_loop3A_181, %parallel_loop3A_182] {strides = array<i32>} : memref<128x144xf32, #tpu.memory_space<vmem>>, vector<1x16xf32>,
        %parallel_loop3A_184 = vector.shape_cast %parallel_loop3A_183 : vector<1x16xf32> to vector<16xf32>
        %parallel_loop3A_185 = vector.shape_cast %parallel_loop3A_180 : vector<16xf32> to vector<1x16xf32>
        tpu.vector_store %arg14[%parallel_loop3A_181, %parallel_loop3A_182], %parallel_loop3A_185 {strides = array<i32>} : memref<128x144xf32, #tpu.memory_space<vmem>>, vector<1x16xf32>,
        %parallel_loop3A_186 = arith.constant 1 : i32
        %parallel_loop3A_187 = vector.broadcast %parallel_loop3A_186 : i32 to vector<16xi32>
        %parallel_loop3A_188 = arith.constant 0 : i32
        %parallel_loop3A_189 = vector.broadcast %parallel_loop3A_188 : i32 to vector<16xi32>
        %parallel_loop3A_190 = arith.cmpi slt, %parallel_loop3A_187, %parallel_loop3A_189 : vector<16xi32>
        %parallel_loop3A_191 = arith.constant 16 : i32
        %parallel_loop3A_192 = vector.broadcast %parallel_loop3A_191 : i32 to vector<16xi32>
        %parallel_loop3A_193 = arith.addi %parallel_loop3A_187, %parallel_loop3A_192 : vector<16xi32>
        %parallel_loop3A_194 = arith.select %parallel_loop3A_190, %parallel_loop3A_193, %parallel_loop3A_187 : vector<16xi1>, vector<16xi32>
        %parallel_loop3A_195 = vector.shape_cast %parallel_loop3A_194 : vector<16xi32> to vector<16x1xi32>
        %parallel_loop3A_196 = vector.shape_cast %parallel_loop3A_195 : vector<16x1xi32> to vector<16xi32>
        %parallel_loop3A_197 = tpu.dynamic_gather %parallel_loop3A_148[%parallel_loop3A_196] in [0] : vector<16xf32>, vector<16xi32> -> vector<16xf32>
        %parallel_loop3A_198 = arith.index_cast %parallel_loop3A_127 : i32 to index
        %parallel_loop3A_199 = arith.constant 32 : index
        %parallel_loop3A_200 = tpu.vector_load %arg14[%parallel_loop3A_198, %parallel_loop3A_199] {strides = array<i32>} : memref<128x144xf32, #tpu.memory_space<vmem>>, vector<1x16xf32>,
        %parallel_loop3A_201 = vector.shape_cast %parallel_loop3A_200 : vector<1x16xf32> to vector<16xf32>
        %parallel_loop3A_202 = arith.mulf %parallel_loop3A_201, %parallel_loop3A_197 : vector<16xf32>
        %parallel_loop3A_203 = arith.index_cast %parallel_loop3A_127 : i32 to index
        %parallel_loop3A_204 = arith.constant 32 : index
        %parallel_loop3A_205 = tpu.vector_load %arg14[%parallel_loop3A_203, %parallel_loop3A_204] {strides = array<i32>} : memref<128x144xf32, #tpu.memory_space<vmem>>, vector<1x16xf32>,
        %parallel_loop3A_206 = vector.shape_cast %parallel_loop3A_205 : vector<1x16xf32> to vector<16xf32>
        %parallel_loop3A_207 = vector.shape_cast %parallel_loop3A_202 : vector<16xf32> to vector<1x16xf32>
        tpu.vector_store %arg14[%parallel_loop3A_203, %parallel_loop3A_204], %parallel_loop3A_207 {strides = array<i32>} : memref<128x144xf32, #tpu.memory_space<vmem>>, vector<1x16xf32>,
        %parallel_loop3A_208 = arith.index_cast %parallel_loop3A_127 : i32 to index
        %parallel_loop3A_209 = arith.constant 48 : index
        %parallel_loop3A_210 = tpu.vector_load %arg14[%parallel_loop3A_208, %parallel_loop3A_209] {strides = array<i32>} : memref<128x144xf32, #tpu.memory_space<vmem>>, vector<1x16xf32>,
        %parallel_loop3A_211 = vector.shape_cast %parallel_loop3A_210 : vector<1x16xf32> to vector<16xf32>
        %parallel_loop3A_212 = arith.mulf %parallel_loop3A_211, %parallel_loop3A_197 : vector<16xf32>
        %parallel_loop3A_213 = arith.index_cast %parallel_loop3A_127 : i32 to index
        %parallel_loop3A_214 = arith.constant 48 : index
        %parallel_loop3A_215 = tpu.vector_load %arg14[%parallel_loop3A_213, %parallel_loop3A_214] {strides = array<i32>} : memref<128x144xf32, #tpu.memory_space<vmem>>, vector<1x16xf32>,
        %parallel_loop3A_216 = vector.shape_cast %parallel_loop3A_215 : vector<1x16xf32> to vector<16xf32>
        %parallel_loop3A_217 = vector.shape_cast %parallel_loop3A_212 : vector<16xf32> to vector<1x16xf32>
        tpu.vector_store %arg14[%parallel_loop3A_213, %parallel_loop3A_214], %parallel_loop3A_217 {strides = array<i32>} : memref<128x144xf32, #tpu.memory_space<vmem>>, vector<1x16xf32>,
        %parallel_loop3A_218 = arith.constant 2 : i32
        %parallel_loop3A_219 = vector.broadcast %parallel_loop3A_218 : i32 to vector<16xi32>
        %parallel_loop3A_220 = arith.constant 0 : i32
        %parallel_loop3A_221 = vector.broadcast %parallel_loop3A_220 : i32 to vector<16xi32>
        %parallel_loop3A_222 = arith.cmpi slt, %parallel_loop3A_219, %parallel_loop3A_221 : vector<16xi32>
        %parallel_loop3A_223 = arith.constant 16 : i32
        %parallel_loop3A_224 = vector.broadcast %parallel_loop3A_223 : i32 to vector<16xi32>
        %parallel_loop3A_225 = arith.addi %parallel_loop3A_219, %parallel_loop3A_224 : vector<16xi32>
        %parallel_loop3A_226 = arith.select %parallel_loop3A_222, %parallel_loop3A_225, %parallel_loop3A_219 : vector<16xi1>, vector<16xi32>
        %parallel_loop3A_227 = vector.shape_cast %parallel_loop3A_226 : vector<16xi32> to vector<16x1xi32>
        %parallel_loop3A_228 = vector.shape_cast %parallel_loop3A_227 : vector<16x1xi32> to vector<16xi32>
        %parallel_loop3A_229 = tpu.dynamic_gather %parallel_loop3A_148[%parallel_loop3A_228] in [0] : vector<16xf32>, vector<16xi32> -> vector<16xf32>
        %parallel_loop3A_230 = arith.index_cast %parallel_loop3A_127 : i32 to index
        %parallel_loop3A_231 = arith.constant 64 : index
        %parallel_loop3A_232 = tpu.vector_load %arg14[%parallel_loop3A_230, %parallel_loop3A_231] {strides = array<i32>} : memref<128x144xf32, #tpu.memory_space<vmem>>, vector<1x16xf32>,
        %parallel_loop3A_233 = vector.shape_cast %parallel_loop3A_232 : vector<1x16xf32> to vector<16xf32>
        %parallel_loop3A_234 = arith.mulf %parallel_loop3A_233, %parallel_loop3A_229 : vector<16xf32>
        %parallel_loop3A_235 = arith.index_cast %parallel_loop3A_127 : i32 to index
        %parallel_loop3A_236 = arith.constant 64 : index
        %parallel_loop3A_237 = tpu.vector_load %arg14[%parallel_loop3A_235, %parallel_loop3A_236] {strides = array<i32>} : memref<128x144xf32, #tpu.memory_space<vmem>>, vector<1x16xf32>,
        %parallel_loop3A_238 = vector.shape_cast %parallel_loop3A_237 : vector<1x16xf32> to vector<16xf32>
        %parallel_loop3A_239 = vector.shape_cast %parallel_loop3A_234 : vector<16xf32> to vector<1x16xf32>
        tpu.vector_store %arg14[%parallel_loop3A_235, %parallel_loop3A_236], %parallel_loop3A_239 {strides = array<i32>} : memref<128x144xf32, #tpu.memory_space<vmem>>, vector<1x16xf32>,
        %parallel_loop3A_240 = arith.index_cast %parallel_loop3A_127 : i32 to index
        %parallel_loop3A_241 = arith.constant 80 : index
        %parallel_loop3A_242 = tpu.vector_load %arg14[%parallel_loop3A_240, %parallel_loop3A_241] {strides = array<i32>} : memref<128x144xf32, #tpu.memory_space<vmem>>, vector<1x16xf32>,
        %parallel_loop3A_243 = vector.shape_cast %parallel_loop3A_242 : vector<1x16xf32> to vector<16xf32>
        %parallel_loop3A_244 = arith.mulf %parallel_loop3A_243, %parallel_loop3A_229 : vector<16xf32>
        %parallel_loop3A_245 = arith.index_cast %parallel_loop3A_127 : i32 to index
        %parallel_loop3A_246 = arith.constant 80 : index
        %parallel_loop3A_247 = tpu.vector_load %arg14[%parallel_loop3A_245, %parallel_loop3A_246] {strides = array<i32>} : memref<128x144xf32, #tpu.memory_space<vmem>>, vector<1x16xf32>,
        %parallel_loop3A_248 = vector.shape_cast %parallel_loop3A_247 : vector<1x16xf32> to vector<16xf32>
        %parallel_loop3A_249 = vector.shape_cast %parallel_loop3A_244 : vector<16xf32> to vector<1x16xf32>
        tpu.vector_store %arg14[%parallel_loop3A_245, %parallel_loop3A_246], %parallel_loop3A_249 {strides = array<i32>} : memref<128x144xf32, #tpu.memory_space<vmem>>, vector<1x16xf32>,
        %parallel_loop3A_250 = arith.constant 3 : i32
        %parallel_loop3A_251 = vector.broadcast %parallel_loop3A_250 : i32 to vector<16xi32>
        %parallel_loop3A_252 = arith.constant 0 : i32
        %parallel_loop3A_253 = vector.broadcast %parallel_loop3A_252 : i32 to vector<16xi32>
        %parallel_loop3A_254 = arith.cmpi slt, %parallel_loop3A_251, %parallel_loop3A_253 : vector<16xi32>
        %parallel_loop3A_255 = arith.constant 16 : i32
        %parallel_loop3A_256 = vector.broadcast %parallel_loop3A_255 : i32 to vector<16xi32>
        %parallel_loop3A_257 = arith.addi %parallel_loop3A_251, %parallel_loop3A_256 : vector<16xi32>
        %parallel_loop3A_258 = arith.select %parallel_loop3A_254, %parallel_loop3A_257, %parallel_loop3A_251 : vector<16xi1>, vector<16xi32>
        %parallel_loop3A_259 = vector.shape_cast %parallel_loop3A_258 : vector<16xi32> to vector<16x1xi32>
        %parallel_loop3A_260 = vector.shape_cast %parallel_loop3A_259 : vector<16x1xi32> to vector<16xi32>
        %parallel_loop3A_261 = tpu.dynamic_gather %parallel_loop3A_148[%parallel_loop3A_260] in [0] : vector<16xf32>, vector<16xi32> -> vector<16xf32>
        %parallel_loop3A_262 = arith.index_cast %parallel_loop3A_127 : i32 to index
        %parallel_loop3A_263 = arith.constant 96 : index
        %parallel_loop3A_264 = tpu.vector_load %arg14[%parallel_loop3A_262, %parallel_loop3A_263] {strides = array<i32>} : memref<128x144xf32, #tpu.memory_space<vmem>>, vector<1x16xf32>,
        %parallel_loop3A_265 = vector.shape_cast %parallel_loop3A_264 : vector<1x16xf32> to vector<16xf32>
        %parallel_loop3A_266 = arith.mulf %parallel_loop3A_265, %parallel_loop3A_261 : vector<16xf32>
        %parallel_loop3A_267 = arith.index_cast %parallel_loop3A_127 : i32 to index
        %parallel_loop3A_268 = arith.constant 96 : index
        %parallel_loop3A_269 = tpu.vector_load %arg14[%parallel_loop3A_267, %parallel_loop3A_268] {strides = array<i32>} : memref<128x144xf32, #tpu.memory_space<vmem>>, vector<1x16xf32>,
        %parallel_loop3A_270 = vector.shape_cast %parallel_loop3A_269 : vector<1x16xf32> to vector<16xf32>
        %parallel_loop3A_271 = vector.shape_cast %parallel_loop3A_266 : vector<16xf32> to vector<1x16xf32>
        tpu.vector_store %arg14[%parallel_loop3A_267, %parallel_loop3A_268], %parallel_loop3A_271 {strides = array<i32>} : memref<128x144xf32, #tpu.memory_space<vmem>>, vector<1x16xf32>,
        %parallel_loop3A_272 = arith.index_cast %parallel_loop3A_127 : i32 to index
        %parallel_loop3A_273 = arith.constant 112 : index
        %parallel_loop3A_274 = tpu.vector_load %arg14[%parallel_loop3A_272, %parallel_loop3A_273] {strides = array<i32>} : memref<128x144xf32, #tpu.memory_space<vmem>>, vector<1x16xf32>,
        %parallel_loop3A_275 = vector.shape_cast %parallel_loop3A_274 : vector<1x16xf32> to vector<16xf32>
        %parallel_loop3A_276 = arith.mulf %parallel_loop3A_275, %parallel_loop3A_261 : vector<16xf32>
        %parallel_loop3A_277 = arith.index_cast %parallel_loop3A_127 : i32 to index
        %parallel_loop3A_278 = arith.constant 112 : index
        %parallel_loop3A_279 = tpu.vector_load %arg14[%parallel_loop3A_277, %parallel_loop3A_278] {strides = array<i32>} : memref<128x144xf32, #tpu.memory_space<vmem>>, vector<1x16xf32>,
        %parallel_loop3A_280 = vector.shape_cast %parallel_loop3A_279 : vector<1x16xf32> to vector<16xf32>
        %parallel_loop3A_281 = vector.shape_cast %parallel_loop3A_276 : vector<16xf32> to vector<1x16xf32>
        tpu.vector_store %arg14[%parallel_loop3A_277, %parallel_loop3A_278], %parallel_loop3A_281 {strides = array<i32>} : memref<128x144xf32, #tpu.memory_space<vmem>>, vector<1x16xf32>,
      } {sc.loop_unroll_factor = 4 : i64, sc.parallel_access}
      "tpu.region"() ({
        %run_scoped3A = tpu.sem_alloc : memref<!tpu.dma_semaphore, #tpu.memory_space<semaphore_mem>>
        %dma_start3A_127 = arith.constant 0 : i32
        %dma_start3A_128 = arith.constant 0 : i32
        %dma_start3A_129 = tpu.memref_slice %arg9[%dma_start3A_127, %dma_start3A_128] : memref<10001x144xf32, #tpu.memory_space<vmem_shared>> -> memref<10001x144xf32, #tpu.memory_space<vmem_shared>>
        tpu.enqueue_indirect_dma source(%arg14 : memref<128x144xf32, #tpu.memory_space<vmem>>) target(%dma_start3A_129 : memref<10001x144xf32, #tpu.memory_space<vmem_shared>>) offsets(%arg12 : memref<128xi32, #tpu.memory_space<vmem>>) semaphore(%run_scoped3A : memref<!tpu.dma_semaphore, #tpu.memory_space<semaphore_mem>>) {add = true}
        %dma_wait3A_130 = arith.constant 0 : i32
        %dma_wait3A_131 = arith.constant 0 : i32
        %dma_wait3A_132 = tpu.memref_slice %arg9[%dma_wait3A_130, %dma_wait3A_131] : memref<10001x144xf32, #tpu.memory_space<vmem_shared>> -> memref<10001x144xf32, #tpu.memory_space<vmem_shared>>
        tpu.wait_indirect_dma semaphore(%run_scoped3A : memref<!tpu.dma_semaphore, #tpu.memory_space<semaphore_mem>>) src(%arg14 : memref<128x144xf32, #tpu.memory_space<vmem>>) dst(%dma_wait3A_132 : memref<10001x144xf32, #tpu.memory_space<vmem_shared>>)
        tpu.yield
      }) : () -> ()
      %mul3A_108 = arith.constant 2 : i32
      %mul3A_109 = arith.muli %mul3A_108, %scan3A_89 : i32
      %add3A_110 = arith.constant 2 : i32
      %add3A_111 = arith.addi %mul3A_109, %add3A_110 : i32
      %mul3A_112 = arith.constant 10240 : i32
      %mul3A_113 = arith.muli %add3A, %mul3A_112 : i32
      %mul3A_114 = arith.constant 128 : i32
      %mul3A_115 = arith.muli %add3A_111, %mul3A_114 : i32
      %add3A_116 = arith.addi %mul3A_113, %mul3A_115 : i32
      "tpu.region"() ({
        %run_scoped3A = tpu.sem_alloc : memref<!tpu.dma_semaphore, #tpu.memory_space<semaphore_mem>>
        %dma_start3A_127 = tpu.memref_slice %arg4[%add3A_116] : memref<327808xi32, #tpu.memory_space<hbm>> -> memref<128xi32, #tpu.memory_space<hbm>>
        %dma_start3A_128 = tpu.memref_slice %arg4[%add3A_116] : memref<327808xi32, #tpu.memory_space<hbm>> -> memref<128xi32, #tpu.memory_space<hbm>>
        tpu.enqueue_dma source(%dma_start3A_128 : memref<128xi32, #tpu.memory_space<hbm>>) target(%arg10 : memref<128xi32, #tpu.memory_space<vmem>>) target_semaphore(%run_scoped3A : memref<!tpu.dma_semaphore, #tpu.memory_space<semaphore_mem>>)
        %dma_wait3A_129 = tpu.memref_slice %arg4[%add3A_116] : memref<327808xi32, #tpu.memory_space<hbm>> -> memref<128xi32, #tpu.memory_space<hbm>>
        %dma_wait3A_130 = tpu.memref_slice %arg4[%add3A_116] : memref<327808xi32, #tpu.memory_space<hbm>> -> memref<128xi32, #tpu.memory_space<hbm>>
        tpu.wait_dma2 semaphore(%run_scoped3A : memref<!tpu.dma_semaphore, #tpu.memory_space<semaphore_mem>>) src(%dma_wait3A_130 : memref<128xi32, #tpu.memory_space<hbm>>) dst(%arg10 : memref<128xi32, #tpu.memory_space<vmem>>)
        tpu.yield
      }) : () -> ()
      "tpu.region"() ({
        %run_scoped3A = tpu.sem_alloc : memref<!tpu.dma_semaphore, #tpu.memory_space<semaphore_mem>>
        %dma_start3A_127 = tpu.memref_slice %arg5[%add3A_116] : memref<327808xi32, #tpu.memory_space<hbm>> -> memref<128xi32, #tpu.memory_space<hbm>>
        %dma_start3A_128 = tpu.memref_slice %arg5[%add3A_116] : memref<327808xi32, #tpu.memory_space<hbm>> -> memref<128xi32, #tpu.memory_space<hbm>>
        tpu.enqueue_dma source(%dma_start3A_128 : memref<128xi32, #tpu.memory_space<hbm>>) target(%arg12 : memref<128xi32, #tpu.memory_space<vmem>>) target_semaphore(%run_scoped3A : memref<!tpu.dma_semaphore, #tpu.memory_space<semaphore_mem>>)
        %dma_wait3A_129 = tpu.memref_slice %arg5[%add3A_116] : memref<327808xi32, #tpu.memory_space<hbm>> -> memref<128xi32, #tpu.memory_space<hbm>>
        %dma_wait3A_130 = tpu.memref_slice %arg5[%add3A_116] : memref<327808xi32, #tpu.memory_space<hbm>> -> memref<128xi32, #tpu.memory_space<hbm>>
        tpu.wait_dma2 semaphore(%run_scoped3A : memref<!tpu.dma_semaphore, #tpu.memory_space<semaphore_mem>>) src(%dma_wait3A_130 : memref<128xi32, #tpu.memory_space<hbm>>) dst(%arg12 : memref<128xi32, #tpu.memory_space<vmem>>)
        tpu.yield
      }) : () -> ()
      %dma_start3A_117 = arith.constant 0 : i32
      %dma_start3A_118 = arith.constant 0 : i32
      %dma_start3A_119 = tpu.memref_slice %arg2[%dma_start3A_117, %dma_start3A_118] : memref<10000x144xf32, #tpu.memory_space<hbm>> -> memref<10000x144xf32, #tpu.memory_space<hbm>>
      tpu.enqueue_indirect_dma source(%dma_start3A_119 : memref<10000x144xf32, #tpu.memory_space<hbm>>) target(%arg14 : memref<128x144xf32, #tpu.memory_space<vmem>>) offsets(%arg10 : memref<128xi32, #tpu.memory_space<vmem>>) semaphore(%arg18 : memref<!tpu.dma_semaphore, #tpu.memory_space<semaphore_mem>>)
      "tpu.region"() ({
        %run_scoped3A = tpu.sem_alloc : memref<!tpu.dma_semaphore, #tpu.memory_space<semaphore_mem>>
        %dma_start3A_127 = arith.constant 0 : i32
        %dma_start3A_128 = arith.constant 0 : i32
        %dma_start3A_129 = tpu.memref_slice %arg3[%dma_start3A_127, %dma_start3A_128] : memref<10001x16xf32, #tpu.memory_space<hbm>> -> memref<10001x16xf32, #tpu.memory_space<hbm>>
        tpu.enqueue_indirect_dma source(%dma_start3A_129 : memref<10001x16xf32, #tpu.memory_space<hbm>>) target(%arg16 : memref<128x16xf32, #tpu.memory_space<vmem>>) offsets(%arg13 : memref<128xi32, #tpu.memory_space<vmem>>) semaphore(%run_scoped3A : memref<!tpu.dma_semaphore, #tpu.memory_space<semaphore_mem>>)
        %dma_wait3A_130 = arith.constant 0 : i32
        %dma_wait3A_131 = arith.constant 0 : i32
        %dma_wait3A_132 = tpu.memref_slice %arg3[%dma_wait3A_130, %dma_wait3A_131] : memref<10001x16xf32, #tpu.memory_space<hbm>> -> memref<10001x16xf32, #tpu.memory_space<hbm>>
        tpu.wait_indirect_dma semaphore(%run_scoped3A : memref<!tpu.dma_semaphore, #tpu.memory_space<semaphore_mem>>) src(%dma_wait3A_132 : memref<10001x16xf32, #tpu.memory_space<hbm>>) dst(%arg16 : memref<128x16xf32, #tpu.memory_space<vmem>>)
        tpu.yield
      }) : () -> ()
      %dma_wait3A_120 = arith.constant 0 : i32
      %dma_wait3A_121 = arith.constant 0 : i32
      %dma_wait3A_122 = tpu.memref_slice %arg2[%dma_wait3A_120, %dma_wait3A_121] : memref<10000x144xf32, #tpu.memory_space<hbm>> -> memref<10000x144xf32, #tpu.memory_space<hbm>>
      tpu.wait_indirect_dma semaphore(%arg19 : memref<!tpu.dma_semaphore, #tpu.memory_space<semaphore_mem>>) src(%dma_wait3A_122 : memref<10000x144xf32, #tpu.memory_space<hbm>>) dst(%arg15 : memref<128x144xf32, #tpu.memory_space<vmem>>)
      %parallel_loop3A_123 = arith.constant 0 : i32
      %parallel_loop3A_124 = arith.constant 128 : i32
      %parallel_loop3A_125 = arith.constant 1 : i32
      scf.for %parallel_loop3A_127 = %parallel_loop3A_123 to %parallel_loop3A_124 step %parallel_loop3A_125  : i32 {
        %parallel_loop3A_128 = arith.index_cast %parallel_loop3A_127 : i32 to index
        %parallel_loop3A_129 = arith.constant 128 : index
        %parallel_loop3A_130 = tpu.vector_load %arg15[%parallel_loop3A_128, %parallel_loop3A_129] {strides = array<i32>} : memref<128x144xf32, #tpu.memory_space<vmem>>, vector<1x16xf32>,
        %parallel_loop3A_131 = vector.shape_cast %parallel_loop3A_130 : vector<1x16xf32> to vector<16xf32>
        %parallel_loop3A_132 = arith.index_cast %parallel_loop3A_127 : i32 to index
        %parallel_loop3A_133 = arith.constant 0 : index
        %parallel_loop3A_134 = tpu.vector_load %arg16[%parallel_loop3A_132, %parallel_loop3A_133] {strides = array<i32>} : memref<128x16xf32, #tpu.memory_space<vmem>>, vector<1x16xf32>,
        %parallel_loop3A_135 = vector.shape_cast %parallel_loop3A_134 : vector<1x16xf32> to vector<16xf32>
        %parallel_loop3A_136 = arith.addf %parallel_loop3A_131, %parallel_loop3A_135 : vector<16xf32>
        %parallel_loop3A_137 = arith.constant 2.000000e-01 : f32
        %parallel_loop3A_138 = vector.broadcast %parallel_loop3A_137 : f32 to vector<16xf32>
        %parallel_loop3A_139 = arith.mulf %parallel_loop3A_138, %parallel_loop3A_136 : vector<16xf32>
        %parallel_loop3A_140 = arith.maximumf %parallel_loop3A_136, %parallel_loop3A_139 : vector<16xf32>
        %parallel_loop3A_141 = arith.addf %get3A_38, %parallel_loop3A_135 : vector<16xf32>
        %parallel_loop3A_142 = arith.constant 2.000000e-01 : f32
        %parallel_loop3A_143 = vector.broadcast %parallel_loop3A_142 : f32 to vector<16xf32>
        %parallel_loop3A_144 = arith.mulf %parallel_loop3A_143, %parallel_loop3A_141 : vector<16xf32>
        %parallel_loop3A_145 = arith.maximumf %parallel_loop3A_141, %parallel_loop3A_144 : vector<16xf32>
        %parallel_loop3A_146 = arith.subf %parallel_loop3A_140, %parallel_loop3A_145 : vector<16xf32>
        %parallel_loop3A_147 = math.exp %parallel_loop3A_146 : vector<16xf32>
        %parallel_loop3A_148 = arith.select %lt3A_2, %parallel_loop3A_147, %broadcast_in_dim3A_3 : vector<16xi1>, vector<16xf32>
        %parallel_loop3A_149 = arith.index_cast %parallel_loop3A_127 : i32 to index
        %parallel_loop3A_150 = arith.constant 128 : index
        %parallel_loop3A_151 = tpu.vector_load %arg15[%parallel_loop3A_149, %parallel_loop3A_150] {strides = array<i32>} : memref<128x144xf32, #tpu.memory_space<vmem>>, vector<1x16xf32>,
        %parallel_loop3A_152 = vector.shape_cast %parallel_loop3A_151 : vector<1x16xf32> to vector<16xf32>
        %parallel_loop3A_153 = vector.shape_cast %parallel_loop3A_148 : vector<16xf32> to vector<1x16xf32>
        tpu.vector_store %arg15[%parallel_loop3A_149, %parallel_loop3A_150], %parallel_loop3A_153 {strides = array<i32>} : memref<128x144xf32, #tpu.memory_space<vmem>>, vector<1x16xf32>,
        %parallel_loop3A_154 = arith.constant 0 : i32
        %parallel_loop3A_155 = vector.broadcast %parallel_loop3A_154 : i32 to vector<16xi32>
        %parallel_loop3A_156 = arith.constant 0 : i32
        %parallel_loop3A_157 = vector.broadcast %parallel_loop3A_156 : i32 to vector<16xi32>
        %parallel_loop3A_158 = arith.cmpi slt, %parallel_loop3A_155, %parallel_loop3A_157 : vector<16xi32>
        %parallel_loop3A_159 = arith.constant 16 : i32
        %parallel_loop3A_160 = vector.broadcast %parallel_loop3A_159 : i32 to vector<16xi32>
        %parallel_loop3A_161 = arith.addi %parallel_loop3A_155, %parallel_loop3A_160 : vector<16xi32>
        %parallel_loop3A_162 = arith.select %parallel_loop3A_158, %parallel_loop3A_161, %parallel_loop3A_155 : vector<16xi1>, vector<16xi32>
        %parallel_loop3A_163 = vector.shape_cast %parallel_loop3A_162 : vector<16xi32> to vector<16x1xi32>
        %parallel_loop3A_164 = vector.shape_cast %parallel_loop3A_163 : vector<16x1xi32> to vector<16xi32>
        %parallel_loop3A_165 = tpu.dynamic_gather %parallel_loop3A_148[%parallel_loop3A_164] in [0] : vector<16xf32>, vector<16xi32> -> vector<16xf32>
        %parallel_loop3A_166 = arith.index_cast %parallel_loop3A_127 : i32 to index
        %parallel_loop3A_167 = arith.constant 0 : index
        %parallel_loop3A_168 = tpu.vector_load %arg15[%parallel_loop3A_166, %parallel_loop3A_167] {strides = array<i32>} : memref<128x144xf32, #tpu.memory_space<vmem>>, vector<1x16xf32>,
        %parallel_loop3A_169 = vector.shape_cast %parallel_loop3A_168 : vector<1x16xf32> to vector<16xf32>
        %parallel_loop3A_170 = arith.mulf %parallel_loop3A_169, %parallel_loop3A_165 : vector<16xf32>
        %parallel_loop3A_171 = arith.index_cast %parallel_loop3A_127 : i32 to index
        %parallel_loop3A_172 = arith.constant 0 : index
        %parallel_loop3A_173 = tpu.vector_load %arg15[%parallel_loop3A_171, %parallel_loop3A_172] {strides = array<i32>} : memref<128x144xf32, #tpu.memory_space<vmem>>, vector<1x16xf32>,
        %parallel_loop3A_174 = vector.shape_cast %parallel_loop3A_173 : vector<1x16xf32> to vector<16xf32>
        %parallel_loop3A_175 = vector.shape_cast %parallel_loop3A_170 : vector<16xf32> to vector<1x16xf32>
        tpu.vector_store %arg15[%parallel_loop3A_171, %parallel_loop3A_172], %parallel_loop3A_175 {strides = array<i32>} : memref<128x144xf32, #tpu.memory_space<vmem>>, vector<1x16xf32>,
        %parallel_loop3A_176 = arith.index_cast %parallel_loop3A_127 : i32 to index
        %parallel_loop3A_177 = arith.constant 16 : index
        %parallel_loop3A_178 = tpu.vector_load %arg15[%parallel_loop3A_176, %parallel_loop3A_177] {strides = array<i32>} : memref<128x144xf32, #tpu.memory_space<vmem>>, vector<1x16xf32>,
        %parallel_loop3A_179 = vector.shape_cast %parallel_loop3A_178 : vector<1x16xf32> to vector<16xf32>
        %parallel_loop3A_180 = arith.mulf %parallel_loop3A_179, %parallel_loop3A_165 : vector<16xf32>
        %parallel_loop3A_181 = arith.index_cast %parallel_loop3A_127 : i32 to index
        %parallel_loop3A_182 = arith.constant 16 : index
        %parallel_loop3A_183 = tpu.vector_load %arg15[%parallel_loop3A_181, %parallel_loop3A_182] {strides = array<i32>} : memref<128x144xf32, #tpu.memory_space<vmem>>, vector<1x16xf32>,
        %parallel_loop3A_184 = vector.shape_cast %parallel_loop3A_183 : vector<1x16xf32> to vector<16xf32>
        %parallel_loop3A_185 = vector.shape_cast %parallel_loop3A_180 : vector<16xf32> to vector<1x16xf32>
        tpu.vector_store %arg15[%parallel_loop3A_181, %parallel_loop3A_182], %parallel_loop3A_185 {strides = array<i32>} : memref<128x144xf32, #tpu.memory_space<vmem>>, vector<1x16xf32>,
        %parallel_loop3A_186 = arith.constant 1 : i32
        %parallel_loop3A_187 = vector.broadcast %parallel_loop3A_186 : i32 to vector<16xi32>
        %parallel_loop3A_188 = arith.constant 0 : i32
        %parallel_loop3A_189 = vector.broadcast %parallel_loop3A_188 : i32 to vector<16xi32>
        %parallel_loop3A_190 = arith.cmpi slt, %parallel_loop3A_187, %parallel_loop3A_189 : vector<16xi32>
        %parallel_loop3A_191 = arith.constant 16 : i32
        %parallel_loop3A_192 = vector.broadcast %parallel_loop3A_191 : i32 to vector<16xi32>
        %parallel_loop3A_193 = arith.addi %parallel_loop3A_187, %parallel_loop3A_192 : vector<16xi32>
        %parallel_loop3A_194 = arith.select %parallel_loop3A_190, %parallel_loop3A_193, %parallel_loop3A_187 : vector<16xi1>, vector<16xi32>
        %parallel_loop3A_195 = vector.shape_cast %parallel_loop3A_194 : vector<16xi32> to vector<16x1xi32>
        %parallel_loop3A_196 = vector.shape_cast %parallel_loop3A_195 : vector<16x1xi32> to vector<16xi32>
        %parallel_loop3A_197 = tpu.dynamic_gather %parallel_loop3A_148[%parallel_loop3A_196] in [0] : vector<16xf32>, vector<16xi32> -> vector<16xf32>
        %parallel_loop3A_198 = arith.index_cast %parallel_loop3A_127 : i32 to index
        %parallel_loop3A_199 = arith.constant 32 : index
        %parallel_loop3A_200 = tpu.vector_load %arg15[%parallel_loop3A_198, %parallel_loop3A_199] {strides = array<i32>} : memref<128x144xf32, #tpu.memory_space<vmem>>, vector<1x16xf32>,
        %parallel_loop3A_201 = vector.shape_cast %parallel_loop3A_200 : vector<1x16xf32> to vector<16xf32>
        %parallel_loop3A_202 = arith.mulf %parallel_loop3A_201, %parallel_loop3A_197 : vector<16xf32>
        %parallel_loop3A_203 = arith.index_cast %parallel_loop3A_127 : i32 to index
        %parallel_loop3A_204 = arith.constant 32 : index
        %parallel_loop3A_205 = tpu.vector_load %arg15[%parallel_loop3A_203, %parallel_loop3A_204] {strides = array<i32>} : memref<128x144xf32, #tpu.memory_space<vmem>>, vector<1x16xf32>,
        %parallel_loop3A_206 = vector.shape_cast %parallel_loop3A_205 : vector<1x16xf32> to vector<16xf32>
        %parallel_loop3A_207 = vector.shape_cast %parallel_loop3A_202 : vector<16xf32> to vector<1x16xf32>
        tpu.vector_store %arg15[%parallel_loop3A_203, %parallel_loop3A_204], %parallel_loop3A_207 {strides = array<i32>} : memref<128x144xf32, #tpu.memory_space<vmem>>, vector<1x16xf32>,
        %parallel_loop3A_208 = arith.index_cast %parallel_loop3A_127 : i32 to index
        %parallel_loop3A_209 = arith.constant 48 : index
        %parallel_loop3A_210 = tpu.vector_load %arg15[%parallel_loop3A_208, %parallel_loop3A_209] {strides = array<i32>} : memref<128x144xf32, #tpu.memory_space<vmem>>, vector<1x16xf32>,
        %parallel_loop3A_211 = vector.shape_cast %parallel_loop3A_210 : vector<1x16xf32> to vector<16xf32>
        %parallel_loop3A_212 = arith.mulf %parallel_loop3A_211, %parallel_loop3A_197 : vector<16xf32>
        %parallel_loop3A_213 = arith.index_cast %parallel_loop3A_127 : i32 to index
        %parallel_loop3A_214 = arith.constant 48 : index
        %parallel_loop3A_215 = tpu.vector_load %arg15[%parallel_loop3A_213, %parallel_loop3A_214] {strides = array<i32>} : memref<128x144xf32, #tpu.memory_space<vmem>>, vector<1x16xf32>,
        %parallel_loop3A_216 = vector.shape_cast %parallel_loop3A_215 : vector<1x16xf32> to vector<16xf32>
        %parallel_loop3A_217 = vector.shape_cast %parallel_loop3A_212 : vector<16xf32> to vector<1x16xf32>
        tpu.vector_store %arg15[%parallel_loop3A_213, %parallel_loop3A_214], %parallel_loop3A_217 {strides = array<i32>} : memref<128x144xf32, #tpu.memory_space<vmem>>, vector<1x16xf32>,
        %parallel_loop3A_218 = arith.constant 2 : i32
        %parallel_loop3A_219 = vector.broadcast %parallel_loop3A_218 : i32 to vector<16xi32>
        %parallel_loop3A_220 = arith.constant 0 : i32
        %parallel_loop3A_221 = vector.broadcast %parallel_loop3A_220 : i32 to vector<16xi32>
        %parallel_loop3A_222 = arith.cmpi slt, %parallel_loop3A_219, %parallel_loop3A_221 : vector<16xi32>
        %parallel_loop3A_223 = arith.constant 16 : i32
        %parallel_loop3A_224 = vector.broadcast %parallel_loop3A_223 : i32 to vector<16xi32>
        %parallel_loop3A_225 = arith.addi %parallel_loop3A_219, %parallel_loop3A_224 : vector<16xi32>
        %parallel_loop3A_226 = arith.select %parallel_loop3A_222, %parallel_loop3A_225, %parallel_loop3A_219 : vector<16xi1>, vector<16xi32>
        %parallel_loop3A_227 = vector.shape_cast %parallel_loop3A_226 : vector<16xi32> to vector<16x1xi32>
        %parallel_loop3A_228 = vector.shape_cast %parallel_loop3A_227 : vector<16x1xi32> to vector<16xi32>
        %parallel_loop3A_229 = tpu.dynamic_gather %parallel_loop3A_148[%parallel_loop3A_228] in [0] : vector<16xf32>, vector<16xi32> -> vector<16xf32>
        %parallel_loop3A_230 = arith.index_cast %parallel_loop3A_127 : i32 to index
        %parallel_loop3A_231 = arith.constant 64 : index
        %parallel_loop3A_232 = tpu.vector_load %arg15[%parallel_loop3A_230, %parallel_loop3A_231] {strides = array<i32>} : memref<128x144xf32, #tpu.memory_space<vmem>>, vector<1x16xf32>,
        %parallel_loop3A_233 = vector.shape_cast %parallel_loop3A_232 : vector<1x16xf32> to vector<16xf32>
        %parallel_loop3A_234 = arith.mulf %parallel_loop3A_233, %parallel_loop3A_229 : vector<16xf32>
        %parallel_loop3A_235 = arith.index_cast %parallel_loop3A_127 : i32 to index
        %parallel_loop3A_236 = arith.constant 64 : index
        %parallel_loop3A_237 = tpu.vector_load %arg15[%parallel_loop3A_235, %parallel_loop3A_236] {strides = array<i32>} : memref<128x144xf32, #tpu.memory_space<vmem>>, vector<1x16xf32>,
        %parallel_loop3A_238 = vector.shape_cast %parallel_loop3A_237 : vector<1x16xf32> to vector<16xf32>
        %parallel_loop3A_239 = vector.shape_cast %parallel_loop3A_234 : vector<16xf32> to vector<1x16xf32>
        tpu.vector_store %arg15[%parallel_loop3A_235, %parallel_loop3A_236], %parallel_loop3A_239 {strides = array<i32>} : memref<128x144xf32, #tpu.memory_space<vmem>>, vector<1x16xf32>,
        %parallel_loop3A_240 = arith.index_cast %parallel_loop3A_127 : i32 to index
        %parallel_loop3A_241 = arith.constant 80 : index
        %parallel_loop3A_242 = tpu.vector_load %arg15[%parallel_loop3A_240, %parallel_loop3A_241] {strides = array<i32>} : memref<128x144xf32, #tpu.memory_space<vmem>>, vector<1x16xf32>,
        %parallel_loop3A_243 = vector.shape_cast %parallel_loop3A_242 : vector<1x16xf32> to vector<16xf32>
        %parallel_loop3A_244 = arith.mulf %parallel_loop3A_243, %parallel_loop3A_229 : vector<16xf32>
        %parallel_loop3A_245 = arith.index_cast %parallel_loop3A_127 : i32 to index
        %parallel_loop3A_246 = arith.constant 80 : index
        %parallel_loop3A_247 = tpu.vector_load %arg15[%parallel_loop3A_245, %parallel_loop3A_246] {strides = array<i32>} : memref<128x144xf32, #tpu.memory_space<vmem>>, vector<1x16xf32>,
        %parallel_loop3A_248 = vector.shape_cast %parallel_loop3A_247 : vector<1x16xf32> to vector<16xf32>
        %parallel_loop3A_249 = vector.shape_cast %parallel_loop3A_244 : vector<16xf32> to vector<1x16xf32>
        tpu.vector_store %arg15[%parallel_loop3A_245, %parallel_loop3A_246], %parallel_loop3A_249 {strides = array<i32>} : memref<128x144xf32, #tpu.memory_space<vmem>>, vector<1x16xf32>,
        %parallel_loop3A_250 = arith.constant 3 : i32
        %parallel_loop3A_251 = vector.broadcast %parallel_loop3A_250 : i32 to vector<16xi32>
        %parallel_loop3A_252 = arith.constant 0 : i32
        %parallel_loop3A_253 = vector.broadcast %parallel_loop3A_252 : i32 to vector<16xi32>
        %parallel_loop3A_254 = arith.cmpi slt, %parallel_loop3A_251, %parallel_loop3A_253 : vector<16xi32>
        %parallel_loop3A_255 = arith.constant 16 : i32
        %parallel_loop3A_256 = vector.broadcast %parallel_loop3A_255 : i32 to vector<16xi32>
        %parallel_loop3A_257 = arith.addi %parallel_loop3A_251, %parallel_loop3A_256 : vector<16xi32>
        %parallel_loop3A_258 = arith.select %parallel_loop3A_254, %parallel_loop3A_257, %parallel_loop3A_251 : vector<16xi1>, vector<16xi32>
        %parallel_loop3A_259 = vector.shape_cast %parallel_loop3A_258 : vector<16xi32> to vector<16x1xi32>
        %parallel_loop3A_260 = vector.shape_cast %parallel_loop3A_259 : vector<16x1xi32> to vector<16xi32>
        %parallel_loop3A_261 = tpu.dynamic_gather %parallel_loop3A_148[%parallel_loop3A_260] in [0] : vector<16xf32>, vector<16xi32> -> vector<16xf32>
        %parallel_loop3A_262 = arith.index_cast %parallel_loop3A_127 : i32 to index
        %parallel_loop3A_263 = arith.constant 96 : index
        %parallel_loop3A_264 = tpu.vector_load %arg15[%parallel_loop3A_262, %parallel_loop3A_263] {strides = array<i32>} : memref<128x144xf32, #tpu.memory_space<vmem>>, vector<1x16xf32>,
        %parallel_loop3A_265 = vector.shape_cast %parallel_loop3A_264 : vector<1x16xf32> to vector<16xf32>
        %parallel_loop3A_266 = arith.mulf %parallel_loop3A_265, %parallel_loop3A_261 : vector<16xf32>
        %parallel_loop3A_267 = arith.index_cast %parallel_loop3A_127 : i32 to index
        %parallel_loop3A_268 = arith.constant 96 : index
        %parallel_loop3A_269 = tpu.vector_load %arg15[%parallel_loop3A_267, %parallel_loop3A_268] {strides = array<i32>} : memref<128x144xf32, #tpu.memory_space<vmem>>, vector<1x16xf32>,
        %parallel_loop3A_270 = vector.shape_cast %parallel_loop3A_269 : vector<1x16xf32> to vector<16xf32>
        %parallel_loop3A_271 = vector.shape_cast %parallel_loop3A_266 : vector<16xf32> to vector<1x16xf32>
        tpu.vector_store %arg15[%parallel_loop3A_267, %parallel_loop3A_268], %parallel_loop3A_271 {strides = array<i32>} : memref<128x144xf32, #tpu.memory_space<vmem>>, vector<1x16xf32>,
        %parallel_loop3A_272 = arith.index_cast %parallel_loop3A_127 : i32 to index
        %parallel_loop3A_273 = arith.constant 112 : index
        %parallel_loop3A_274 = tpu.vector_load %arg15[%parallel_loop3A_272, %parallel_loop3A_273] {strides = array<i32>} : memref<128x144xf32, #tpu.memory_space<vmem>>, vector<1x16xf32>,
        %parallel_loop3A_275 = vector.shape_cast %parallel_loop3A_274 : vector<1x16xf32> to vector<16xf32>
        %parallel_loop3A_276 = arith.mulf %parallel_loop3A_275, %parallel_loop3A_261 : vector<16xf32>
        %parallel_loop3A_277 = arith.index_cast %parallel_loop3A_127 : i32 to index
        %parallel_loop3A_278 = arith.constant 112 : index
        %parallel_loop3A_279 = tpu.vector_load %arg15[%parallel_loop3A_277, %parallel_loop3A_278] {strides = array<i32>} : memref<128x144xf32, #tpu.memory_space<vmem>>, vector<1x16xf32>,
        %parallel_loop3A_280 = vector.shape_cast %parallel_loop3A_279 : vector<1x16xf32> to vector<16xf32>
        %parallel_loop3A_281 = vector.shape_cast %parallel_loop3A_276 : vector<16xf32> to vector<1x16xf32>
        tpu.vector_store %arg15[%parallel_loop3A_277, %parallel_loop3A_278], %parallel_loop3A_281 {strides = array<i32>} : memref<128x144xf32, #tpu.memory_space<vmem>>, vector<1x16xf32>,
      } {sc.loop_unroll_factor = 4 : i64, sc.parallel_access}
      "tpu.region"() ({
        %run_scoped3A = tpu.sem_alloc : memref<!tpu.dma_semaphore, #tpu.memory_space<semaphore_mem>>
        %dma_start3A_127 = arith.constant 0 : i32
        %dma_start3A_128 = arith.constant 0 : i32
        %dma_start3A_129 = tpu.memref_slice %arg9[%dma_start3A_127, %dma_start3A_128] : memref<10001x144xf32, #tpu.memory_space<vmem_shared>> -> memref<10001x144xf32, #tpu.memory_space<vmem_shared>>
        tpu.enqueue_indirect_dma source(%arg15 : memref<128x144xf32, #tpu.memory_space<vmem>>) target(%dma_start3A_129 : memref<10001x144xf32, #tpu.memory_space<vmem_shared>>) offsets(%arg13 : memref<128xi32, #tpu.memory_space<vmem>>) semaphore(%run_scoped3A : memref<!tpu.dma_semaphore, #tpu.memory_space<semaphore_mem>>) {add = true}
        %dma_wait3A_130 = arith.constant 0 : i32
        %dma_wait3A_131 = arith.constant 0 : i32
        %dma_wait3A_132 = tpu.memref_slice %arg9[%dma_wait3A_130, %dma_wait3A_131] : memref<10001x144xf32, #tpu.memory_space<vmem_shared>> -> memref<10001x144xf32, #tpu.memory_space<vmem_shared>>
        tpu.wait_indirect_dma semaphore(%run_scoped3A : memref<!tpu.dma_semaphore, #tpu.memory_space<semaphore_mem>>) src(%arg15 : memref<128x144xf32, #tpu.memory_space<vmem>>) dst(%dma_wait3A_132 : memref<10001x144xf32, #tpu.memory_space<vmem_shared>>)
        tpu.yield
      }) : () -> ()
      %scan3A_126 = arith.constant 0 : i32
      scf.yield %scan3A_126 : i32
    }
    %scan3A_50 = arith.constant 40 : i32
    %dma_wait3A = arith.constant 0 : i32
    %dma_wait3A_51 = arith.constant 0 : i32
    %dma_wait3A_52 = tpu.memref_slice %arg2[%dma_wait3A, %dma_wait3A_51] : memref<10000x144xf32, #tpu.memory_space<hbm>> -> memref<10000x144xf32, #tpu.memory_space<hbm>>
    tpu.wait_indirect_dma semaphore(%arg18 : memref<!tpu.dma_semaphore, #tpu.memory_space<semaphore_mem>>) src(%dma_wait3A_52 : memref<10000x144xf32, #tpu.memory_space<hbm>>) dst(%arg14 : memref<128x144xf32, #tpu.memory_space<vmem>>)
    %barrier3A_53 = arith.constant 0 : index
    tpu.barrier barrier_id(%barrier3A_53)
    %add3A_54 = arith.constant 0 : i32
    %add3A_55 = arith.addi %arg1, %add3A_54 : i32
    %lt3A_56 = arith.constant 79 : i32
    %lt3A_57 = arith.cmpi slt, %add3A_55, %lt3A_56 : i32
    %convert_element_type3A_58 = arith.extui %lt3A_57 : i1 to i32
    %cond3A_59 = arith.constant 0 : i32
    %cond3A_60 = arith.cmpi ne, %convert_element_type3A_58, %cond3A_59 : i32
    scf.if %cond3A_60 {
      %mul3A_89 = arith.constant 128 : i32
      %mul3A_90 = arith.muli %add3A_55, %mul3A_89 : i32
      %min3A = arith.constant 9872 : i32
      %min3A_91 = arith.minsi %mul3A_90, %min3A : i32
      "tpu.region"() ({
        %run_scoped3A = tpu.sem_alloc : memref<!tpu.dma_semaphore, #tpu.memory_space<semaphore_mem>>
        %dma_start3A_92 = arith.constant 0 : i32
        %dma_start3A_93 = tpu.memref_slice %arg8[%arg0, %min3A_91, %dma_start3A_92] : memref<2x10000x144xf32, #tpu.memory_space<hbm>> -> memref<1x128x144xf32, #tpu.memory_space<hbm>>
        %dma_start3A_94 = tpu.memref_squeeze %dma_start3A_93 : memref<1x128x144xf32, #tpu.memory_space<hbm>> -> memref<128x144xf32, #tpu.memory_space<hbm>>
        %dma_start3A_95 = arith.constant 0 : i32
        %dma_start3A_96 = tpu.memref_slice %arg9[%min3A_91, %dma_start3A_95] : memref<10001x144xf32, #tpu.memory_space<vmem_shared>> -> memref<128x144xf32, #tpu.memory_space<vmem_shared>>
        tpu.enqueue_dma source(%dma_start3A_96 : memref<128x144xf32, #tpu.memory_space<vmem_shared>>) target(%dma_start3A_94 : memref<128x144xf32, #tpu.memory_space<hbm>>) target_semaphore(%run_scoped3A : memref<!tpu.dma_semaphore, #tpu.memory_space<semaphore_mem>>)
        %dma_wait3A_97 = arith.constant 0 : i32
        %dma_wait3A_98 = tpu.memref_slice %arg8[%arg0, %min3A_91, %dma_wait3A_97] : memref<2x10000x144xf32, #tpu.memory_space<hbm>> -> memref<1x128x144xf32, #tpu.memory_space<hbm>>
        %dma_wait3A_99 = tpu.memref_squeeze %dma_wait3A_98 : memref<1x128x144xf32, #tpu.memory_space<hbm>> -> memref<128x144xf32, #tpu.memory_space<hbm>>
        %dma_wait3A_100 = arith.constant 0 : i32
        %dma_wait3A_101 = tpu.memref_slice %arg9[%min3A_91, %dma_wait3A_100] : memref<10001x144xf32, #tpu.memory_space<vmem_shared>> -> memref<128x144xf32, #tpu.memory_space<vmem_shared>>
        tpu.wait_dma2 semaphore(%run_scoped3A : memref<!tpu.dma_semaphore, #tpu.memory_space<semaphore_mem>>) src(%dma_wait3A_101 : memref<128x144xf32, #tpu.memory_space<vmem_shared>>) dst(%dma_wait3A_99 : memref<128x144xf32, #tpu.memory_space<hbm>>)
        tpu.yield
      }) : () -> ()
    } else {
    }
    %add3A_61 = arith.constant 16 : i32
    %add3A_62 = arith.addi %arg1, %add3A_61 : i32
    %lt3A_63 = arith.constant 79 : i32
    %lt3A_64 = arith.cmpi slt, %add3A_62, %lt3A_63 : i32
    %convert_element_type3A_65 = arith.extui %lt3A_64 : i1 to i32
    %cond3A_66 = arith.constant 0 : i32
    %cond3A_67 = arith.cmpi ne, %convert_element_type3A_65, %cond3A_66 : i32
    scf.if %cond3A_67 {
      %mul3A_89 = arith.constant 128 : i32
      %mul3A_90 = arith.muli %add3A_62, %mul3A_89 : i32
      %min3A = arith.constant 9872 : i32
      %min3A_91 = arith.minsi %mul3A_90, %min3A : i32
      "tpu.region"() ({
        %run_scoped3A = tpu.sem_alloc : memref<!tpu.dma_semaphore, #tpu.memory_space<semaphore_mem>>
        %dma_start3A_92 = arith.constant 0 : i32
        %dma_start3A_93 = tpu.memref_slice %arg8[%arg0, %min3A_91, %dma_start3A_92] : memref<2x10000x144xf32, #tpu.memory_space<hbm>> -> memref<1x128x144xf32, #tpu.memory_space<hbm>>
        %dma_start3A_94 = tpu.memref_squeeze %dma_start3A_93 : memref<1x128x144xf32, #tpu.memory_space<hbm>> -> memref<128x144xf32, #tpu.memory_space<hbm>>
        %dma_start3A_95 = arith.constant 0 : i32
        %dma_start3A_96 = tpu.memref_slice %arg9[%min3A_91, %dma_start3A_95] : memref<10001x144xf32, #tpu.memory_space<vmem_shared>> -> memref<128x144xf32, #tpu.memory_space<vmem_shared>>
        tpu.enqueue_dma source(%dma_start3A_96 : memref<128x144xf32, #tpu.memory_space<vmem_shared>>) target(%dma_start3A_94 : memref<128x144xf32, #tpu.memory_space<hbm>>) target_semaphore(%run_scoped3A : memref<!tpu.dma_semaphore, #tpu.memory_space<semaphore_mem>>)
        %dma_wait3A_97 = arith.constant 0 : i32
        %dma_wait3A_98 = tpu.memref_slice %arg8[%arg0, %min3A_91, %dma_wait3A_97] : memref<2x10000x144xf32, #tpu.memory_space<hbm>> -> memref<1x128x144xf32, #tpu.memory_space<hbm>>
        %dma_wait3A_99 = tpu.memref_squeeze %dma_wait3A_98 : memref<1x128x144xf32, #tpu.memory_space<hbm>> -> memref<128x144xf32, #tpu.memory_space<hbm>>
        %dma_wait3A_100 = arith.constant 0 : i32
        %dma_wait3A_101 = tpu.memref_slice %arg9[%min3A_91, %dma_wait3A_100] : memref<10001x144xf32, #tpu.memory_space<vmem_shared>> -> memref<128x144xf32, #tpu.memory_space<vmem_shared>>
        tpu.wait_dma2 semaphore(%run_scoped3A : memref<!tpu.dma_semaphore, #tpu.memory_space<semaphore_mem>>) src(%dma_wait3A_101 : memref<128x144xf32, #tpu.memory_space<vmem_shared>>) dst(%dma_wait3A_99 : memref<128x144xf32, #tpu.memory_space<hbm>>)
        tpu.yield
      }) : () -> ()
    } else {
    }
    %add3A_68 = arith.constant 32 : i32
    %add3A_69 = arith.addi %arg1, %add3A_68 : i32
    %lt3A_70 = arith.constant 79 : i32
    %lt3A_71 = arith.cmpi slt, %add3A_69, %lt3A_70 : i32
    %convert_element_type3A_72 = arith.extui %lt3A_71 : i1 to i32
    %cond3A_73 = arith.constant 0 : i32
    %cond3A_74 = arith.cmpi ne, %convert_element_type3A_72, %cond3A_73 : i32
    scf.if %cond3A_74 {
      %mul3A_89 = arith.constant 128 : i32
      %mul3A_90 = arith.muli %add3A_69, %mul3A_89 : i32
      %min3A = arith.constant 9872 : i32
      %min3A_91 = arith.minsi %mul3A_90, %min3A : i32
      "tpu.region"() ({
        %run_scoped3A = tpu.sem_alloc : memref<!tpu.dma_semaphore, #tpu.memory_space<semaphore_mem>>
        %dma_start3A_92 = arith.constant 0 : i32
        %dma_start3A_93 = tpu.memref_slice %arg8[%arg0, %min3A_91, %dma_start3A_92] : memref<2x10000x144xf32, #tpu.memory_space<hbm>> -> memref<1x128x144xf32, #tpu.memory_space<hbm>>
        %dma_start3A_94 = tpu.memref_squeeze %dma_start3A_93 : memref<1x128x144xf32, #tpu.memory_space<hbm>> -> memref<128x144xf32, #tpu.memory_space<hbm>>
        %dma_start3A_95 = arith.constant 0 : i32
        %dma_start3A_96 = tpu.memref_slice %arg9[%min3A_91, %dma_start3A_95] : memref<10001x144xf32, #tpu.memory_space<vmem_shared>> -> memref<128x144xf32, #tpu.memory_space<vmem_shared>>
        tpu.enqueue_dma source(%dma_start3A_96 : memref<128x144xf32, #tpu.memory_space<vmem_shared>>) target(%dma_start3A_94 : memref<128x144xf32, #tpu.memory_space<hbm>>) target_semaphore(%run_scoped3A : memref<!tpu.dma_semaphore, #tpu.memory_space<semaphore_mem>>)
        %dma_wait3A_97 = arith.constant 0 : i32
        %dma_wait3A_98 = tpu.memref_slice %arg8[%arg0, %min3A_91, %dma_wait3A_97] : memref<2x10000x144xf32, #tpu.memory_space<hbm>> -> memref<1x128x144xf32, #tpu.memory_space<hbm>>
        %dma_wait3A_99 = tpu.memref_squeeze %dma_wait3A_98 : memref<1x128x144xf32, #tpu.memory_space<hbm>> -> memref<128x144xf32, #tpu.memory_space<hbm>>
        %dma_wait3A_100 = arith.constant 0 : i32
        %dma_wait3A_101 = tpu.memref_slice %arg9[%min3A_91, %dma_wait3A_100] : memref<10001x144xf32, #tpu.memory_space<vmem_shared>> -> memref<128x144xf32, #tpu.memory_space<vmem_shared>>
        tpu.wait_dma2 semaphore(%run_scoped3A : memref<!tpu.dma_semaphore, #tpu.memory_space<semaphore_mem>>) src(%dma_wait3A_101 : memref<128x144xf32, #tpu.memory_space<vmem_shared>>) dst(%dma_wait3A_99 : memref<128x144xf32, #tpu.memory_space<hbm>>)
        tpu.yield
      }) : () -> ()
    } else {
    }
    %add3A_75 = arith.constant 48 : i32
    %add3A_76 = arith.addi %arg1, %add3A_75 : i32
    %lt3A_77 = arith.constant 79 : i32
    %lt3A_78 = arith.cmpi slt, %add3A_76, %lt3A_77 : i32
    %convert_element_type3A_79 = arith.extui %lt3A_78 : i1 to i32
    %cond3A_80 = arith.constant 0 : i32
    %cond3A_81 = arith.cmpi ne, %convert_element_type3A_79, %cond3A_80 : i32
    scf.if %cond3A_81 {
      %mul3A_89 = arith.constant 128 : i32
      %mul3A_90 = arith.muli %add3A_76, %mul3A_89 : i32
      %min3A = arith.constant 9872 : i32
      %min3A_91 = arith.minsi %mul3A_90, %min3A : i32
      "tpu.region"() ({
        %run_scoped3A = tpu.sem_alloc : memref<!tpu.dma_semaphore, #tpu.memory_space<semaphore_mem>>
        %dma_start3A_92 = arith.constant 0 : i32
        %dma_start3A_93 = tpu.memref_slice %arg8[%arg0, %min3A_91, %dma_start3A_92] : memref<2x10000x144xf32, #tpu.memory_space<hbm>> -> memref<1x128x144xf32, #tpu.memory_space<hbm>>
        %dma_start3A_94 = tpu.memref_squeeze %dma_start3A_93 : memref<1x128x144xf32, #tpu.memory_space<hbm>> -> memref<128x144xf32, #tpu.memory_space<hbm>>
        %dma_start3A_95 = arith.constant 0 : i32
        %dma_start3A_96 = tpu.memref_slice %arg9[%min3A_91, %dma_start3A_95] : memref<10001x144xf32, #tpu.memory_space<vmem_shared>> -> memref<128x144xf32, #tpu.memory_space<vmem_shared>>
        tpu.enqueue_dma source(%dma_start3A_96 : memref<128x144xf32, #tpu.memory_space<vmem_shared>>) target(%dma_start3A_94 : memref<128x144xf32, #tpu.memory_space<hbm>>) target_semaphore(%run_scoped3A : memref<!tpu.dma_semaphore, #tpu.memory_space<semaphore_mem>>)
        %dma_wait3A_97 = arith.constant 0 : i32
        %dma_wait3A_98 = tpu.memref_slice %arg8[%arg0, %min3A_91, %dma_wait3A_97] : memref<2x10000x144xf32, #tpu.memory_space<hbm>> -> memref<1x128x144xf32, #tpu.memory_space<hbm>>
        %dma_wait3A_99 = tpu.memref_squeeze %dma_wait3A_98 : memref<1x128x144xf32, #tpu.memory_space<hbm>> -> memref<128x144xf32, #tpu.memory_space<hbm>>
        %dma_wait3A_100 = arith.constant 0 : i32
        %dma_wait3A_101 = tpu.memref_slice %arg9[%min3A_91, %dma_wait3A_100] : memref<10001x144xf32, #tpu.memory_space<vmem_shared>> -> memref<128x144xf32, #tpu.memory_space<vmem_shared>>
        tpu.wait_dma2 semaphore(%run_scoped3A : memref<!tpu.dma_semaphore, #tpu.memory_space<semaphore_mem>>) src(%dma_wait3A_101 : memref<128x144xf32, #tpu.memory_space<vmem_shared>>) dst(%dma_wait3A_99 : memref<128x144xf32, #tpu.memory_space<hbm>>)
        tpu.yield
      }) : () -> ()
    } else {
    }
    %add3A_82 = arith.constant 64 : i32
    %add3A_83 = arith.addi %arg1, %add3A_82 : i32
    %lt3A_84 = arith.constant 79 : i32
    %lt3A_85 = arith.cmpi slt, %add3A_83, %lt3A_84 : i32
    %convert_element_type3A_86 = arith.extui %lt3A_85 : i1 to i32
    %cond3A_87 = arith.constant 0 : i32
    %cond3A_88 = arith.cmpi ne, %convert_element_type3A_86, %cond3A_87 : i32
    scf.if %cond3A_88 {
      %mul3A_89 = arith.constant 128 : i32
      %mul3A_90 = arith.muli %add3A_83, %mul3A_89 : i32
      %min3A = arith.constant 9872 : i32
      %min3A_91 = arith.minsi %mul3A_90, %min3A : i32
      "tpu.region"() ({
        %run_scoped3A = tpu.sem_alloc : memref<!tpu.dma_semaphore, #tpu.memory_space<semaphore_mem>>
        %dma_start3A_92 = arith.constant 0 : i32
        %dma_start3A_93 = tpu.memref_slice %arg8[%arg0, %min3A_91, %dma_start3A_92] : memref<2x10000x144xf32, #tpu.memory_space<hbm>> -> memref<1x128x144xf32, #tpu.memory_space<hbm>>
        %dma_start3A_94 = tpu.memref_squeeze %dma_start3A_93 : memref<1x128x144xf32, #tpu.memory_space<hbm>> -> memref<128x144xf32, #tpu.memory_space<hbm>>
        %dma_start3A_95 = arith.constant 0 : i32
        %dma_start3A_96 = tpu.memref_slice %arg9[%min3A_91, %dma_start3A_95] : memref<10001x144xf32, #tpu.memory_space<vmem_shared>> -> memref<128x144xf32, #tpu.memory_space<vmem_shared>>
        tpu.enqueue_dma source(%dma_start3A_96 : memref<128x144xf32, #tpu.memory_space<vmem_shared>>) target(%dma_start3A_94 : memref<128x144xf32, #tpu.memory_space<hbm>>) target_semaphore(%run_scoped3A : memref<!tpu.dma_semaphore, #tpu.memory_space<semaphore_mem>>)
        %dma_wait3A_97 = arith.constant 0 : i32
        %dma_wait3A_98 = tpu.memref_slice %arg8[%arg0, %min3A_91, %dma_wait3A_97] : memref<2x10000x144xf32, #tpu.memory_space<hbm>> -> memref<1x128x144xf32, #tpu.memory_space<hbm>>
        %dma_wait3A_99 = tpu.memref_squeeze %dma_wait3A_98 : memref<1x128x144xf32, #tpu.memory_space<hbm>> -> memref<128x144xf32, #tpu.memory_space<hbm>>
        %dma_wait3A_100 = arith.constant 0 : i32
        %dma_wait3A_101 = tpu.memref_slice %arg9[%min3A_91, %dma_wait3A_100] : memref<10001x144xf32, #tpu.memory_space<vmem_shared>> -> memref<128x144xf32, #tpu.memory_space<vmem_shared>>
        tpu.wait_dma2 semaphore(%run_scoped3A : memref<!tpu.dma_semaphore, #tpu.memory_space<semaphore_mem>>) src(%dma_wait3A_101 : memref<128x144xf32, #tpu.memory_space<vmem_shared>>) dst(%dma_wait3A_99 : memref<128x144xf32, #tpu.memory_space<hbm>>)
        tpu.yield
      }) : () -> ()
    } else {
    }
    return
  }
}

#map = affine_map<(d0, d1) -> (0, 0)>
#map1 = affine_map<(d0, d1) -> (0)>
#map2 = affine_map<(d0, d1) -> (0, 0, 0)>
module attributes {stable_mosaic.version = 14 : i64} {
  func.func @_edge_body(%arg0: i32, %arg1: i32, %arg2: memref<10000x144xf32, #tpu.memory_space<hbm>>, %arg3: memref<10001x16xf32, #tpu.memory_space<hbm>>, %arg4: memref<327808xi32, #tpu.memory_space<hbm>>, %arg5: memref<327808xi32, #tpu.memory_space<hbm>>, %arg6: memref<16xf32, #tpu.memory_space<hbm>>, %arg7: memref<128x144xf32, #tpu.memory_space<hbm>>, %arg8: memref<2x10000x144xf32, #tpu.memory_space<hbm>>, %arg9: memref<10001x144xf32, #tpu.memory_space<vmem_shared>>, %arg10: memref<128xi32, #tpu.memory_space<vmem>>, %arg11: memref<128xi32, #tpu.memory_space<vmem>>, %arg12: memref<128xi32, #tpu.memory_space<vmem>>, %arg13: memref<128xi32, #tpu.memory_space<vmem>>, %arg14: memref<128x144xf32, #tpu.memory_space<vmem>>, %arg15: memref<128x144xf32, #tpu.memory_space<vmem>>, %arg16: memref<128x16xf32, #tpu.memory_space<vmem>>, %arg17: memref<16xf32, #tpu.memory_space<vmem>>, %arg18: memref<!tpu.dma_semaphore, #tpu.memory_space<semaphore_mem>>, %arg19: memref<!tpu.dma_semaphore, #tpu.memory_space<semaphore_mem>>) attributes {dimension_semantics = [#tpu.dimension_semantics<core_parallel>, #tpu.dimension_semantics<subcore_parallel>], iteration_bounds = array<i64: 2, 16>, scalar_prefetch = 0 : i64, scratch_operands = 11 : i64, tpu.core_type = #tpu.core_type<sc_vector_subcore>, window_params = [{transform_indices = #map}, {transform_indices = #map}, {transform_indices = #map1}, {transform_indices = #map1}, {transform_indices = #map1}, {transform_indices = #map}, {transform_indices = #map2}]} {
    %mul3A = arith.constant 16 : i32
    %mul3A_0 = arith.muli %arg0, %mul3A : i32
    %add3A = arith.addi %mul3A_0, %arg1 : i32
    %iota3A = tpu.iota {dimensions = array<i32: 0>} : vector<16xi32>
    %lt3A = arith.constant 4 : i32
    %lt3A_1 = vector.broadcast %lt3A : i32 to vector<16xi32>
    %lt3A_2 = arith.cmpi slt, %iota3A, %lt3A_1 : vector<16xi32>
    %broadcast_in_dim3A = arith.constant 0.000000e+00 : f32
    %broadcast_in_dim3A_3 = vector.broadcast %broadcast_in_dim3A : f32 to vector<16xf32>
    %add3A_4 = arith.constant 0 : i32
    %add3A_5 = arith.addi %arg1, %add3A_4 : i32
    %lt3A_6 = arith.constant 79 : i32
    %lt3A_7 = arith.cmpi slt, %add3A_5, %lt3A_6 : i32
    %convert_element_type3A = arith.extui %lt3A_7 : i1 to i32
    %cond3A = arith.constant 0 : i32
    %cond3A_8 = arith.cmpi ne, %convert_element_type3A, %cond3A : i32
    scf.if %cond3A_8 {
      %mul3A_89 = arith.constant 128 : i32
      %mul3A_90 = arith.muli %add3A_5, %mul3A_89 : i32
      %min3A = arith.constant 9873 : i32
      %min3A_91 = arith.minsi %mul3A_90, %min3A : i32
      "tpu.region"() ({
        %run_scoped3A = tpu.sem_alloc : memref<!tpu.dma_semaphore, #tpu.memory_space<semaphore_mem>>
        %dma_start3A_92 = arith.constant 0 : i32
        %dma_start3A_93 = tpu.memref_slice %arg9[%min3A_91, %dma_start3A_92] : memref<10001x144xf32, #tpu.memory_space<vmem_shared>> -> memref<128x144xf32, #tpu.memory_space<vmem_shared>>
        tpu.enqueue_dma source(%arg7 : memref<128x144xf32, #tpu.memory_space<hbm>>) target(%dma_start3A_93 : memref<128x144xf32, #tpu.memory_space<vmem_shared>>) target_semaphore(%run_scoped3A : memref<!tpu.dma_semaphore, #tpu.memory_space<semaphore_mem>>)
        %dma_wait3A_94 = arith.constant 0 : i32
        %dma_wait3A_95 = tpu.memref_slice %arg9[%min3A_91, %dma_wait3A_94] : memref<10001x144xf32, #tpu.memory_space<vmem_shared>> -> memref<128x144xf32, #tpu.memory_space<vmem_shared>>
        tpu.wait_dma2 semaphore(%run_scoped3A : memref<!tpu.dma_semaphore, #tpu.memory_space<semaphore_mem>>) src(%arg7 : memref<128x144xf32, #tpu.memory_space<hbm>>) dst(%dma_wait3A_95 : memref<128x144xf32, #tpu.memory_space<vmem_shared>>)
        tpu.yield
      }) : () -> ()
    } else {
    }
    %add3A_9 = arith.constant 16 : i32
    %add3A_10 = arith.addi %arg1, %add3A_9 : i32
    %lt3A_11 = arith.constant 79 : i32
    %lt3A_12 = arith.cmpi slt, %add3A_10, %lt3A_11 : i32
    %convert_element_type3A_13 = arith.extui %lt3A_12 : i1 to i32
    %cond3A_14 = arith.constant 0 : i32
    %cond3A_15 = arith.cmpi ne, %convert_element_type3A_13, %cond3A_14 : i32
    scf.if %cond3A_15 {
      %mul3A_89 = arith.constant 128 : i32
      %mul3A_90 = arith.muli %add3A_10, %mul3A_89 : i32
      %min3A = arith.constant 9873 : i32
      %min3A_91 = arith.minsi %mul3A_90, %min3A : i32
      "tpu.region"() ({
        %run_scoped3A = tpu.sem_alloc : memref<!tpu.dma_semaphore, #tpu.memory_space<semaphore_mem>>
        %dma_start3A_92 = arith.constant 0 : i32
        %dma_start3A_93 = tpu.memref_slice %arg9[%min3A_91, %dma_start3A_92] : memref<10001x144xf32, #tpu.memory_space<vmem_shared>> -> memref<128x144xf32, #tpu.memory_space<vmem_shared>>
        tpu.enqueue_dma source(%arg7 : memref<128x144xf32, #tpu.memory_space<hbm>>) target(%dma_start3A_93 : memref<128x144xf32, #tpu.memory_space<vmem_shared>>) target_semaphore(%run_scoped3A : memref<!tpu.dma_semaphore, #tpu.memory_space<semaphore_mem>>)
        %dma_wait3A_94 = arith.constant 0 : i32
        %dma_wait3A_95 = tpu.memref_slice %arg9[%min3A_91, %dma_wait3A_94] : memref<10001x144xf32, #tpu.memory_space<vmem_shared>> -> memref<128x144xf32, #tpu.memory_space<vmem_shared>>
        tpu.wait_dma2 semaphore(%run_scoped3A : memref<!tpu.dma_semaphore, #tpu.memory_space<semaphore_mem>>) src(%arg7 : memref<128x144xf32, #tpu.memory_space<hbm>>) dst(%dma_wait3A_95 : memref<128x144xf32, #tpu.memory_space<vmem_shared>>)
        tpu.yield
      }) : () -> ()
    } else {
    }
    %add3A_16 = arith.constant 32 : i32
    %add3A_17 = arith.addi %arg1, %add3A_16 : i32
    %lt3A_18 = arith.constant 79 : i32
    %lt3A_19 = arith.cmpi slt, %add3A_17, %lt3A_18 : i32
    %convert_element_type3A_20 = arith.extui %lt3A_19 : i1 to i32
    %cond3A_21 = arith.constant 0 : i32
    %cond3A_22 = arith.cmpi ne, %convert_element_type3A_20, %cond3A_21 : i32
    scf.if %cond3A_22 {
      %mul3A_89 = arith.constant 128 : i32
      %mul3A_90 = arith.muli %add3A_17, %mul3A_89 : i32
      %min3A = arith.constant 9873 : i32
      %min3A_91 = arith.minsi %mul3A_90, %min3A : i32
      "tpu.region"() ({
        %run_scoped3A = tpu.sem_alloc : memref<!tpu.dma_semaphore, #tpu.memory_space<semaphore_mem>>
        %dma_start3A_92 = arith.constant 0 : i32
        %dma_start3A_93 = tpu.memref_slice %arg9[%min3A_91, %dma_start3A_92] : memref<10001x144xf32, #tpu.memory_space<vmem_shared>> -> memref<128x144xf32, #tpu.memory_space<vmem_shared>>
        tpu.enqueue_dma source(%arg7 : memref<128x144xf32, #tpu.memory_space<hbm>>) target(%dma_start3A_93 : memref<128x144xf32, #tpu.memory_space<vmem_shared>>) target_semaphore(%run_scoped3A : memref<!tpu.dma_semaphore, #tpu.memory_space<semaphore_mem>>)
        %dma_wait3A_94 = arith.constant 0 : i32
        %dma_wait3A_95 = tpu.memref_slice %arg9[%min3A_91, %dma_wait3A_94] : memref<10001x144xf32, #tpu.memory_space<vmem_shared>> -> memref<128x144xf32, #tpu.memory_space<vmem_shared>>
        tpu.wait_dma2 semaphore(%run_scoped3A : memref<!tpu.dma_semaphore, #tpu.memory_space<semaphore_mem>>) src(%arg7 : memref<128x144xf32, #tpu.memory_space<hbm>>) dst(%dma_wait3A_95 : memref<128x144xf32, #tpu.memory_space<vmem_shared>>)
        tpu.yield
      }) : () -> ()
    } else {
    }
    %add3A_23 = arith.constant 48 : i32
    %add3A_24 = arith.addi %arg1, %add3A_23 : i32
    %lt3A_25 = arith.constant 79 : i32
    %lt3A_26 = arith.cmpi slt, %add3A_24, %lt3A_25 : i32
    %convert_element_type3A_27 = arith.extui %lt3A_26 : i1 to i32
    %cond3A_28 = arith.constant 0 : i32
    %cond3A_29 = arith.cmpi ne, %convert_element_type3A_27, %cond3A_28 : i32
    scf.if %cond3A_29 {
      %mul3A_89 = arith.constant 128 : i32
      %mul3A_90 = arith.muli %add3A_24, %mul3A_89 : i32
      %min3A = arith.constant 9873 : i32
      %min3A_91 = arith.minsi %mul3A_90, %min3A : i32
      "tpu.region"() ({
        %run_scoped3A = tpu.sem_alloc : memref<!tpu.dma_semaphore, #tpu.memory_space<semaphore_mem>>
        %dma_start3A_92 = arith.constant 0 : i32
        %dma_start3A_93 = tpu.memref_slice %arg9[%min3A_91, %dma_start3A_92] : memref<10001x144xf32, #tpu.memory_space<vmem_shared>> -> memref<128x144xf32, #tpu.memory_space<vmem_shared>>
        tpu.enqueue_dma source(%arg7 : memref<128x144xf32, #tpu.memory_space<hbm>>) target(%dma_start3A_93 : memref<128x144xf32, #tpu.memory_space<vmem_shared>>) target_semaphore(%run_scoped3A : memref<!tpu.dma_semaphore, #tpu.memory_space<semaphore_mem>>)
        %dma_wait3A_94 = arith.constant 0 : i32
        %dma_wait3A_95 = tpu.memref_slice %arg9[%min3A_91, %dma_wait3A_94] : memref<10001x144xf32, #tpu.memory_space<vmem_shared>> -> memref<128x144xf32, #tpu.memory_space<vmem_shared>>
        tpu.wait_dma2 semaphore(%run_scoped3A : memref<!tpu.dma_semaphore, #tpu.memory_space<semaphore_mem>>) src(%arg7 : memref<128x144xf32, #tpu.memory_space<hbm>>) dst(%dma_wait3A_95 : memref<128x144xf32, #tpu.memory_space<vmem_shared>>)
        tpu.yield
      }) : () -> ()
    } else {
    }
    %add3A_30 = arith.constant 64 : i32
    %add3A_31 = arith.addi %arg1, %add3A_30 : i32
    %lt3A_32 = arith.constant 79 : i32
    %lt3A_33 = arith.cmpi slt, %add3A_31, %lt3A_32 : i32
    %convert_element_type3A_34 = arith.extui %lt3A_33 : i1 to i32
    %cond3A_35 = arith.constant 0 : i32
    %cond3A_36 = arith.cmpi ne, %convert_element_type3A_34, %cond3A_35 : i32
    scf.if %cond3A_36 {
      %mul3A_89 = arith.constant 128 : i32
      %mul3A_90 = arith.muli %add3A_31, %mul3A_89 : i32
      %min3A = arith.constant 9873 : i32
      %min3A_91 = arith.minsi %mul3A_90, %min3A : i32
      "tpu.region"() ({
        %run_scoped3A = tpu.sem_alloc : memref<!tpu.dma_semaphore, #tpu.memory_space<semaphore_mem>>
        %dma_start3A_92 = arith.constant 0 : i32
        %dma_start3A_93 = tpu.memref_slice %arg9[%min3A_91, %dma_start3A_92] : memref<10001x144xf32, #tpu.memory_space<vmem_shared>> -> memref<128x144xf32, #tpu.memory_space<vmem_shared>>
        tpu.enqueue_dma source(%arg7 : memref<128x144xf32, #tpu.memory_space<hbm>>) target(%dma_start3A_93 : memref<128x144xf32, #tpu.memory_space<vmem_shared>>) target_semaphore(%run_scoped3A : memref<!tpu.dma_semaphore, #tpu.memory_space<semaphore_mem>>)
        %dma_wait3A_94 = arith.constant 0 : i32
        %dma_wait3A_95 = tpu.memref_slice %arg9[%min3A_91, %dma_wait3A_94] : memref<10001x144xf32, #tpu.memory_space<vmem_shared>> -> memref<128x144xf32, #tpu.memory_space<vmem_shared>>
        tpu.wait_dma2 semaphore(%run_scoped3A : memref<!tpu.dma_semaphore, #tpu.memory_space<semaphore_mem>>) src(%arg7 : memref<128x144xf32, #tpu.memory_space<hbm>>) dst(%dma_wait3A_95 : memref<128x144xf32, #tpu.memory_space<vmem_shared>>)
        tpu.yield
      }) : () -> ()
    } else {
    }
    "tpu.region"() ({
      %run_scoped3A = tpu.sem_alloc : memref<!tpu.dma_semaphore, #tpu.memory_space<semaphore_mem>>
      tpu.enqueue_dma source(%arg6 : memref<16xf32, #tpu.memory_space<hbm>>) target(%arg17 : memref<16xf32, #tpu.memory_space<vmem>>) target_semaphore(%run_scoped3A : memref<!tpu.dma_semaphore, #tpu.memory_space<semaphore_mem>>)
      tpu.wait_dma2 semaphore(%run_scoped3A : memref<!tpu.dma_semaphore, #tpu.memory_space<semaphore_mem>>) src(%arg6 : memref<16xf32, #tpu.memory_space<hbm>>) dst(%arg17 : memref<16xf32, #tpu.memory_space<vmem>>)
      tpu.yield
    }) : () -> ()
    %barrier3A = arith.constant 0 : index
    tpu.barrier barrier_id(%barrier3A)
    %get3A = arith.constant 0 : index
    %get3A_37 = tpu.vector_load %arg17[%get3A] {strides = array<i32>} : memref<16xf32, #tpu.memory_space<vmem>>, vector<16xf32>,
    %get3A_38 = vector.shape_cast %get3A_37 : vector<16xf32> to vector<16xf32>
    %mul3A_39 = arith.constant 10240 : i32
    %mul3A_40 = arith.muli %add3A, %mul3A_39 : i32
    %add3A_41 = arith.constant 0 : i32
    %add3A_42 = arith.addi %mul3A_40, %add3A_41 : i32
    "tpu.region"() ({
      %run_scoped3A = tpu.sem_alloc : memref<!tpu.dma_semaphore, #tpu.memory_space<semaphore_mem>>
      %dma_start3A_89 = tpu.memref_slice %arg4[%add3A_42] : memref<327808xi32, #tpu.memory_space<hbm>> -> memref<128xi32, #tpu.memory_space<hbm>>
      %dma_start3A_90 = tpu.memref_slice %arg4[%add3A_42] : memref<327808xi32, #tpu.memory_space<hbm>> -> memref<128xi32, #tpu.memory_space<hbm>>
      tpu.enqueue_dma source(%dma_start3A_90 : memref<128xi32, #tpu.memory_space<hbm>>) target(%arg10 : memref<128xi32, #tpu.memory_space<vmem>>) target_semaphore(%run_scoped3A : memref<!tpu.dma_semaphore, #tpu.memory_space<semaphore_mem>>)
      %dma_wait3A_91 = tpu.memref_slice %arg4[%add3A_42] : memref<327808xi32, #tpu.memory_space<hbm>> -> memref<128xi32, #tpu.memory_space<hbm>>
      %dma_wait3A_92 = tpu.memref_slice %arg4[%add3A_42] : memref<327808xi32, #tpu.memory_space<hbm>> -> memref<128xi32, #tpu.memory_space<hbm>>
      tpu.wait_dma2 semaphore(%run_scoped3A : memref<!tpu.dma_semaphore, #tpu.memory_space<semaphore_mem>>) src(%dma_wait3A_92 : memref<128xi32, #tpu.memory_space<hbm>>) dst(%arg10 : memref<128xi32, #tpu.memory_space<vmem>>)
      tpu.yield
    }) : () -> ()
    "tpu.region"() ({
      %run_scoped3A = tpu.sem_alloc : memref<!tpu.dma_semaphore, #tpu.memory_space<semaphore_mem>>
      %dma_start3A_89 = tpu.memref_slice %arg5[%add3A_42] : memref<327808xi32, #tpu.memory_space<hbm>> -> memref<128xi32, #tpu.memory_space<hbm>>
      %dma_start3A_90 = tpu.memref_slice %arg5[%add3A_42] : memref<327808xi32, #tpu.memory_space<hbm>> -> memref<128xi32, #tpu.memory_space<hbm>>
      tpu.enqueue_dma source(%dma_start3A_90 : memref<128xi32, #tpu.memory_space<hbm>>) target(%arg12 : memref<128xi32, #tpu.memory_space<vmem>>) target_semaphore(%run_scoped3A : memref<!tpu.dma_semaphore, #tpu.memory_space<semaphore_mem>>)
      %dma_wait3A_91 = tpu.memref_slice %arg5[%add3A_42] : memref<327808xi32, #tpu.memory_space<hbm>> -> memref<128xi32, #tpu.memory_space<hbm>>
      %dma_wait3A_92 = tpu.memref_slice %arg5[%add3A_42] : memref<327808xi32, #tpu.memory_space<hbm>> -> memref<128xi32, #tpu.memory_space<hbm>>
      tpu.wait_dma2 semaphore(%run_scoped3A : memref<!tpu.dma_semaphore, #tpu.memory_space<semaphore_mem>>) src(%dma_wait3A_92 : memref<128xi32, #tpu.memory_space<hbm>>) dst(%arg12 : memref<128xi32, #tpu.memory_space<vmem>>)
      tpu.yield
    }) : () -> ()
    %dma_start3A = arith.constant 0 : i32
    %dma_start3A_43 = arith.constant 0 : i32
    %dma_start3A_44 = tpu.memref_slice %arg2[%dma_start3A, %dma_start3A_43] : memref<10000x144xf32, #tpu.memory_space<hbm>> -> memref<10000x144xf32, #tpu.memory_space<hbm>>
    tpu.enqueue_indirect_dma source(%dma_start3A_44 : memref<10000x144xf32, #tpu.memory_space<hbm>>) target(%arg14 : memref<128x144xf32, #tpu.memory_space<vmem>>) offsets(%arg10 : memref<128xi32, #tpu.memory_space<vmem>>) semaphore(%arg18 : memref<!tpu.dma_semaphore, #tpu.memory_space<semaphore_mem>>)
    %scan3A = arith.constant 0 : i32
    %scan3A_45 = arith.constant 0 : i32
    %scan3A_46 = arith.constant 40 : i32
    %scan3A_47 = arith.addi %scan3A_45, %scan3A_46 : i32
    %scan3A_48 = arith.constant 1 : i32
    %scan3A_49 = scf.for %scan3A_89 = %scan3A_45 to %scan3A_47 step %scan3A_48 iter_args(%scan3A_90 = %scan3A) -> (i32)  : i32 {
      %mul3A_91 = arith.constant 2 : i32
      %mul3A_92 = arith.muli %mul3A_91, %scan3A_89 : i32
      %add3A_93 = arith.constant 1 : i32
      %add3A_94 = arith.addi %mul3A_92, %add3A_93 : i32
      %mul3A_95 = arith.constant 10240 : i32
      %mul3A_96 = arith.muli %add3A, %mul3A_95 : i32
      %mul3A_97 = arith.constant 128 : i32
      %mul3A_98 = arith.muli %add3A_94, %mul3A_97 : i32
      %add3A_99 = arith.addi %mul3A_96, %mul3A_98 : i32
      "tpu.region"() ({
        %run_scoped3A = tpu.sem_alloc : memref<!tpu.dma_semaphore, #tpu.memory_space<semaphore_mem>>
        %dma_start3A_127 = tpu.memref_slice %arg4[%add3A_99] : memref<327808xi32, #tpu.memory_space<hbm>> -> memref<128xi32, #tpu.memory_space<hbm>>
        %dma_start3A_128 = tpu.memref_slice %arg4[%add3A_99] : memref<327808xi32, #tpu.memory_space<hbm>> -> memref<128xi32, #tpu.memory_space<hbm>>
        tpu.enqueue_dma source(%dma_start3A_128 : memref<128xi32, #tpu.memory_space<hbm>>) target(%arg11 : memref<128xi32, #tpu.memory_space<vmem>>) target_semaphore(%run_scoped3A : memref<!tpu.dma_semaphore, #tpu.memory_space<semaphore_mem>>)
        %dma_wait3A_129 = tpu.memref_slice %arg4[%add3A_99] : memref<327808xi32, #tpu.memory_space<hbm>> -> memref<128xi32, #tpu.memory_space<hbm>>
        %dma_wait3A_130 = tpu.memref_slice %arg4[%add3A_99] : memref<327808xi32, #tpu.memory_space<hbm>> -> memref<128xi32, #tpu.memory_space<hbm>>
        tpu.wait_dma2 semaphore(%run_scoped3A : memref<!tpu.dma_semaphore, #tpu.memory_space<semaphore_mem>>) src(%dma_wait3A_130 : memref<128xi32, #tpu.memory_space<hbm>>) dst(%arg11 : memref<128xi32, #tpu.memory_space<vmem>>)
        tpu.yield
      }) : () -> ()
      "tpu.region"() ({
        %run_scoped3A = tpu.sem_alloc : memref<!tpu.dma_semaphore, #tpu.memory_space<semaphore_mem>>
        %dma_start3A_127 = tpu.memref_slice %arg5[%add3A_99] : memref<327808xi32, #tpu.memory_space<hbm>> -> memref<128xi32, #tpu.memory_space<hbm>>
        %dma_start3A_128 = tpu.memref_slice %arg5[%add3A_99] : memref<327808xi32, #tpu.memory_space<hbm>> -> memref<128xi32, #tpu.memory_space<hbm>>
        tpu.enqueue_dma source(%dma_start3A_128 : memref<128xi32, #tpu.memory_space<hbm>>) target(%arg13 : memref<128xi32, #tpu.memory_space<vmem>>) target_semaphore(%run_scoped3A : memref<!tpu.dma_semaphore, #tpu.memory_space<semaphore_mem>>)
        %dma_wait3A_129 = tpu.memref_slice %arg5[%add3A_99] : memref<327808xi32, #tpu.memory_space<hbm>> -> memref<128xi32, #tpu.memory_space<hbm>>
        %dma_wait3A_130 = tpu.memref_slice %arg5[%add3A_99] : memref<327808xi32, #tpu.memory_space<hbm>> -> memref<128xi32, #tpu.memory_space<hbm>>
        tpu.wait_dma2 semaphore(%run_scoped3A : memref<!tpu.dma_semaphore, #tpu.memory_space<semaphore_mem>>) src(%dma_wait3A_130 : memref<128xi32, #tpu.memory_space<hbm>>) dst(%arg13 : memref<128xi32, #tpu.memory_space<vmem>>)
        tpu.yield
      }) : () -> ()
      %dma_start3A_100 = arith.constant 0 : i32
      %dma_start3A_101 = arith.constant 0 : i32
      %dma_start3A_102 = tpu.memref_slice %arg2[%dma_start3A_100, %dma_start3A_101] : memref<10000x144xf32, #tpu.memory_space<hbm>> -> memref<10000x144xf32, #tpu.memory_space<hbm>>
      tpu.enqueue_indirect_dma source(%dma_start3A_102 : memref<10000x144xf32, #tpu.memory_space<hbm>>) target(%arg15 : memref<128x144xf32, #tpu.memory_space<vmem>>) offsets(%arg11 : memref<128xi32, #tpu.memory_space<vmem>>) semaphore(%arg19 : memref<!tpu.dma_semaphore, #tpu.memory_space<semaphore_mem>>)
      "tpu.region"() ({
        %run_scoped3A = tpu.sem_alloc : memref<!tpu.dma_semaphore, #tpu.memory_space<semaphore_mem>>
        %dma_start3A_127 = arith.constant 0 : i32
        %dma_start3A_128 = arith.constant 0 : i32
        %dma_start3A_129 = tpu.memref_slice %arg3[%dma_start3A_127, %dma_start3A_128] : memref<10001x16xf32, #tpu.memory_space<hbm>> -> memref<10001x16xf32, #tpu.memory_space<hbm>>
        tpu.enqueue_indirect_dma source(%dma_start3A_129 : memref<10001x16xf32, #tpu.memory_space<hbm>>) target(%arg16 : memref<128x16xf32, #tpu.memory_space<vmem>>) offsets(%arg12 : memref<128xi32, #tpu.memory_space<vmem>>) semaphore(%run_scoped3A : memref<!tpu.dma_semaphore, #tpu.memory_space<semaphore_mem>>)
        %dma_wait3A_130 = arith.constant 0 : i32
        %dma_wait3A_131 = arith.constant 0 : i32
        %dma_wait3A_132 = tpu.memref_slice %arg3[%dma_wait3A_130, %dma_wait3A_131] : memref<10001x16xf32, #tpu.memory_space<hbm>> -> memref<10001x16xf32, #tpu.memory_space<hbm>>
        tpu.wait_indirect_dma semaphore(%run_scoped3A : memref<!tpu.dma_semaphore, #tpu.memory_space<semaphore_mem>>) src(%dma_wait3A_132 : memref<10001x16xf32, #tpu.memory_space<hbm>>) dst(%arg16 : memref<128x16xf32, #tpu.memory_space<vmem>>)
        tpu.yield
      }) : () -> ()
      %dma_wait3A_103 = arith.constant 0 : i32
      %dma_wait3A_104 = arith.constant 0 : i32
      %dma_wait3A_105 = tpu.memref_slice %arg2[%dma_wait3A_103, %dma_wait3A_104] : memref<10000x144xf32, #tpu.memory_space<hbm>> -> memref<10000x144xf32, #tpu.memory_space<hbm>>
      tpu.wait_indirect_dma semaphore(%arg18 : memref<!tpu.dma_semaphore, #tpu.memory_space<semaphore_mem>>) src(%dma_wait3A_105 : memref<10000x144xf32, #tpu.memory_space<hbm>>) dst(%arg14 : memref<128x144xf32, #tpu.memory_space<vmem>>)
      %parallel_loop3A = arith.constant 0 : i32
      %parallel_loop3A_106 = arith.constant 128 : i32
      %parallel_loop3A_107 = arith.constant 1 : i32
      scf.for %parallel_loop3A_127 = %parallel_loop3A to %parallel_loop3A_106 step %parallel_loop3A_107  : i32 {
        %parallel_loop3A_128 = arith.index_cast %parallel_loop3A_127 : i32 to index
        %parallel_loop3A_129 = arith.constant 128 : index
        %parallel_loop3A_130 = tpu.vector_load %arg14[%parallel_loop3A_128, %parallel_loop3A_129] {strides = array<i32>} : memref<128x144xf32, #tpu.memory_space<vmem>>, vector<1x16xf32>,
        %parallel_loop3A_131 = vector.shape_cast %parallel_loop3A_130 : vector<1x16xf32> to vector<16xf32>
        %parallel_loop3A_132 = arith.index_cast %parallel_loop3A_127 : i32 to index
        %parallel_loop3A_133 = arith.constant 0 : index
        %parallel_loop3A_134 = tpu.vector_load %arg16[%parallel_loop3A_132, %parallel_loop3A_133] {strides = array<i32>} : memref<128x16xf32, #tpu.memory_space<vmem>>, vector<1x16xf32>,
        %parallel_loop3A_135 = vector.shape_cast %parallel_loop3A_134 : vector<1x16xf32> to vector<16xf32>
        %parallel_loop3A_136 = arith.addf %parallel_loop3A_131, %parallel_loop3A_135 : vector<16xf32>
        %parallel_loop3A_137 = arith.constant 2.000000e-01 : f32
        %parallel_loop3A_138 = vector.broadcast %parallel_loop3A_137 : f32 to vector<16xf32>
        %parallel_loop3A_139 = arith.mulf %parallel_loop3A_138, %parallel_loop3A_136 : vector<16xf32>
        %parallel_loop3A_140 = arith.maximumf %parallel_loop3A_136, %parallel_loop3A_139 : vector<16xf32>
        %parallel_loop3A_141 = arith.addf %get3A_38, %parallel_loop3A_135 : vector<16xf32>
        %parallel_loop3A_142 = arith.constant 2.000000e-01 : f32
        %parallel_loop3A_143 = vector.broadcast %parallel_loop3A_142 : f32 to vector<16xf32>
        %parallel_loop3A_144 = arith.mulf %parallel_loop3A_143, %parallel_loop3A_141 : vector<16xf32>
        %parallel_loop3A_145 = arith.maximumf %parallel_loop3A_141, %parallel_loop3A_144 : vector<16xf32>
        %parallel_loop3A_146 = arith.subf %parallel_loop3A_140, %parallel_loop3A_145 : vector<16xf32>
        %parallel_loop3A_147 = math.exp %parallel_loop3A_146 : vector<16xf32>
        %parallel_loop3A_148 = arith.select %lt3A_2, %parallel_loop3A_147, %broadcast_in_dim3A_3 : vector<16xi1>, vector<16xf32>
        %parallel_loop3A_149 = arith.index_cast %parallel_loop3A_127 : i32 to index
        %parallel_loop3A_150 = arith.constant 128 : index
        %parallel_loop3A_151 = tpu.vector_load %arg14[%parallel_loop3A_149, %parallel_loop3A_150] {strides = array<i32>} : memref<128x144xf32, #tpu.memory_space<vmem>>, vector<1x16xf32>,
        %parallel_loop3A_152 = vector.shape_cast %parallel_loop3A_151 : vector<1x16xf32> to vector<16xf32>
        %parallel_loop3A_153 = vector.shape_cast %parallel_loop3A_148 : vector<16xf32> to vector<1x16xf32>
        tpu.vector_store %arg14[%parallel_loop3A_149, %parallel_loop3A_150], %parallel_loop3A_153 {strides = array<i32>} : memref<128x144xf32, #tpu.memory_space<vmem>>, vector<1x16xf32>,
        %parallel_loop3A_154 = arith.constant 0 : i32
        %parallel_loop3A_155 = vector.broadcast %parallel_loop3A_154 : i32 to vector<16xi32>
        %parallel_loop3A_156 = arith.constant 0 : i32
        %parallel_loop3A_157 = vector.broadcast %parallel_loop3A_156 : i32 to vector<16xi32>
        %parallel_loop3A_158 = arith.cmpi slt, %parallel_loop3A_155, %parallel_loop3A_157 : vector<16xi32>
        %parallel_loop3A_159 = arith.constant 16 : i32
        %parallel_loop3A_160 = vector.broadcast %parallel_loop3A_159 : i32 to vector<16xi32>
        %parallel_loop3A_161 = arith.addi %parallel_loop3A_155, %parallel_loop3A_160 : vector<16xi32>
        %parallel_loop3A_162 = arith.select %parallel_loop3A_158, %parallel_loop3A_161, %parallel_loop3A_155 : vector<16xi1>, vector<16xi32>
        %parallel_loop3A_163 = vector.shape_cast %parallel_loop3A_162 : vector<16xi32> to vector<16x1xi32>
        %parallel_loop3A_164 = vector.shape_cast %parallel_loop3A_163 : vector<16x1xi32> to vector<16xi32>
        %parallel_loop3A_165 = tpu.dynamic_gather %parallel_loop3A_148[%parallel_loop3A_164] in [0] : vector<16xf32>, vector<16xi32> -> vector<16xf32>
        %parallel_loop3A_166 = arith.index_cast %parallel_loop3A_127 : i32 to index
        %parallel_loop3A_167 = arith.constant 0 : index
        %parallel_loop3A_168 = tpu.vector_load %arg14[%parallel_loop3A_166, %parallel_loop3A_167] {strides = array<i32>} : memref<128x144xf32, #tpu.memory_space<vmem>>, vector<1x16xf32>,
        %parallel_loop3A_169 = vector.shape_cast %parallel_loop3A_168 : vector<1x16xf32> to vector<16xf32>
        %parallel_loop3A_170 = arith.mulf %parallel_loop3A_169, %parallel_loop3A_165 : vector<16xf32>
        %parallel_loop3A_171 = arith.index_cast %parallel_loop3A_127 : i32 to index
        %parallel_loop3A_172 = arith.constant 0 : index
        %parallel_loop3A_173 = tpu.vector_load %arg14[%parallel_loop3A_171, %parallel_loop3A_172] {strides = array<i32>} : memref<128x144xf32, #tpu.memory_space<vmem>>, vector<1x16xf32>,
        %parallel_loop3A_174 = vector.shape_cast %parallel_loop3A_173 : vector<1x16xf32> to vector<16xf32>
        %parallel_loop3A_175 = vector.shape_cast %parallel_loop3A_170 : vector<16xf32> to vector<1x16xf32>
        tpu.vector_store %arg14[%parallel_loop3A_171, %parallel_loop3A_172], %parallel_loop3A_175 {strides = array<i32>} : memref<128x144xf32, #tpu.memory_space<vmem>>, vector<1x16xf32>,
        %parallel_loop3A_176 = arith.index_cast %parallel_loop3A_127 : i32 to index
        %parallel_loop3A_177 = arith.constant 16 : index
        %parallel_loop3A_178 = tpu.vector_load %arg14[%parallel_loop3A_176, %parallel_loop3A_177] {strides = array<i32>} : memref<128x144xf32, #tpu.memory_space<vmem>>, vector<1x16xf32>,
        %parallel_loop3A_179 = vector.shape_cast %parallel_loop3A_178 : vector<1x16xf32> to vector<16xf32>
        %parallel_loop3A_180 = arith.mulf %parallel_loop3A_179, %parallel_loop3A_165 : vector<16xf32>
        %parallel_loop3A_181 = arith.index_cast %parallel_loop3A_127 : i32 to index
        %parallel_loop3A_182 = arith.constant 16 : index
        %parallel_loop3A_183 = tpu.vector_load %arg14[%parallel_loop3A_181, %parallel_loop3A_182] {strides = array<i32>} : memref<128x144xf32, #tpu.memory_space<vmem>>, vector<1x16xf32>,
        %parallel_loop3A_184 = vector.shape_cast %parallel_loop3A_183 : vector<1x16xf32> to vector<16xf32>
        %parallel_loop3A_185 = vector.shape_cast %parallel_loop3A_180 : vector<16xf32> to vector<1x16xf32>
        tpu.vector_store %arg14[%parallel_loop3A_181, %parallel_loop3A_182], %parallel_loop3A_185 {strides = array<i32>} : memref<128x144xf32, #tpu.memory_space<vmem>>, vector<1x16xf32>,
        %parallel_loop3A_186 = arith.constant 1 : i32
        %parallel_loop3A_187 = vector.broadcast %parallel_loop3A_186 : i32 to vector<16xi32>
        %parallel_loop3A_188 = arith.constant 0 : i32
        %parallel_loop3A_189 = vector.broadcast %parallel_loop3A_188 : i32 to vector<16xi32>
        %parallel_loop3A_190 = arith.cmpi slt, %parallel_loop3A_187, %parallel_loop3A_189 : vector<16xi32>
        %parallel_loop3A_191 = arith.constant 16 : i32
        %parallel_loop3A_192 = vector.broadcast %parallel_loop3A_191 : i32 to vector<16xi32>
        %parallel_loop3A_193 = arith.addi %parallel_loop3A_187, %parallel_loop3A_192 : vector<16xi32>
        %parallel_loop3A_194 = arith.select %parallel_loop3A_190, %parallel_loop3A_193, %parallel_loop3A_187 : vector<16xi1>, vector<16xi32>
        %parallel_loop3A_195 = vector.shape_cast %parallel_loop3A_194 : vector<16xi32> to vector<16x1xi32>
        %parallel_loop3A_196 = vector.shape_cast %parallel_loop3A_195 : vector<16x1xi32> to vector<16xi32>
        %parallel_loop3A_197 = tpu.dynamic_gather %parallel_loop3A_148[%parallel_loop3A_196] in [0] : vector<16xf32>, vector<16xi32> -> vector<16xf32>
        %parallel_loop3A_198 = arith.index_cast %parallel_loop3A_127 : i32 to index
        %parallel_loop3A_199 = arith.constant 32 : index
        %parallel_loop3A_200 = tpu.vector_load %arg14[%parallel_loop3A_198, %parallel_loop3A_199] {strides = array<i32>} : memref<128x144xf32, #tpu.memory_space<vmem>>, vector<1x16xf32>,
        %parallel_loop3A_201 = vector.shape_cast %parallel_loop3A_200 : vector<1x16xf32> to vector<16xf32>
        %parallel_loop3A_202 = arith.mulf %parallel_loop3A_201, %parallel_loop3A_197 : vector<16xf32>
        %parallel_loop3A_203 = arith.index_cast %parallel_loop3A_127 : i32 to index
        %parallel_loop3A_204 = arith.constant 32 : index
        %parallel_loop3A_205 = tpu.vector_load %arg14[%parallel_loop3A_203, %parallel_loop3A_204] {strides = array<i32>} : memref<128x144xf32, #tpu.memory_space<vmem>>, vector<1x16xf32>,
        %parallel_loop3A_206 = vector.shape_cast %parallel_loop3A_205 : vector<1x16xf32> to vector<16xf32>
        %parallel_loop3A_207 = vector.shape_cast %parallel_loop3A_202 : vector<16xf32> to vector<1x16xf32>
        tpu.vector_store %arg14[%parallel_loop3A_203, %parallel_loop3A_204], %parallel_loop3A_207 {strides = array<i32>} : memref<128x144xf32, #tpu.memory_space<vmem>>, vector<1x16xf32>,
        %parallel_loop3A_208 = arith.index_cast %parallel_loop3A_127 : i32 to index
        %parallel_loop3A_209 = arith.constant 48 : index
        %parallel_loop3A_210 = tpu.vector_load %arg14[%parallel_loop3A_208, %parallel_loop3A_209] {strides = array<i32>} : memref<128x144xf32, #tpu.memory_space<vmem>>, vector<1x16xf32>,
        %parallel_loop3A_211 = vector.shape_cast %parallel_loop3A_210 : vector<1x16xf32> to vector<16xf32>
        %parallel_loop3A_212 = arith.mulf %parallel_loop3A_211, %parallel_loop3A_197 : vector<16xf32>
        %parallel_loop3A_213 = arith.index_cast %parallel_loop3A_127 : i32 to index
        %parallel_loop3A_214 = arith.constant 48 : index
        %parallel_loop3A_215 = tpu.vector_load %arg14[%parallel_loop3A_213, %parallel_loop3A_214] {strides = array<i32>} : memref<128x144xf32, #tpu.memory_space<vmem>>, vector<1x16xf32>,
        %parallel_loop3A_216 = vector.shape_cast %parallel_loop3A_215 : vector<1x16xf32> to vector<16xf32>
        %parallel_loop3A_217 = vector.shape_cast %parallel_loop3A_212 : vector<16xf32> to vector<1x16xf32>
        tpu.vector_store %arg14[%parallel_loop3A_213, %parallel_loop3A_214], %parallel_loop3A_217 {strides = array<i32>} : memref<128x144xf32, #tpu.memory_space<vmem>>, vector<1x16xf32>,
        %parallel_loop3A_218 = arith.constant 2 : i32
        %parallel_loop3A_219 = vector.broadcast %parallel_loop3A_218 : i32 to vector<16xi32>
        %parallel_loop3A_220 = arith.constant 0 : i32
        %parallel_loop3A_221 = vector.broadcast %parallel_loop3A_220 : i32 to vector<16xi32>
        %parallel_loop3A_222 = arith.cmpi slt, %parallel_loop3A_219, %parallel_loop3A_221 : vector<16xi32>
        %parallel_loop3A_223 = arith.constant 16 : i32
        %parallel_loop3A_224 = vector.broadcast %parallel_loop3A_223 : i32 to vector<16xi32>
        %parallel_loop3A_225 = arith.addi %parallel_loop3A_219, %parallel_loop3A_224 : vector<16xi32>
        %parallel_loop3A_226 = arith.select %parallel_loop3A_222, %parallel_loop3A_225, %parallel_loop3A_219 : vector<16xi1>, vector<16xi32>
        %parallel_loop3A_227 = vector.shape_cast %parallel_loop3A_226 : vector<16xi32> to vector<16x1xi32>
        %parallel_loop3A_228 = vector.shape_cast %parallel_loop3A_227 : vector<16x1xi32> to vector<16xi32>
        %parallel_loop3A_229 = tpu.dynamic_gather %parallel_loop3A_148[%parallel_loop3A_228] in [0] : vector<16xf32>, vector<16xi32> -> vector<16xf32>
        %parallel_loop3A_230 = arith.index_cast %parallel_loop3A_127 : i32 to index
        %parallel_loop3A_231 = arith.constant 64 : index
        %parallel_loop3A_232 = tpu.vector_load %arg14[%parallel_loop3A_230, %parallel_loop3A_231] {strides = array<i32>} : memref<128x144xf32, #tpu.memory_space<vmem>>, vector<1x16xf32>,
        %parallel_loop3A_233 = vector.shape_cast %parallel_loop3A_232 : vector<1x16xf32> to vector<16xf32>
        %parallel_loop3A_234 = arith.mulf %parallel_loop3A_233, %parallel_loop3A_229 : vector<16xf32>
        %parallel_loop3A_235 = arith.index_cast %parallel_loop3A_127 : i32 to index
        %parallel_loop3A_236 = arith.constant 64 : index
        %parallel_loop3A_237 = tpu.vector_load %arg14[%parallel_loop3A_235, %parallel_loop3A_236] {strides = array<i32>} : memref<128x144xf32, #tpu.memory_space<vmem>>, vector<1x16xf32>,
        %parallel_loop3A_238 = vector.shape_cast %parallel_loop3A_237 : vector<1x16xf32> to vector<16xf32>
        %parallel_loop3A_239 = vector.shape_cast %parallel_loop3A_234 : vector<16xf32> to vector<1x16xf32>
        tpu.vector_store %arg14[%parallel_loop3A_235, %parallel_loop3A_236], %parallel_loop3A_239 {strides = array<i32>} : memref<128x144xf32, #tpu.memory_space<vmem>>, vector<1x16xf32>,
        %parallel_loop3A_240 = arith.index_cast %parallel_loop3A_127 : i32 to index
        %parallel_loop3A_241 = arith.constant 80 : index
        %parallel_loop3A_242 = tpu.vector_load %arg14[%parallel_loop3A_240, %parallel_loop3A_241] {strides = array<i32>} : memref<128x144xf32, #tpu.memory_space<vmem>>, vector<1x16xf32>,
        %parallel_loop3A_243 = vector.shape_cast %parallel_loop3A_242 : vector<1x16xf32> to vector<16xf32>
        %parallel_loop3A_244 = arith.mulf %parallel_loop3A_243, %parallel_loop3A_229 : vector<16xf32>
        %parallel_loop3A_245 = arith.index_cast %parallel_loop3A_127 : i32 to index
        %parallel_loop3A_246 = arith.constant 80 : index
        %parallel_loop3A_247 = tpu.vector_load %arg14[%parallel_loop3A_245, %parallel_loop3A_246] {strides = array<i32>} : memref<128x144xf32, #tpu.memory_space<vmem>>, vector<1x16xf32>,
        %parallel_loop3A_248 = vector.shape_cast %parallel_loop3A_247 : vector<1x16xf32> to vector<16xf32>
        %parallel_loop3A_249 = vector.shape_cast %parallel_loop3A_244 : vector<16xf32> to vector<1x16xf32>
        tpu.vector_store %arg14[%parallel_loop3A_245, %parallel_loop3A_246], %parallel_loop3A_249 {strides = array<i32>} : memref<128x144xf32, #tpu.memory_space<vmem>>, vector<1x16xf32>,
        %parallel_loop3A_250 = arith.constant 3 : i32
        %parallel_loop3A_251 = vector.broadcast %parallel_loop3A_250 : i32 to vector<16xi32>
        %parallel_loop3A_252 = arith.constant 0 : i32
        %parallel_loop3A_253 = vector.broadcast %parallel_loop3A_252 : i32 to vector<16xi32>
        %parallel_loop3A_254 = arith.cmpi slt, %parallel_loop3A_251, %parallel_loop3A_253 : vector<16xi32>
        %parallel_loop3A_255 = arith.constant 16 : i32
        %parallel_loop3A_256 = vector.broadcast %parallel_loop3A_255 : i32 to vector<16xi32>
        %parallel_loop3A_257 = arith.addi %parallel_loop3A_251, %parallel_loop3A_256 : vector<16xi32>
        %parallel_loop3A_258 = arith.select %parallel_loop3A_254, %parallel_loop3A_257, %parallel_loop3A_251 : vector<16xi1>, vector<16xi32>
        %parallel_loop3A_259 = vector.shape_cast %parallel_loop3A_258 : vector<16xi32> to vector<16x1xi32>
        %parallel_loop3A_260 = vector.shape_cast %parallel_loop3A_259 : vector<16x1xi32> to vector<16xi32>
        %parallel_loop3A_261 = tpu.dynamic_gather %parallel_loop3A_148[%parallel_loop3A_260] in [0] : vector<16xf32>, vector<16xi32> -> vector<16xf32>
        %parallel_loop3A_262 = arith.index_cast %parallel_loop3A_127 : i32 to index
        %parallel_loop3A_263 = arith.constant 96 : index
        %parallel_loop3A_264 = tpu.vector_load %arg14[%parallel_loop3A_262, %parallel_loop3A_263] {strides = array<i32>} : memref<128x144xf32, #tpu.memory_space<vmem>>, vector<1x16xf32>,
        %parallel_loop3A_265 = vector.shape_cast %parallel_loop3A_264 : vector<1x16xf32> to vector<16xf32>
        %parallel_loop3A_266 = arith.mulf %parallel_loop3A_265, %parallel_loop3A_261 : vector<16xf32>
        %parallel_loop3A_267 = arith.index_cast %parallel_loop3A_127 : i32 to index
        %parallel_loop3A_268 = arith.constant 96 : index
        %parallel_loop3A_269 = tpu.vector_load %arg14[%parallel_loop3A_267, %parallel_loop3A_268] {strides = array<i32>} : memref<128x144xf32, #tpu.memory_space<vmem>>, vector<1x16xf32>,
        %parallel_loop3A_270 = vector.shape_cast %parallel_loop3A_269 : vector<1x16xf32> to vector<16xf32>
        %parallel_loop3A_271 = vector.shape_cast %parallel_loop3A_266 : vector<16xf32> to vector<1x16xf32>
        tpu.vector_store %arg14[%parallel_loop3A_267, %parallel_loop3A_268], %parallel_loop3A_271 {strides = array<i32>} : memref<128x144xf32, #tpu.memory_space<vmem>>, vector<1x16xf32>,
        %parallel_loop3A_272 = arith.index_cast %parallel_loop3A_127 : i32 to index
        %parallel_loop3A_273 = arith.constant 112 : index
        %parallel_loop3A_274 = tpu.vector_load %arg14[%parallel_loop3A_272, %parallel_loop3A_273] {strides = array<i32>} : memref<128x144xf32, #tpu.memory_space<vmem>>, vector<1x16xf32>,
        %parallel_loop3A_275 = vector.shape_cast %parallel_loop3A_274 : vector<1x16xf32> to vector<16xf32>
        %parallel_loop3A_276 = arith.mulf %parallel_loop3A_275, %parallel_loop3A_261 : vector<16xf32>
        %parallel_loop3A_277 = arith.index_cast %parallel_loop3A_127 : i32 to index
        %parallel_loop3A_278 = arith.constant 112 : index
        %parallel_loop3A_279 = tpu.vector_load %arg14[%parallel_loop3A_277, %parallel_loop3A_278] {strides = array<i32>} : memref<128x144xf32, #tpu.memory_space<vmem>>, vector<1x16xf32>,
        %parallel_loop3A_280 = vector.shape_cast %parallel_loop3A_279 : vector<1x16xf32> to vector<16xf32>
        %parallel_loop3A_281 = vector.shape_cast %parallel_loop3A_276 : vector<16xf32> to vector<1x16xf32>
        tpu.vector_store %arg14[%parallel_loop3A_277, %parallel_loop3A_278], %parallel_loop3A_281 {strides = array<i32>} : memref<128x144xf32, #tpu.memory_space<vmem>>, vector<1x16xf32>,
      } {sc.loop_unroll_factor = 4 : i64, sc.parallel_access}
      "tpu.region"() ({
        %run_scoped3A = tpu.sem_alloc : memref<!tpu.dma_semaphore, #tpu.memory_space<semaphore_mem>>
        %dma_start3A_127 = arith.constant 0 : i32
        %dma_start3A_128 = arith.constant 0 : i32
        %dma_start3A_129 = tpu.memref_slice %arg9[%dma_start3A_127, %dma_start3A_128] : memref<10001x144xf32, #tpu.memory_space<vmem_shared>> -> memref<10001x144xf32, #tpu.memory_space<vmem_shared>>
        tpu.enqueue_indirect_dma source(%arg14 : memref<128x144xf32, #tpu.memory_space<vmem>>) target(%dma_start3A_129 : memref<10001x144xf32, #tpu.memory_space<vmem_shared>>) offsets(%arg12 : memref<128xi32, #tpu.memory_space<vmem>>) semaphore(%run_scoped3A : memref<!tpu.dma_semaphore, #tpu.memory_space<semaphore_mem>>) {add = true}
        %dma_wait3A_130 = arith.constant 0 : i32
        %dma_wait3A_131 = arith.constant 0 : i32
        %dma_wait3A_132 = tpu.memref_slice %arg9[%dma_wait3A_130, %dma_wait3A_131] : memref<10001x144xf32, #tpu.memory_space<vmem_shared>> -> memref<10001x144xf32, #tpu.memory_space<vmem_shared>>
        tpu.wait_indirect_dma semaphore(%run_scoped3A : memref<!tpu.dma_semaphore, #tpu.memory_space<semaphore_mem>>) src(%arg14 : memref<128x144xf32, #tpu.memory_space<vmem>>) dst(%dma_wait3A_132 : memref<10001x144xf32, #tpu.memory_space<vmem_shared>>)
        tpu.yield
      }) : () -> ()
      %mul3A_108 = arith.constant 2 : i32
      %mul3A_109 = arith.muli %mul3A_108, %scan3A_89 : i32
      %add3A_110 = arith.constant 2 : i32
      %add3A_111 = arith.addi %mul3A_109, %add3A_110 : i32
      %mul3A_112 = arith.constant 10240 : i32
      %mul3A_113 = arith.muli %add3A, %mul3A_112 : i32
      %mul3A_114 = arith.constant 128 : i32
      %mul3A_115 = arith.muli %add3A_111, %mul3A_114 : i32
      %add3A_116 = arith.addi %mul3A_113, %mul3A_115 : i32
      "tpu.region"() ({
        %run_scoped3A = tpu.sem_alloc : memref<!tpu.dma_semaphore, #tpu.memory_space<semaphore_mem>>
        %dma_start3A_127 = tpu.memref_slice %arg4[%add3A_116] : memref<327808xi32, #tpu.memory_space<hbm>> -> memref<128xi32, #tpu.memory_space<hbm>>
        %dma_start3A_128 = tpu.memref_slice %arg4[%add3A_116] : memref<327808xi32, #tpu.memory_space<hbm>> -> memref<128xi32, #tpu.memory_space<hbm>>
        tpu.enqueue_dma source(%dma_start3A_128 : memref<128xi32, #tpu.memory_space<hbm>>) target(%arg10 : memref<128xi32, #tpu.memory_space<vmem>>) target_semaphore(%run_scoped3A : memref<!tpu.dma_semaphore, #tpu.memory_space<semaphore_mem>>)
        %dma_wait3A_129 = tpu.memref_slice %arg4[%add3A_116] : memref<327808xi32, #tpu.memory_space<hbm>> -> memref<128xi32, #tpu.memory_space<hbm>>
        %dma_wait3A_130 = tpu.memref_slice %arg4[%add3A_116] : memref<327808xi32, #tpu.memory_space<hbm>> -> memref<128xi32, #tpu.memory_space<hbm>>
        tpu.wait_dma2 semaphore(%run_scoped3A : memref<!tpu.dma_semaphore, #tpu.memory_space<semaphore_mem>>) src(%dma_wait3A_130 : memref<128xi32, #tpu.memory_space<hbm>>) dst(%arg10 : memref<128xi32, #tpu.memory_space<vmem>>)
        tpu.yield
      }) : () -> ()
      "tpu.region"() ({
        %run_scoped3A = tpu.sem_alloc : memref<!tpu.dma_semaphore, #tpu.memory_space<semaphore_mem>>
        %dma_start3A_127 = tpu.memref_slice %arg5[%add3A_116] : memref<327808xi32, #tpu.memory_space<hbm>> -> memref<128xi32, #tpu.memory_space<hbm>>
        %dma_start3A_128 = tpu.memref_slice %arg5[%add3A_116] : memref<327808xi32, #tpu.memory_space<hbm>> -> memref<128xi32, #tpu.memory_space<hbm>>
        tpu.enqueue_dma source(%dma_start3A_128 : memref<128xi32, #tpu.memory_space<hbm>>) target(%arg12 : memref<128xi32, #tpu.memory_space<vmem>>) target_semaphore(%run_scoped3A : memref<!tpu.dma_semaphore, #tpu.memory_space<semaphore_mem>>)
        %dma_wait3A_129 = tpu.memref_slice %arg5[%add3A_116] : memref<327808xi32, #tpu.memory_space<hbm>> -> memref<128xi32, #tpu.memory_space<hbm>>
        %dma_wait3A_130 = tpu.memref_slice %arg5[%add3A_116] : memref<327808xi32, #tpu.memory_space<hbm>> -> memref<128xi32, #tpu.memory_space<hbm>>
        tpu.wait_dma2 semaphore(%run_scoped3A : memref<!tpu.dma_semaphore, #tpu.memory_space<semaphore_mem>>) src(%dma_wait3A_130 : memref<128xi32, #tpu.memory_space<hbm>>) dst(%arg12 : memref<128xi32, #tpu.memory_space<vmem>>)
        tpu.yield
      }) : () -> ()
      %dma_start3A_117 = arith.constant 0 : i32
      %dma_start3A_118 = arith.constant 0 : i32
      %dma_start3A_119 = tpu.memref_slice %arg2[%dma_start3A_117, %dma_start3A_118] : memref<10000x144xf32, #tpu.memory_space<hbm>> -> memref<10000x144xf32, #tpu.memory_space<hbm>>
      tpu.enqueue_indirect_dma source(%dma_start3A_119 : memref<10000x144xf32, #tpu.memory_space<hbm>>) target(%arg14 : memref<128x144xf32, #tpu.memory_space<vmem>>) offsets(%arg10 : memref<128xi32, #tpu.memory_space<vmem>>) semaphore(%arg18 : memref<!tpu.dma_semaphore, #tpu.memory_space<semaphore_mem>>)
      "tpu.region"() ({
        %run_scoped3A = tpu.sem_alloc : memref<!tpu.dma_semaphore, #tpu.memory_space<semaphore_mem>>
        %dma_start3A_127 = arith.constant 0 : i32
        %dma_start3A_128 = arith.constant 0 : i32
        %dma_start3A_129 = tpu.memref_slice %arg3[%dma_start3A_127, %dma_start3A_128] : memref<10001x16xf32, #tpu.memory_space<hbm>> -> memref<10001x16xf32, #tpu.memory_space<hbm>>
        tpu.enqueue_indirect_dma source(%dma_start3A_129 : memref<10001x16xf32, #tpu.memory_space<hbm>>) target(%arg16 : memref<128x16xf32, #tpu.memory_space<vmem>>) offsets(%arg13 : memref<128xi32, #tpu.memory_space<vmem>>) semaphore(%run_scoped3A : memref<!tpu.dma_semaphore, #tpu.memory_space<semaphore_mem>>)
        %dma_wait3A_130 = arith.constant 0 : i32
        %dma_wait3A_131 = arith.constant 0 : i32
        %dma_wait3A_132 = tpu.memref_slice %arg3[%dma_wait3A_130, %dma_wait3A_131] : memref<10001x16xf32, #tpu.memory_space<hbm>> -> memref<10001x16xf32, #tpu.memory_space<hbm>>
        tpu.wait_indirect_dma semaphore(%run_scoped3A : memref<!tpu.dma_semaphore, #tpu.memory_space<semaphore_mem>>) src(%dma_wait3A_132 : memref<10001x16xf32, #tpu.memory_space<hbm>>) dst(%arg16 : memref<128x16xf32, #tpu.memory_space<vmem>>)
        tpu.yield
      }) : () -> ()
      %dma_wait3A_120 = arith.constant 0 : i32
      %dma_wait3A_121 = arith.constant 0 : i32
      %dma_wait3A_122 = tpu.memref_slice %arg2[%dma_wait3A_120, %dma_wait3A_121] : memref<10000x144xf32, #tpu.memory_space<hbm>> -> memref<10000x144xf32, #tpu.memory_space<hbm>>
      tpu.wait_indirect_dma semaphore(%arg19 : memref<!tpu.dma_semaphore, #tpu.memory_space<semaphore_mem>>) src(%dma_wait3A_122 : memref<10000x144xf32, #tpu.memory_space<hbm>>) dst(%arg15 : memref<128x144xf32, #tpu.memory_space<vmem>>)
      %parallel_loop3A_123 = arith.constant 0 : i32
      %parallel_loop3A_124 = arith.constant 128 : i32
      %parallel_loop3A_125 = arith.constant 1 : i32
      scf.for %parallel_loop3A_127 = %parallel_loop3A_123 to %parallel_loop3A_124 step %parallel_loop3A_125  : i32 {
        %parallel_loop3A_128 = arith.index_cast %parallel_loop3A_127 : i32 to index
        %parallel_loop3A_129 = arith.constant 128 : index
        %parallel_loop3A_130 = tpu.vector_load %arg15[%parallel_loop3A_128, %parallel_loop3A_129] {strides = array<i32>} : memref<128x144xf32, #tpu.memory_space<vmem>>, vector<1x16xf32>,
        %parallel_loop3A_131 = vector.shape_cast %parallel_loop3A_130 : vector<1x16xf32> to vector<16xf32>
        %parallel_loop3A_132 = arith.index_cast %parallel_loop3A_127 : i32 to index
        %parallel_loop3A_133 = arith.constant 0 : index
        %parallel_loop3A_134 = tpu.vector_load %arg16[%parallel_loop3A_132, %parallel_loop3A_133] {strides = array<i32>} : memref<128x16xf32, #tpu.memory_space<vmem>>, vector<1x16xf32>,
        %parallel_loop3A_135 = vector.shape_cast %parallel_loop3A_134 : vector<1x16xf32> to vector<16xf32>
        %parallel_loop3A_136 = arith.addf %parallel_loop3A_131, %parallel_loop3A_135 : vector<16xf32>
        %parallel_loop3A_137 = arith.constant 2.000000e-01 : f32
        %parallel_loop3A_138 = vector.broadcast %parallel_loop3A_137 : f32 to vector<16xf32>
        %parallel_loop3A_139 = arith.mulf %parallel_loop3A_138, %parallel_loop3A_136 : vector<16xf32>
        %parallel_loop3A_140 = arith.maximumf %parallel_loop3A_136, %parallel_loop3A_139 : vector<16xf32>
        %parallel_loop3A_141 = arith.addf %get3A_38, %parallel_loop3A_135 : vector<16xf32>
        %parallel_loop3A_142 = arith.constant 2.000000e-01 : f32
        %parallel_loop3A_143 = vector.broadcast %parallel_loop3A_142 : f32 to vector<16xf32>
        %parallel_loop3A_144 = arith.mulf %parallel_loop3A_143, %parallel_loop3A_141 : vector<16xf32>
        %parallel_loop3A_145 = arith.maximumf %parallel_loop3A_141, %parallel_loop3A_144 : vector<16xf32>
        %parallel_loop3A_146 = arith.subf %parallel_loop3A_140, %parallel_loop3A_145 : vector<16xf32>
        %parallel_loop3A_147 = math.exp %parallel_loop3A_146 : vector<16xf32>
        %parallel_loop3A_148 = arith.select %lt3A_2, %parallel_loop3A_147, %broadcast_in_dim3A_3 : vector<16xi1>, vector<16xf32>
        %parallel_loop3A_149 = arith.index_cast %parallel_loop3A_127 : i32 to index
        %parallel_loop3A_150 = arith.constant 128 : index
        %parallel_loop3A_151 = tpu.vector_load %arg15[%parallel_loop3A_149, %parallel_loop3A_150] {strides = array<i32>} : memref<128x144xf32, #tpu.memory_space<vmem>>, vector<1x16xf32>,
        %parallel_loop3A_152 = vector.shape_cast %parallel_loop3A_151 : vector<1x16xf32> to vector<16xf32>
        %parallel_loop3A_153 = vector.shape_cast %parallel_loop3A_148 : vector<16xf32> to vector<1x16xf32>
        tpu.vector_store %arg15[%parallel_loop3A_149, %parallel_loop3A_150], %parallel_loop3A_153 {strides = array<i32>} : memref<128x144xf32, #tpu.memory_space<vmem>>, vector<1x16xf32>,
        %parallel_loop3A_154 = arith.constant 0 : i32
        %parallel_loop3A_155 = vector.broadcast %parallel_loop3A_154 : i32 to vector<16xi32>
        %parallel_loop3A_156 = arith.constant 0 : i32
        %parallel_loop3A_157 = vector.broadcast %parallel_loop3A_156 : i32 to vector<16xi32>
        %parallel_loop3A_158 = arith.cmpi slt, %parallel_loop3A_155, %parallel_loop3A_157 : vector<16xi32>
        %parallel_loop3A_159 = arith.constant 16 : i32
        %parallel_loop3A_160 = vector.broadcast %parallel_loop3A_159 : i32 to vector<16xi32>
        %parallel_loop3A_161 = arith.addi %parallel_loop3A_155, %parallel_loop3A_160 : vector<16xi32>
        %parallel_loop3A_162 = arith.select %parallel_loop3A_158, %parallel_loop3A_161, %parallel_loop3A_155 : vector<16xi1>, vector<16xi32>
        %parallel_loop3A_163 = vector.shape_cast %parallel_loop3A_162 : vector<16xi32> to vector<16x1xi32>
        %parallel_loop3A_164 = vector.shape_cast %parallel_loop3A_163 : vector<16x1xi32> to vector<16xi32>
        %parallel_loop3A_165 = tpu.dynamic_gather %parallel_loop3A_148[%parallel_loop3A_164] in [0] : vector<16xf32>, vector<16xi32> -> vector<16xf32>
        %parallel_loop3A_166 = arith.index_cast %parallel_loop3A_127 : i32 to index
        %parallel_loop3A_167 = arith.constant 0 : index
        %parallel_loop3A_168 = tpu.vector_load %arg15[%parallel_loop3A_166, %parallel_loop3A_167] {strides = array<i32>} : memref<128x144xf32, #tpu.memory_space<vmem>>, vector<1x16xf32>,
        %parallel_loop3A_169 = vector.shape_cast %parallel_loop3A_168 : vector<1x16xf32> to vector<16xf32>
        %parallel_loop3A_170 = arith.mulf %parallel_loop3A_169, %parallel_loop3A_165 : vector<16xf32>
        %parallel_loop3A_171 = arith.index_cast %parallel_loop3A_127 : i32 to index
        %parallel_loop3A_172 = arith.constant 0 : index
        %parallel_loop3A_173 = tpu.vector_load %arg15[%parallel_loop3A_171, %parallel_loop3A_172] {strides = array<i32>} : memref<128x144xf32, #tpu.memory_space<vmem>>, vector<1x16xf32>,
        %parallel_loop3A_174 = vector.shape_cast %parallel_loop3A_173 : vector<1x16xf32> to vector<16xf32>
        %parallel_loop3A_175 = vector.shape_cast %parallel_loop3A_170 : vector<16xf32> to vector<1x16xf32>
        tpu.vector_store %arg15[%parallel_loop3A_171, %parallel_loop3A_172], %parallel_loop3A_175 {strides = array<i32>} : memref<128x144xf32, #tpu.memory_space<vmem>>, vector<1x16xf32>,
        %parallel_loop3A_176 = arith.index_cast %parallel_loop3A_127 : i32 to index
        %parallel_loop3A_177 = arith.constant 16 : index
        %parallel_loop3A_178 = tpu.vector_load %arg15[%parallel_loop3A_176, %parallel_loop3A_177] {strides = array<i32>} : memref<128x144xf32, #tpu.memory_space<vmem>>, vector<1x16xf32>,
        %parallel_loop3A_179 = vector.shape_cast %parallel_loop3A_178 : vector<1x16xf32> to vector<16xf32>
        %parallel_loop3A_180 = arith.mulf %parallel_loop3A_179, %parallel_loop3A_165 : vector<16xf32>
        %parallel_loop3A_181 = arith.index_cast %parallel_loop3A_127 : i32 to index
        %parallel_loop3A_182 = arith.constant 16 : index
        %parallel_loop3A_183 = tpu.vector_load %arg15[%parallel_loop3A_181, %parallel_loop3A_182] {strides = array<i32>} : memref<128x144xf32, #tpu.memory_space<vmem>>, vector<1x16xf32>,
        %parallel_loop3A_184 = vector.shape_cast %parallel_loop3A_183 : vector<1x16xf32> to vector<16xf32>
        %parallel_loop3A_185 = vector.shape_cast %parallel_loop3A_180 : vector<16xf32> to vector<1x16xf32>
        tpu.vector_store %arg15[%parallel_loop3A_181, %parallel_loop3A_182], %parallel_loop3A_185 {strides = array<i32>} : memref<128x144xf32, #tpu.memory_space<vmem>>, vector<1x16xf32>,
        %parallel_loop3A_186 = arith.constant 1 : i32
        %parallel_loop3A_187 = vector.broadcast %parallel_loop3A_186 : i32 to vector<16xi32>
        %parallel_loop3A_188 = arith.constant 0 : i32
        %parallel_loop3A_189 = vector.broadcast %parallel_loop3A_188 : i32 to vector<16xi32>
        %parallel_loop3A_190 = arith.cmpi slt, %parallel_loop3A_187, %parallel_loop3A_189 : vector<16xi32>
        %parallel_loop3A_191 = arith.constant 16 : i32
        %parallel_loop3A_192 = vector.broadcast %parallel_loop3A_191 : i32 to vector<16xi32>
        %parallel_loop3A_193 = arith.addi %parallel_loop3A_187, %parallel_loop3A_192 : vector<16xi32>
        %parallel_loop3A_194 = arith.select %parallel_loop3A_190, %parallel_loop3A_193, %parallel_loop3A_187 : vector<16xi1>, vector<16xi32>
        %parallel_loop3A_195 = vector.shape_cast %parallel_loop3A_194 : vector<16xi32> to vector<16x1xi32>
        %parallel_loop3A_196 = vector.shape_cast %parallel_loop3A_195 : vector<16x1xi32> to vector<16xi32>
        %parallel_loop3A_197 = tpu.dynamic_gather %parallel_loop3A_148[%parallel_loop3A_196] in [0] : vector<16xf32>, vector<16xi32> -> vector<16xf32>
        %parallel_loop3A_198 = arith.index_cast %parallel_loop3A_127 : i32 to index
        %parallel_loop3A_199 = arith.constant 32 : index
        %parallel_loop3A_200 = tpu.vector_load %arg15[%parallel_loop3A_198, %parallel_loop3A_199] {strides = array<i32>} : memref<128x144xf32, #tpu.memory_space<vmem>>, vector<1x16xf32>,
        %parallel_loop3A_201 = vector.shape_cast %parallel_loop3A_200 : vector<1x16xf32> to vector<16xf32>
        %parallel_loop3A_202 = arith.mulf %parallel_loop3A_201, %parallel_loop3A_197 : vector<16xf32>
        %parallel_loop3A_203 = arith.index_cast %parallel_loop3A_127 : i32 to index
        %parallel_loop3A_204 = arith.constant 32 : index
        %parallel_loop3A_205 = tpu.vector_load %arg15[%parallel_loop3A_203, %parallel_loop3A_204] {strides = array<i32>} : memref<128x144xf32, #tpu.memory_space<vmem>>, vector<1x16xf32>,
        %parallel_loop3A_206 = vector.shape_cast %parallel_loop3A_205 : vector<1x16xf32> to vector<16xf32>
        %parallel_loop3A_207 = vector.shape_cast %parallel_loop3A_202 : vector<16xf32> to vector<1x16xf32>
        tpu.vector_store %arg15[%parallel_loop3A_203, %parallel_loop3A_204], %parallel_loop3A_207 {strides = array<i32>} : memref<128x144xf32, #tpu.memory_space<vmem>>, vector<1x16xf32>,
        %parallel_loop3A_208 = arith.index_cast %parallel_loop3A_127 : i32 to index
        %parallel_loop3A_209 = arith.constant 48 : index
        %parallel_loop3A_210 = tpu.vector_load %arg15[%parallel_loop3A_208, %parallel_loop3A_209] {strides = array<i32>} : memref<128x144xf32, #tpu.memory_space<vmem>>, vector<1x16xf32>,
        %parallel_loop3A_211 = vector.shape_cast %parallel_loop3A_210 : vector<1x16xf32> to vector<16xf32>
        %parallel_loop3A_212 = arith.mulf %parallel_loop3A_211, %parallel_loop3A_197 : vector<16xf32>
        %parallel_loop3A_213 = arith.index_cast %parallel_loop3A_127 : i32 to index
        %parallel_loop3A_214 = arith.constant 48 : index
        %parallel_loop3A_215 = tpu.vector_load %arg15[%parallel_loop3A_213, %parallel_loop3A_214] {strides = array<i32>} : memref<128x144xf32, #tpu.memory_space<vmem>>, vector<1x16xf32>,
        %parallel_loop3A_216 = vector.shape_cast %parallel_loop3A_215 : vector<1x16xf32> to vector<16xf32>
        %parallel_loop3A_217 = vector.shape_cast %parallel_loop3A_212 : vector<16xf32> to vector<1x16xf32>
        tpu.vector_store %arg15[%parallel_loop3A_213, %parallel_loop3A_214], %parallel_loop3A_217 {strides = array<i32>} : memref<128x144xf32, #tpu.memory_space<vmem>>, vector<1x16xf32>,
        %parallel_loop3A_218 = arith.constant 2 : i32
        %parallel_loop3A_219 = vector.broadcast %parallel_loop3A_218 : i32 to vector<16xi32>
        %parallel_loop3A_220 = arith.constant 0 : i32
        %parallel_loop3A_221 = vector.broadcast %parallel_loop3A_220 : i32 to vector<16xi32>
        %parallel_loop3A_222 = arith.cmpi slt, %parallel_loop3A_219, %parallel_loop3A_221 : vector<16xi32>
        %parallel_loop3A_223 = arith.constant 16 : i32
        %parallel_loop3A_224 = vector.broadcast %parallel_loop3A_223 : i32 to vector<16xi32>
        %parallel_loop3A_225 = arith.addi %parallel_loop3A_219, %parallel_loop3A_224 : vector<16xi32>
        %parallel_loop3A_226 = arith.select %parallel_loop3A_222, %parallel_loop3A_225, %parallel_loop3A_219 : vector<16xi1>, vector<16xi32>
        %parallel_loop3A_227 = vector.shape_cast %parallel_loop3A_226 : vector<16xi32> to vector<16x1xi32>
        %parallel_loop3A_228 = vector.shape_cast %parallel_loop3A_227 : vector<16x1xi32> to vector<16xi32>
        %parallel_loop3A_229 = tpu.dynamic_gather %parallel_loop3A_148[%parallel_loop3A_228] in [0] : vector<16xf32>, vector<16xi32> -> vector<16xf32>
        %parallel_loop3A_230 = arith.index_cast %parallel_loop3A_127 : i32 to index
        %parallel_loop3A_231 = arith.constant 64 : index
        %parallel_loop3A_232 = tpu.vector_load %arg15[%parallel_loop3A_230, %parallel_loop3A_231] {strides = array<i32>} : memref<128x144xf32, #tpu.memory_space<vmem>>, vector<1x16xf32>,
        %parallel_loop3A_233 = vector.shape_cast %parallel_loop3A_232 : vector<1x16xf32> to vector<16xf32>
        %parallel_loop3A_234 = arith.mulf %parallel_loop3A_233, %parallel_loop3A_229 : vector<16xf32>
        %parallel_loop3A_235 = arith.index_cast %parallel_loop3A_127 : i32 to index
        %parallel_loop3A_236 = arith.constant 64 : index
        %parallel_loop3A_237 = tpu.vector_load %arg15[%parallel_loop3A_235, %parallel_loop3A_236] {strides = array<i32>} : memref<128x144xf32, #tpu.memory_space<vmem>>, vector<1x16xf32>,
        %parallel_loop3A_238 = vector.shape_cast %parallel_loop3A_237 : vector<1x16xf32> to vector<16xf32>
        %parallel_loop3A_239 = vector.shape_cast %parallel_loop3A_234 : vector<16xf32> to vector<1x16xf32>
        tpu.vector_store %arg15[%parallel_loop3A_235, %parallel_loop3A_236], %parallel_loop3A_239 {strides = array<i32>} : memref<128x144xf32, #tpu.memory_space<vmem>>, vector<1x16xf32>,
        %parallel_loop3A_240 = arith.index_cast %parallel_loop3A_127 : i32 to index
        %parallel_loop3A_241 = arith.constant 80 : index
        %parallel_loop3A_242 = tpu.vector_load %arg15[%parallel_loop3A_240, %parallel_loop3A_241] {strides = array<i32>} : memref<128x144xf32, #tpu.memory_space<vmem>>, vector<1x16xf32>,
        %parallel_loop3A_243 = vector.shape_cast %parallel_loop3A_242 : vector<1x16xf32> to vector<16xf32>
        %parallel_loop3A_244 = arith.mulf %parallel_loop3A_243, %parallel_loop3A_229 : vector<16xf32>
        %parallel_loop3A_245 = arith.index_cast %parallel_loop3A_127 : i32 to index
        %parallel_loop3A_246 = arith.constant 80 : index
        %parallel_loop3A_247 = tpu.vector_load %arg15[%parallel_loop3A_245, %parallel_loop3A_246] {strides = array<i32>} : memref<128x144xf32, #tpu.memory_space<vmem>>, vector<1x16xf32>,
        %parallel_loop3A_248 = vector.shape_cast %parallel_loop3A_247 : vector<1x16xf32> to vector<16xf32>
        %parallel_loop3A_249 = vector.shape_cast %parallel_loop3A_244 : vector<16xf32> to vector<1x16xf32>
        tpu.vector_store %arg15[%parallel_loop3A_245, %parallel_loop3A_246], %parallel_loop3A_249 {strides = array<i32>} : memref<128x144xf32, #tpu.memory_space<vmem>>, vector<1x16xf32>,
        %parallel_loop3A_250 = arith.constant 3 : i32
        %parallel_loop3A_251 = vector.broadcast %parallel_loop3A_250 : i32 to vector<16xi32>
        %parallel_loop3A_252 = arith.constant 0 : i32
        %parallel_loop3A_253 = vector.broadcast %parallel_loop3A_252 : i32 to vector<16xi32>
        %parallel_loop3A_254 = arith.cmpi slt, %parallel_loop3A_251, %parallel_loop3A_253 : vector<16xi32>
        %parallel_loop3A_255 = arith.constant 16 : i32
        %parallel_loop3A_256 = vector.broadcast %parallel_loop3A_255 : i32 to vector<16xi32>
        %parallel_loop3A_257 = arith.addi %parallel_loop3A_251, %parallel_loop3A_256 : vector<16xi32>
        %parallel_loop3A_258 = arith.select %parallel_loop3A_254, %parallel_loop3A_257, %parallel_loop3A_251 : vector<16xi1>, vector<16xi32>
        %parallel_loop3A_259 = vector.shape_cast %parallel_loop3A_258 : vector<16xi32> to vector<16x1xi32>
        %parallel_loop3A_260 = vector.shape_cast %parallel_loop3A_259 : vector<16x1xi32> to vector<16xi32>
        %parallel_loop3A_261 = tpu.dynamic_gather %parallel_loop3A_148[%parallel_loop3A_260] in [0] : vector<16xf32>, vector<16xi32> -> vector<16xf32>
        %parallel_loop3A_262 = arith.index_cast %parallel_loop3A_127 : i32 to index
        %parallel_loop3A_263 = arith.constant 96 : index
        %parallel_loop3A_264 = tpu.vector_load %arg15[%parallel_loop3A_262, %parallel_loop3A_263] {strides = array<i32>} : memref<128x144xf32, #tpu.memory_space<vmem>>, vector<1x16xf32>,
        %parallel_loop3A_265 = vector.shape_cast %parallel_loop3A_264 : vector<1x16xf32> to vector<16xf32>
        %parallel_loop3A_266 = arith.mulf %parallel_loop3A_265, %parallel_loop3A_261 : vector<16xf32>
        %parallel_loop3A_267 = arith.index_cast %parallel_loop3A_127 : i32 to index
        %parallel_loop3A_268 = arith.constant 96 : index
        %parallel_loop3A_269 = tpu.vector_load %arg15[%parallel_loop3A_267, %parallel_loop3A_268] {strides = array<i32>} : memref<128x144xf32, #tpu.memory_space<vmem>>, vector<1x16xf32>,
        %parallel_loop3A_270 = vector.shape_cast %parallel_loop3A_269 : vector<1x16xf32> to vector<16xf32>
        %parallel_loop3A_271 = vector.shape_cast %parallel_loop3A_266 : vector<16xf32> to vector<1x16xf32>
        tpu.vector_store %arg15[%parallel_loop3A_267, %parallel_loop3A_268], %parallel_loop3A_271 {strides = array<i32>} : memref<128x144xf32, #tpu.memory_space<vmem>>, vector<1x16xf32>,
        %parallel_loop3A_272 = arith.index_cast %parallel_loop3A_127 : i32 to index
        %parallel_loop3A_273 = arith.constant 112 : index
        %parallel_loop3A_274 = tpu.vector_load %arg15[%parallel_loop3A_272, %parallel_loop3A_273] {strides = array<i32>} : memref<128x144xf32, #tpu.memory_space<vmem>>, vector<1x16xf32>,
        %parallel_loop3A_275 = vector.shape_cast %parallel_loop3A_274 : vector<1x16xf32> to vector<16xf32>
        %parallel_loop3A_276 = arith.mulf %parallel_loop3A_275, %parallel_loop3A_261 : vector<16xf32>
        %parallel_loop3A_277 = arith.index_cast %parallel_loop3A_127 : i32 to index
        %parallel_loop3A_278 = arith.constant 112 : index
        %parallel_loop3A_279 = tpu.vector_load %arg15[%parallel_loop3A_277, %parallel_loop3A_278] {strides = array<i32>} : memref<128x144xf32, #tpu.memory_space<vmem>>, vector<1x16xf32>,
        %parallel_loop3A_280 = vector.shape_cast %parallel_loop3A_279 : vector<1x16xf32> to vector<16xf32>
        %parallel_loop3A_281 = vector.shape_cast %parallel_loop3A_276 : vector<16xf32> to vector<1x16xf32>
        tpu.vector_store %arg15[%parallel_loop3A_277, %parallel_loop3A_278], %parallel_loop3A_281 {strides = array<i32>} : memref<128x144xf32, #tpu.memory_space<vmem>>, vector<1x16xf32>,
      } {sc.loop_unroll_factor = 4 : i64, sc.parallel_access}
      "tpu.region"() ({
        %run_scoped3A = tpu.sem_alloc : memref<!tpu.dma_semaphore, #tpu.memory_space<semaphore_mem>>
        %dma_start3A_127 = arith.constant 0 : i32
        %dma_start3A_128 = arith.constant 0 : i32
        %dma_start3A_129 = tpu.memref_slice %arg9[%dma_start3A_127, %dma_start3A_128] : memref<10001x144xf32, #tpu.memory_space<vmem_shared>> -> memref<10001x144xf32, #tpu.memory_space<vmem_shared>>
        tpu.enqueue_indirect_dma source(%arg15 : memref<128x144xf32, #tpu.memory_space<vmem>>) target(%dma_start3A_129 : memref<10001x144xf32, #tpu.memory_space<vmem_shared>>) offsets(%arg13 : memref<128xi32, #tpu.memory_space<vmem>>) semaphore(%run_scoped3A : memref<!tpu.dma_semaphore, #tpu.memory_space<semaphore_mem>>) {add = true}
        %dma_wait3A_130 = arith.constant 0 : i32
        %dma_wait3A_131 = arith.constant 0 : i32
        %dma_wait3A_132 = tpu.memref_slice %arg9[%dma_wait3A_130, %dma_wait3A_131] : memref<10001x144xf32, #tpu.memory_space<vmem_shared>> -> memref<10001x144xf32, #tpu.memory_space<vmem_shared>>
        tpu.wait_indirect_dma semaphore(%run_scoped3A : memref<!tpu.dma_semaphore, #tpu.memory_space<semaphore_mem>>) src(%arg15 : memref<128x144xf32, #tpu.memory_space<vmem>>) dst(%dma_wait3A_132 : memref<10001x144xf32, #tpu.memory_space<vmem_shared>>)
        tpu.yield
      }) : () -> ()
      %scan3A_126 = arith.constant 0 : i32
      scf.yield %scan3A_126 : i32
    }
    %scan3A_50 = arith.constant 40 : i32
    %dma_wait3A = arith.constant 0 : i32
    %dma_wait3A_51 = arith.constant 0 : i32
    %dma_wait3A_52 = tpu.memref_slice %arg2[%dma_wait3A, %dma_wait3A_51] : memref<10000x144xf32, #tpu.memory_space<hbm>> -> memref<10000x144xf32, #tpu.memory_space<hbm>>
    tpu.wait_indirect_dma semaphore(%arg18 : memref<!tpu.dma_semaphore, #tpu.memory_space<semaphore_mem>>) src(%dma_wait3A_52 : memref<10000x144xf32, #tpu.memory_space<hbm>>) dst(%arg14 : memref<128x144xf32, #tpu.memory_space<vmem>>)
    %barrier3A_53 = arith.constant 0 : index
    tpu.barrier barrier_id(%barrier3A_53)
    %add3A_54 = arith.constant 0 : i32
    %add3A_55 = arith.addi %arg1, %add3A_54 : i32
    %lt3A_56 = arith.constant 79 : i32
    %lt3A_57 = arith.cmpi slt, %add3A_55, %lt3A_56 : i32
    %convert_element_type3A_58 = arith.extui %lt3A_57 : i1 to i32
    %cond3A_59 = arith.constant 0 : i32
    %cond3A_60 = arith.cmpi ne, %convert_element_type3A_58, %cond3A_59 : i32
    scf.if %cond3A_60 {
      %mul3A_89 = arith.constant 128 : i32
      %mul3A_90 = arith.muli %add3A_55, %mul3A_89 : i32
      %min3A = arith.constant 9872 : i32
      %min3A_91 = arith.minsi %mul3A_90, %min3A : i32
      "tpu.region"() ({
        %run_scoped3A = tpu.sem_alloc : memref<!tpu.dma_semaphore, #tpu.memory_space<semaphore_mem>>
        %dma_start3A_92 = arith.constant 0 : i32
        %dma_start3A_93 = tpu.memref_slice %arg8[%arg0, %min3A_91, %dma_start3A_92] : memref<2x10000x144xf32, #tpu.memory_space<hbm>> -> memref<1x128x144xf32, #tpu.memory_space<hbm>>
        %dma_start3A_94 = tpu.memref_squeeze %dma_start3A_93 : memref<1x128x144xf32, #tpu.memory_space<hbm>> -> memref<128x144xf32, #tpu.memory_space<hbm>>
        %dma_start3A_95 = arith.constant 0 : i32
        %dma_start3A_96 = tpu.memref_slice %arg9[%min3A_91, %dma_start3A_95] : memref<10001x144xf32, #tpu.memory_space<vmem_shared>> -> memref<128x144xf32, #tpu.memory_space<vmem_shared>>
        tpu.enqueue_dma source(%dma_start3A_96 : memref<128x144xf32, #tpu.memory_space<vmem_shared>>) target(%dma_start3A_94 : memref<128x144xf32, #tpu.memory_space<hbm>>) target_semaphore(%run_scoped3A : memref<!tpu.dma_semaphore, #tpu.memory_space<semaphore_mem>>)
        %dma_wait3A_97 = arith.constant 0 : i32
        %dma_wait3A_98 = tpu.memref_slice %arg8[%arg0, %min3A_91, %dma_wait3A_97] : memref<2x10000x144xf32, #tpu.memory_space<hbm>> -> memref<1x128x144xf32, #tpu.memory_space<hbm>>
        %dma_wait3A_99 = tpu.memref_squeeze %dma_wait3A_98 : memref<1x128x144xf32, #tpu.memory_space<hbm>> -> memref<128x144xf32, #tpu.memory_space<hbm>>
        %dma_wait3A_100 = arith.constant 0 : i32
        %dma_wait3A_101 = tpu.memref_slice %arg9[%min3A_91, %dma_wait3A_100] : memref<10001x144xf32, #tpu.memory_space<vmem_shared>> -> memref<128x144xf32, #tpu.memory_space<vmem_shared>>
        tpu.wait_dma2 semaphore(%run_scoped3A : memref<!tpu.dma_semaphore, #tpu.memory_space<semaphore_mem>>) src(%dma_wait3A_101 : memref<128x144xf32, #tpu.memory_space<vmem_shared>>) dst(%dma_wait3A_99 : memref<128x144xf32, #tpu.memory_space<hbm>>)
        tpu.yield
      }) : () -> ()
    } else {
    }
    %add3A_61 = arith.constant 16 : i32
    %add3A_62 = arith.addi %arg1, %add3A_61 : i32
    %lt3A_63 = arith.constant 79 : i32
    %lt3A_64 = arith.cmpi slt, %add3A_62, %lt3A_63 : i32
    %convert_element_type3A_65 = arith.extui %lt3A_64 : i1 to i32
    %cond3A_66 = arith.constant 0 : i32
    %cond3A_67 = arith.cmpi ne, %convert_element_type3A_65, %cond3A_66 : i32
    scf.if %cond3A_67 {
      %mul3A_89 = arith.constant 128 : i32
      %mul3A_90 = arith.muli %add3A_62, %mul3A_89 : i32
      %min3A = arith.constant 9872 : i32
      %min3A_91 = arith.minsi %mul3A_90, %min3A : i32
      "tpu.region"() ({
        %run_scoped3A = tpu.sem_alloc : memref<!tpu.dma_semaphore, #tpu.memory_space<semaphore_mem>>
        %dma_start3A_92 = arith.constant 0 : i32
        %dma_start3A_93 = tpu.memref_slice %arg8[%arg0, %min3A_91, %dma_start3A_92] : memref<2x10000x144xf32, #tpu.memory_space<hbm>> -> memref<1x128x144xf32, #tpu.memory_space<hbm>>
        %dma_start3A_94 = tpu.memref_squeeze %dma_start3A_93 : memref<1x128x144xf32, #tpu.memory_space<hbm>> -> memref<128x144xf32, #tpu.memory_space<hbm>>
        %dma_start3A_95 = arith.constant 0 : i32
        %dma_start3A_96 = tpu.memref_slice %arg9[%min3A_91, %dma_start3A_95] : memref<10001x144xf32, #tpu.memory_space<vmem_shared>> -> memref<128x144xf32, #tpu.memory_space<vmem_shared>>
        tpu.enqueue_dma source(%dma_start3A_96 : memref<128x144xf32, #tpu.memory_space<vmem_shared>>) target(%dma_start3A_94 : memref<128x144xf32, #tpu.memory_space<hbm>>) target_semaphore(%run_scoped3A : memref<!tpu.dma_semaphore, #tpu.memory_space<semaphore_mem>>)
        %dma_wait3A_97 = arith.constant 0 : i32
        %dma_wait3A_98 = tpu.memref_slice %arg8[%arg0, %min3A_91, %dma_wait3A_97] : memref<2x10000x144xf32, #tpu.memory_space<hbm>> -> memref<1x128x144xf32, #tpu.memory_space<hbm>>
        %dma_wait3A_99 = tpu.memref_squeeze %dma_wait3A_98 : memref<1x128x144xf32, #tpu.memory_space<hbm>> -> memref<128x144xf32, #tpu.memory_space<hbm>>
        %dma_wait3A_100 = arith.constant 0 : i32
        %dma_wait3A_101 = tpu.memref_slice %arg9[%min3A_91, %dma_wait3A_100] : memref<10001x144xf32, #tpu.memory_space<vmem_shared>> -> memref<128x144xf32, #tpu.memory_space<vmem_shared>>
        tpu.wait_dma2 semaphore(%run_scoped3A : memref<!tpu.dma_semaphore, #tpu.memory_space<semaphore_mem>>) src(%dma_wait3A_101 : memref<128x144xf32, #tpu.memory_space<vmem_shared>>) dst(%dma_wait3A_99 : memref<128x144xf32, #tpu.memory_space<hbm>>)
        tpu.yield
      }) : () -> ()
    } else {
    }
    %add3A_68 = arith.constant 32 : i32
    %add3A_69 = arith.addi %arg1, %add3A_68 : i32
    %lt3A_70 = arith.constant 79 : i32
    %lt3A_71 = arith.cmpi slt, %add3A_69, %lt3A_70 : i32
    %convert_element_type3A_72 = arith.extui %lt3A_71 : i1 to i32
    %cond3A_73 = arith.constant 0 : i32
    %cond3A_74 = arith.cmpi ne, %convert_element_type3A_72, %cond3A_73 : i32
    scf.if %cond3A_74 {
      %mul3A_89 = arith.constant 128 : i32
      %mul3A_90 = arith.muli %add3A_69, %mul3A_89 : i32
      %min3A = arith.constant 9872 : i32
      %min3A_91 = arith.minsi %mul3A_90, %min3A : i32
      "tpu.region"() ({
        %run_scoped3A = tpu.sem_alloc : memref<!tpu.dma_semaphore, #tpu.memory_space<semaphore_mem>>
        %dma_start3A_92 = arith.constant 0 : i32
        %dma_start3A_93 = tpu.memref_slice %arg8[%arg0, %min3A_91, %dma_start3A_92] : memref<2x10000x144xf32, #tpu.memory_space<hbm>> -> memref<1x128x144xf32, #tpu.memory_space<hbm>>
        %dma_start3A_94 = tpu.memref_squeeze %dma_start3A_93 : memref<1x128x144xf32, #tpu.memory_space<hbm>> -> memref<128x144xf32, #tpu.memory_space<hbm>>
        %dma_start3A_95 = arith.constant 0 : i32
        %dma_start3A_96 = tpu.memref_slice %arg9[%min3A_91, %dma_start3A_95] : memref<10001x144xf32, #tpu.memory_space<vmem_shared>> -> memref<128x144xf32, #tpu.memory_space<vmem_shared>>
        tpu.enqueue_dma source(%dma_start3A_96 : memref<128x144xf32, #tpu.memory_space<vmem_shared>>) target(%dma_start3A_94 : memref<128x144xf32, #tpu.memory_space<hbm>>) target_semaphore(%run_scoped3A : memref<!tpu.dma_semaphore, #tpu.memory_space<semaphore_mem>>)
        %dma_wait3A_97 = arith.constant 0 : i32
        %dma_wait3A_98 = tpu.memref_slice %arg8[%arg0, %min3A_91, %dma_wait3A_97] : memref<2x10000x144xf32, #tpu.memory_space<hbm>> -> memref<1x128x144xf32, #tpu.memory_space<hbm>>
        %dma_wait3A_99 = tpu.memref_squeeze %dma_wait3A_98 : memref<1x128x144xf32, #tpu.memory_space<hbm>> -> memref<128x144xf32, #tpu.memory_space<hbm>>
        %dma_wait3A_100 = arith.constant 0 : i32
        %dma_wait3A_101 = tpu.memref_slice %arg9[%min3A_91, %dma_wait3A_100] : memref<10001x144xf32, #tpu.memory_space<vmem_shared>> -> memref<128x144xf32, #tpu.memory_space<vmem_shared>>
        tpu.wait_dma2 semaphore(%run_scoped3A : memref<!tpu.dma_semaphore, #tpu.memory_space<semaphore_mem>>) src(%dma_wait3A_101 : memref<128x144xf32, #tpu.memory_space<vmem_shared>>) dst(%dma_wait3A_99 : memref<128x144xf32, #tpu.memory_space<hbm>>)
        tpu.yield
      }) : () -> ()
    } else {
    }
    %add3A_75 = arith.constant 48 : i32
    %add3A_76 = arith.addi %arg1, %add3A_75 : i32
    %lt3A_77 = arith.constant 79 : i32
    %lt3A_78 = arith.cmpi slt, %add3A_76, %lt3A_77 : i32
    %convert_element_type3A_79 = arith.extui %lt3A_78 : i1 to i32
    %cond3A_80 = arith.constant 0 : i32
    %cond3A_81 = arith.cmpi ne, %convert_element_type3A_79, %cond3A_80 : i32
    scf.if %cond3A_81 {
      %mul3A_89 = arith.constant 128 : i32
      %mul3A_90 = arith.muli %add3A_76, %mul3A_89 : i32
      %min3A = arith.constant 9872 : i32
      %min3A_91 = arith.minsi %mul3A_90, %min3A : i32
      "tpu.region"() ({
        %run_scoped3A = tpu.sem_alloc : memref<!tpu.dma_semaphore, #tpu.memory_space<semaphore_mem>>
        %dma_start3A_92 = arith.constant 0 : i32
        %dma_start3A_93 = tpu.memref_slice %arg8[%arg0, %min3A_91, %dma_start3A_92] : memref<2x10000x144xf32, #tpu.memory_space<hbm>> -> memref<1x128x144xf32, #tpu.memory_space<hbm>>
        %dma_start3A_94 = tpu.memref_squeeze %dma_start3A_93 : memref<1x128x144xf32, #tpu.memory_space<hbm>> -> memref<128x144xf32, #tpu.memory_space<hbm>>
        %dma_start3A_95 = arith.constant 0 : i32
        %dma_start3A_96 = tpu.memref_slice %arg9[%min3A_91, %dma_start3A_95] : memref<10001x144xf32, #tpu.memory_space<vmem_shared>> -> memref<128x144xf32, #tpu.memory_space<vmem_shared>>
        tpu.enqueue_dma source(%dma_start3A_96 : memref<128x144xf32, #tpu.memory_space<vmem_shared>>) target(%dma_start3A_94 : memref<128x144xf32, #tpu.memory_space<hbm>>) target_semaphore(%run_scoped3A : memref<!tpu.dma_semaphore, #tpu.memory_space<semaphore_mem>>)
        %dma_wait3A_97 = arith.constant 0 : i32
        %dma_wait3A_98 = tpu.memref_slice %arg8[%arg0, %min3A_91, %dma_wait3A_97] : memref<2x10000x144xf32, #tpu.memory_space<hbm>> -> memref<1x128x144xf32, #tpu.memory_space<hbm>>
        %dma_wait3A_99 = tpu.memref_squeeze %dma_wait3A_98 : memref<1x128x144xf32, #tpu.memory_space<hbm>> -> memref<128x144xf32, #tpu.memory_space<hbm>>
        %dma_wait3A_100 = arith.constant 0 : i32
        %dma_wait3A_101 = tpu.memref_slice %arg9[%min3A_91, %dma_wait3A_100] : memref<10001x144xf32, #tpu.memory_space<vmem_shared>> -> memref<128x144xf32, #tpu.memory_space<vmem_shared>>
        tpu.wait_dma2 semaphore(%run_scoped3A : memref<!tpu.dma_semaphore, #tpu.memory_space<semaphore_mem>>) src(%dma_wait3A_101 : memref<128x144xf32, #tpu.memory_space<vmem_shared>>) dst(%dma_wait3A_99 : memref<128x144xf32, #tpu.memory_space<hbm>>)
        tpu.yield
      }) : () -> ()
    } else {
    }
    %add3A_82 = arith.constant 64 : i32
    %add3A_83 = arith.addi %arg1, %add3A_82 : i32
    %lt3A_84 = arith.constant 79 : i32
    %lt3A_85 = arith.cmpi slt, %add3A_83, %lt3A_84 : i32
    %convert_element_type3A_86 = arith.extui %lt3A_85 : i1 to i32
    %cond3A_87 = arith.constant 0 : i32
    %cond3A_88 = arith.cmpi ne, %convert_element_type3A_86, %cond3A_87 : i32
    scf.if %cond3A_88 {
      %mul3A_89 = arith.constant 128 : i32
      %mul3A_90 = arith.muli %add3A_83, %mul3A_89 : i32
      %min3A = arith.constant 9872 : i32
      %min3A_91 = arith.minsi %mul3A_90, %min3A : i32
      "tpu.region"() ({
        %run_scoped3A = tpu.sem_alloc : memref<!tpu.dma_semaphore, #tpu.memory_space<semaphore_mem>>
        %dma_start3A_92 = arith.constant 0 : i32
        %dma_start3A_93 = tpu.memref_slice %arg8[%arg0, %min3A_91, %dma_start3A_92] : memref<2x10000x144xf32, #tpu.memory_space<hbm>> -> memref<1x128x144xf32, #tpu.memory_space<hbm>>
        %dma_start3A_94 = tpu.memref_squeeze %dma_start3A_93 : memref<1x128x144xf32, #tpu.memory_space<hbm>> -> memref<128x144xf32, #tpu.memory_space<hbm>>
        %dma_start3A_95 = arith.constant 0 : i32
        %dma_start3A_96 = tpu.memref_slice %arg9[%min3A_91, %dma_start3A_95] : memref<10001x144xf32, #tpu.memory_space<vmem_shared>> -> memref<128x144xf32, #tpu.memory_space<vmem_shared>>
        tpu.enqueue_dma source(%dma_start3A_96 : memref<128x144xf32, #tpu.memory_space<vmem_shared>>) target(%dma_start3A_94 : memref<128x144xf32, #tpu.memory_space<hbm>>) target_semaphore(%run_scoped3A : memref<!tpu.dma_semaphore, #tpu.memory_space<semaphore_mem>>)
        %dma_wait3A_97 = arith.constant 0 : i32
        %dma_wait3A_98 = tpu.memref_slice %arg8[%arg0, %min3A_91, %dma_wait3A_97] : memref<2x10000x144xf32, #tpu.memory_space<hbm>> -> memref<1x128x144xf32, #tpu.memory_space<hbm>>
        %dma_wait3A_99 = tpu.memref_squeeze %dma_wait3A_98 : memref<1x128x144xf32, #tpu.memory_space<hbm>> -> memref<128x144xf32, #tpu.memory_space<hbm>>
        %dma_wait3A_100 = arith.constant 0 : i32
        %dma_wait3A_101 = tpu.memref_slice %arg9[%min3A_91, %dma_wait3A_100] : memref<10001x144xf32, #tpu.memory_space<vmem_shared>> -> memref<128x144xf32, #tpu.memory_space<vmem_shared>>
        tpu.wait_dma2 semaphore(%run_scoped3A : memref<!tpu.dma_semaphore, #tpu.memory_space<semaphore_mem>>) src(%dma_wait3A_101 : memref<128x144xf32, #tpu.memory_space<vmem_shared>>) dst(%dma_wait3A_99 : memref<128x144xf32, #tpu.memory_space<hbm>>)
        tpu.yield
      }) : () -> ()
    } else {
    }
    return
  }
}

module attributes {stable_mosaic.version = 14 : i64} {
  func.func @_prep_body(%arg0: i32, %arg1: memref<400x128xf32, #tpu.memory_space<vmem>>, %arg2: memref<128x128xf32, #tpu.memory_space<vmem>>, %arg3: memref<128x16xf32, #tpu.memory_space<vmem>>, %arg4: memref<128x16xf32, #tpu.memory_space<vmem>>, %arg5: memref<400x144xf32, #tpu.memory_space<vmem>>, %arg6: memref<400x16xf32, #tpu.memory_space<vmem>>) attributes {dimension_semantics = [#tpu.dimension_semantics<arbitrary>], iteration_bounds = array<i64: 25>, scalar_prefetch = 0 : i64, scratch_operands = 0 : i64, tpu.core_type = #tpu.core_type<tc>, window_params = [{transform_indices = @transform_0, window_bounds = array<i64: 400, 128>}, {pipeline_mode = #tpu.pipeline_mode<synchronous>, transform_indices = @transform_1, window_bounds = array<i64: 128, 128>}, {pipeline_mode = #tpu.pipeline_mode<synchronous>, transform_indices = @transform_2, window_bounds = array<i64: 128, 16>}, {pipeline_mode = #tpu.pipeline_mode<synchronous>, transform_indices = @transform_3, window_bounds = array<i64: 128, 16>}, {transform_indices = @transform_4, window_bounds = array<i64: 400, 144>}, {transform_indices = @transform_5, window_bounds = array<i64: 400, 16>}]} {
    %get3A = arith.constant 0 : index
    %get3A_0 = arith.constant 0 : index
    %get3A_1 = vector.load %arg1[%get3A, %get3A_0] : memref<400x128xf32, #tpu.memory_space<vmem>>, vector<400x128xf32>
    %get3A_2 = arith.constant 0 : index
    %get3A_3 = arith.constant 0 : index
    %get3A_4 = vector.load %arg2[%get3A_2, %get3A_3] : memref<128x128xf32, #tpu.memory_space<vmem>>, vector<128x128xf32>
    %dot_general3A = arith.constant dense<0.000000e+00> : vector<400x128xf32>
    %dot_general3A_5 = tpu.matmul %get3A_1, %get3A_4, %dot_general3A {dimension_numbers = #tpu.dot_dimension_numbers<[1], [0], [0], [1], [0, 0, 1, 1], [], []>, precision = #tpu.contract_precision<fp32>, transpose_lhs_hint = false} : vector<400x128xf32>, vector<128x128xf32>, vector<400x128xf32> -> vector<400x128xf32>
    %swap3A = arith.constant 0 : index
    %swap3A_6 = arith.constant 0 : index
    %swap3A_7 = vector.load %arg5[%swap3A, %swap3A_6] : memref<400x144xf32, #tpu.memory_space<vmem>>, vector<400x128xf32>
    tpu.vector_store %arg5[%swap3A, %swap3A_6], %dot_general3A_5 {strides = array<i32>} : memref<400x144xf32, #tpu.memory_space<vmem>>, vector<400x128xf32>,
    %get3A_8 = arith.constant 0 : index
    %get3A_9 = arith.constant 0 : index
    %get3A_10 = vector.load %arg3[%get3A_8, %get3A_9] : memref<128x16xf32, #tpu.memory_space<vmem>>, vector<128x16xf32>
    %dot_general3A_11 = arith.constant dense<0.000000e+00> : vector<400x16xf32>
    %dot_general3A_12 = tpu.matmul %dot_general3A_5, %get3A_10, %dot_general3A_11 {dimension_numbers = #tpu.dot_dimension_numbers<[1], [0], [0], [1], [0, 0, 1, 1], [], []>, precision = #tpu.contract_precision<fp32>, transpose_lhs_hint = false} : vector<400x128xf32>, vector<128x16xf32>, vector<400x16xf32> -> vector<400x16xf32>
    %swap3A_13 = arith.constant 0 : index
    %swap3A_14 = arith.constant 128 : index
    %swap3A_15 = vector.load %arg5[%swap3A_13, %swap3A_14] : memref<400x144xf32, #tpu.memory_space<vmem>>, vector<400x16xf32>
    tpu.vector_store %arg5[%swap3A_13, %swap3A_14], %dot_general3A_12 {strides = array<i32>} : memref<400x144xf32, #tpu.memory_space<vmem>>, vector<400x16xf32>,
    %get3A_16 = arith.constant 0 : index
    %get3A_17 = arith.constant 0 : index
    %get3A_18 = vector.load %arg4[%get3A_16, %get3A_17] : memref<128x16xf32, #tpu.memory_space<vmem>>, vector<128x16xf32>
    %dot_general3A_19 = arith.constant dense<0.000000e+00> : vector<400x16xf32>
    %dot_general3A_20 = tpu.matmul %dot_general3A_5, %get3A_18, %dot_general3A_19 {dimension_numbers = #tpu.dot_dimension_numbers<[1], [0], [0], [1], [0, 0, 1, 1], [], []>, precision = #tpu.contract_precision<fp32>, transpose_lhs_hint = false} : vector<400x128xf32>, vector<128x16xf32>, vector<400x16xf32> -> vector<400x16xf32>
    %swap3A_21 = arith.constant 0 : index
    %swap3A_22 = arith.constant 0 : index
    %swap3A_23 = vector.load %arg6[%swap3A_21, %swap3A_22] : memref<400x16xf32, #tpu.memory_space<vmem>>, vector<400x16xf32>
    tpu.vector_store %arg6[%swap3A_21, %swap3A_22], %dot_general3A_20 {strides = array<i32>} : memref<400x16xf32, #tpu.memory_space<vmem>>, vector<400x16xf32>,
    return
  }
  func.func @transform_0(%arg0: i32) -> (i32, i32) {
    %c0_i32 = arith.constant 0 : i32
    %c0_i32_0 = arith.constant 0 : i32
    return %arg0, %c0_i32 : i32, i32
  }
  func.func @transform_1(%arg0: i32) -> (i32, i32) {
    %c0_i32 = arith.constant 0 : i32
    %c0_i32_0 = arith.constant 0 : i32
    %c0_i32_1 = arith.constant 0 : i32
    return %c0_i32, %c0_i32_0 : i32, i32
  }
  func.func @transform_2(%arg0: i32) -> (i32, i32) {
    %c0_i32 = arith.constant 0 : i32
    %c0_i32_0 = arith.constant 0 : i32
    %c0_i32_1 = arith.constant 0 : i32
    return %c0_i32, %c0_i32_0 : i32, i32
  }
  func.func @transform_3(%arg0: i32) -> (i32, i32) {
    %c0_i32 = arith.constant 0 : i32
    %c0_i32_0 = arith.constant 0 : i32
    %c0_i32_1 = arith.constant 0 : i32
    return %c0_i32, %c0_i32_0 : i32, i32
  }
  func.func @transform_4(%arg0: i32) -> (i32, i32) {
    %c0_i32 = arith.constant 0 : i32
    %c0_i32_0 = arith.constant 0 : i32
    return %arg0, %c0_i32 : i32, i32
  }
  func.func @transform_5(%arg0: i32) -> (i32, i32) {
    %c0_i32 = arith.constant 0 : i32
    %c0_i32_0 = arith.constant 0 : i32
    return %arg0, %c0_i32 : i32, i32
  }
}

module attributes {stable_mosaic.version = 14 : i64} {
  func.func @_comb_body(%arg0: i32, %arg1: memref<2x400x144xf32, #tpu.memory_space<vmem>>, %arg2: memref<16x128xf32, #tpu.memory_space<vmem>>, %arg3: memref<1x128xf32, #tpu.memory_space<vmem>>, %arg4: memref<400x128xf32, #tpu.memory_space<vmem>>, %arg5: memref<400x128xf32, #tpu.memory_space<vmem>>) attributes {dimension_semantics = [#tpu.dimension_semantics<arbitrary>], iteration_bounds = array<i64: 25>, scalar_prefetch = 0 : i64, scratch_operands = 0 : i64, tpu.core_type = #tpu.core_type<tc>, window_params = [{transform_indices = @transform_0, window_bounds = array<i64: 2, 400, 144>}, {pipeline_mode = #tpu.pipeline_mode<synchronous>, transform_indices = @transform_1, window_bounds = array<i64: 16, 128>}, {pipeline_mode = #tpu.pipeline_mode<synchronous>, transform_indices = @transform_2, window_bounds = array<i64: 1, 128>}, {transform_indices = @transform_3, window_bounds = array<i64: 400, 128>}, {transform_indices = @transform_4, window_bounds = array<i64: 400, 128>}]} {
    %get3A = arith.constant 0 : index
    %get3A_0 = arith.constant 0 : index
    %get3A_1 = arith.constant 0 : index
    %get3A_2 = vector.load %arg1[%get3A, %get3A_0, %get3A_1] : memref<2x400x144xf32, #tpu.memory_space<vmem>>, vector<1x400x128xf32>
    %get3A_3 = vector.shape_cast %get3A_2 : vector<1x400x128xf32> to vector<400x128xf32>
    %get3A_4 = arith.constant 1 : index
    %get3A_5 = arith.constant 0 : index
    %get3A_6 = arith.constant 0 : index
    %get3A_7 = vector.load %arg1[%get3A_4, %get3A_5, %get3A_6] : memref<2x400x144xf32, #tpu.memory_space<vmem>>, vector<1x400x128xf32>
    %get3A_8 = vector.shape_cast %get3A_7 : vector<1x400x128xf32> to vector<400x128xf32>
    %add3A = arith.addf %get3A_3, %get3A_8 : vector<400x128xf32>
    %get3A_9 = arith.constant 0 : index
    %get3A_10 = arith.constant 0 : index
    %get3A_11 = arith.constant 128 : index
    %get3A_12 = vector.load %arg1[%get3A_9, %get3A_10, %get3A_11] : memref<2x400x144xf32, #tpu.memory_space<vmem>>, vector<1x400x16xf32>
    %get3A_13 = vector.shape_cast %get3A_12 : vector<1x400x16xf32> to vector<400x16xf32>
    %get3A_14 = arith.constant 1 : index
    %get3A_15 = arith.constant 0 : index
    %get3A_16 = arith.constant 128 : index
    %get3A_17 = vector.load %arg1[%get3A_14, %get3A_15, %get3A_16] : memref<2x400x144xf32, #tpu.memory_space<vmem>>, vector<1x400x16xf32>
    %get3A_18 = vector.shape_cast %get3A_17 : vector<1x400x16xf32> to vector<400x16xf32>
    %add3A_19 = arith.addf %get3A_13, %get3A_18 : vector<400x16xf32>
    %get3A_20 = arith.constant 0 : index
    %get3A_21 = arith.constant 0 : index
    %get3A_22 = vector.load %arg2[%get3A_20, %get3A_21] : memref<16x128xf32, #tpu.memory_space<vmem>>, vector<16x128xf32>
    %dot_general3A = arith.constant dense<0.000000e+00> : vector<400x128xf32>
    %dot_general3A_23 = tpu.matmul %add3A_19, %get3A_22, %dot_general3A {dimension_numbers = #tpu.dot_dimension_numbers<[1], [0], [0], [1], [0, 0, 1, 1], [], []>, precision = #tpu.contract_precision<fp32>, transpose_lhs_hint = false} : vector<400x16xf32>, vector<16x128xf32>, vector<400x128xf32> -> vector<400x128xf32>
    %add3A_24 = arith.constant 1.000000e-16 : f32
    %add3A_25 = vector.broadcast %add3A_24 : f32 to vector<400x128xf32>
    %add3A_26 = arith.addf %dot_general3A_23, %add3A_25 : vector<400x128xf32>
    %div3A = arith.divf %add3A, %add3A_26 : vector<400x128xf32>
    %get3A_27 = arith.constant 0 : index
    %get3A_28 = arith.constant 0 : index
    %get3A_29 = vector.load %arg3[%get3A_27, %get3A_28] : memref<1x128xf32, #tpu.memory_space<vmem>>, vector<1x128xf32>
    %add3A_30 = vector.broadcast %get3A_29 : vector<1x128xf32> to vector<400x128xf32>
    %add3A_31 = arith.addf %div3A, %add3A_30 : vector<400x128xf32>
    %get3A_32 = arith.constant 0 : index
    %get3A_33 = arith.constant 0 : index
    %get3A_34 = vector.load %arg4[%get3A_32, %get3A_33] : memref<400x128xf32, #tpu.memory_space<vmem>>, vector<400x128xf32>
    %gt3A = arith.constant 0.000000e+00 : f32
    %gt3A_35 = vector.broadcast %gt3A : f32 to vector<400x128xf32>
    %gt3A_36 = arith.cmpf ogt, %add3A_31, %gt3A_35 : vector<400x128xf32>
    %min3A = arith.constant 0.000000e+00 : f32
    %min3A_37 = vector.broadcast %min3A : f32 to vector<400x128xf32>
    %min3A_38 = arith.minimumf %add3A_31, %min3A_37 : vector<400x128xf32>
    %exp3A = math.exp %min3A_38 : vector<400x128xf32>
    %sub3A = arith.constant 1.000000e+00 : f32
    %sub3A_39 = vector.broadcast %sub3A : f32 to vector<400x128xf32>
    %sub3A_40 = arith.subf %exp3A, %sub3A_39 : vector<400x128xf32>
    %select_n3A = arith.select %gt3A_36, %add3A_31, %sub3A_40 : vector<400x128xi1>, vector<400x128xf32>
    %add3A_41 = arith.addf %get3A_34, %select_n3A : vector<400x128xf32>
    %swap3A = arith.constant 0 : index
    %swap3A_42 = arith.constant 0 : index
    %swap3A_43 = vector.load %arg5[%swap3A, %swap3A_42] : memref<400x128xf32, #tpu.memory_space<vmem>>, vector<400x128xf32>
    tpu.vector_store %arg5[%swap3A, %swap3A_42], %add3A_41 {strides = array<i32>} : memref<400x128xf32, #tpu.memory_space<vmem>>, vector<400x128xf32>,
    return
  }
  func.func @transform_0(%arg0: i32) -> (i32, i32, i32) {
    %c0_i32 = arith.constant 0 : i32
    %c0_i32_0 = arith.constant 0 : i32
    %c0_i32_1 = arith.constant 0 : i32
    return %c0_i32, %arg0, %c0_i32_0 : i32, i32, i32
  }
  func.func @transform_1(%arg0: i32) -> (i32, i32) {
    %c0_i32 = arith.constant 0 : i32
    %c0_i32_0 = arith.constant 0 : i32
    %c0_i32_1 = arith.constant 0 : i32
    return %c0_i32, %c0_i32_0 : i32, i32
  }
  func.func @transform_2(%arg0: i32) -> (i32, i32) {
    %c0_i32 = arith.constant 0 : i32
    %c0_i32_0 = arith.constant 0 : i32
    %c0_i32_1 = arith.constant 0 : i32
    return %c0_i32, %c0_i32_0 : i32, i32
  }
  func.func @transform_3(%arg0: i32) -> (i32, i32) {
    %c0_i32 = arith.constant 0 : i32
    %c0_i32_0 = arith.constant 0 : i32
    return %arg0, %c0_i32 : i32, i32
  }
  func.func @transform_4(%arg0: i32) -> (i32, i32) {
    %c0_i32 = arith.constant 0 : i32
    %c0_i32_0 = arith.constant 0 : i32
    return %arg0, %c0_i32 : i32, i32
  }
}

module attributes {stable_mosaic.version = 14 : i64} {
  func.func @_comb_body(%arg0: i32, %arg1: memref<2x400x144xf32, #tpu.memory_space<vmem>>, %arg2: memref<16x128xf32, #tpu.memory_space<vmem>>, %arg3: memref<1x128xf32, #tpu.memory_space<vmem>>, %arg4: memref<400x128xf32, #tpu.memory_space<vmem>>, %arg5: memref<400x128xf32, #tpu.memory_space<vmem>>) attributes {dimension_semantics = [#tpu.dimension_semantics<arbitrary>], iteration_bounds = array<i64: 25>, scalar_prefetch = 0 : i64, scratch_operands = 0 : i64, tpu.core_type = #tpu.core_type<tc>, window_params = [{transform_indices = @transform_0, window_bounds = array<i64: 2, 400, 144>}, {pipeline_mode = #tpu.pipeline_mode<synchronous>, transform_indices = @transform_1, window_bounds = array<i64: 16, 128>}, {pipeline_mode = #tpu.pipeline_mode<synchronous>, transform_indices = @transform_2, window_bounds = array<i64: 1, 128>}, {transform_indices = @transform_3, window_bounds = array<i64: 400, 128>}, {transform_indices = @transform_4, window_bounds = array<i64: 400, 128>}]} {
    %get3A = arith.constant 0 : index
    %get3A_0 = arith.constant 0 : index
    %get3A_1 = arith.constant 0 : index
    %get3A_2 = vector.load %arg1[%get3A, %get3A_0, %get3A_1] : memref<2x400x144xf32, #tpu.memory_space<vmem>>, vector<1x400x128xf32>
    %get3A_3 = vector.shape_cast %get3A_2 : vector<1x400x128xf32> to vector<400x128xf32>
    %get3A_4 = arith.constant 1 : index
    %get3A_5 = arith.constant 0 : index
    %get3A_6 = arith.constant 0 : index
    %get3A_7 = vector.load %arg1[%get3A_4, %get3A_5, %get3A_6] : memref<2x400x144xf32, #tpu.memory_space<vmem>>, vector<1x400x128xf32>
    %get3A_8 = vector.shape_cast %get3A_7 : vector<1x400x128xf32> to vector<400x128xf32>
    %add3A = arith.addf %get3A_3, %get3A_8 : vector<400x128xf32>
    %get3A_9 = arith.constant 0 : index
    %get3A_10 = arith.constant 0 : index
    %get3A_11 = arith.constant 128 : index
    %get3A_12 = vector.load %arg1[%get3A_9, %get3A_10, %get3A_11] : memref<2x400x144xf32, #tpu.memory_space<vmem>>, vector<1x400x16xf32>
    %get3A_13 = vector.shape_cast %get3A_12 : vector<1x400x16xf32> to vector<400x16xf32>
    %get3A_14 = arith.constant 1 : index
    %get3A_15 = arith.constant 0 : index
    %get3A_16 = arith.constant 128 : index
    %get3A_17 = vector.load %arg1[%get3A_14, %get3A_15, %get3A_16] : memref<2x400x144xf32, #tpu.memory_space<vmem>>, vector<1x400x16xf32>
    %get3A_18 = vector.shape_cast %get3A_17 : vector<1x400x16xf32> to vector<400x16xf32>
    %add3A_19 = arith.addf %get3A_13, %get3A_18 : vector<400x16xf32>
    %get3A_20 = arith.constant 0 : index
    %get3A_21 = arith.constant 0 : index
    %get3A_22 = vector.load %arg2[%get3A_20, %get3A_21] : memref<16x128xf32, #tpu.memory_space<vmem>>, vector<16x128xf32>
    %dot_general3A = arith.constant dense<0.000000e+00> : vector<400x128xf32>
    %dot_general3A_23 = tpu.matmul %add3A_19, %get3A_22, %dot_general3A {dimension_numbers = #tpu.dot_dimension_numbers<[1], [0], [0], [1], [0, 0, 1, 1], [], []>, precision = #tpu.contract_precision<fp32>, transpose_lhs_hint = false} : vector<400x16xf32>, vector<16x128xf32>, vector<400x128xf32> -> vector<400x128xf32>
    %add3A_24 = arith.constant 1.000000e-16 : f32
    %add3A_25 = vector.broadcast %add3A_24 : f32 to vector<400x128xf32>
    %add3A_26 = arith.addf %dot_general3A_23, %add3A_25 : vector<400x128xf32>
    %div3A = arith.divf %add3A, %add3A_26 : vector<400x128xf32>
    %get3A_27 = arith.constant 0 : index
    %get3A_28 = arith.constant 0 : index
    %get3A_29 = vector.load %arg3[%get3A_27, %get3A_28] : memref<1x128xf32, #tpu.memory_space<vmem>>, vector<1x128xf32>
    %add3A_30 = vector.broadcast %get3A_29 : vector<1x128xf32> to vector<400x128xf32>
    %add3A_31 = arith.addf %div3A, %add3A_30 : vector<400x128xf32>
    %get3A_32 = arith.constant 0 : index
    %get3A_33 = arith.constant 0 : index
    %get3A_34 = vector.load %arg4[%get3A_32, %get3A_33] : memref<400x128xf32, #tpu.memory_space<vmem>>, vector<400x128xf32>
    %gt3A = arith.constant 0.000000e+00 : f32
    %gt3A_35 = vector.broadcast %gt3A : f32 to vector<400x128xf32>
    %gt3A_36 = arith.cmpf ogt, %add3A_31, %gt3A_35 : vector<400x128xf32>
    %min3A = arith.constant 0.000000e+00 : f32
    %min3A_37 = vector.broadcast %min3A : f32 to vector<400x128xf32>
    %min3A_38 = arith.minimumf %add3A_31, %min3A_37 : vector<400x128xf32>
    %exp3A = math.exp %min3A_38 : vector<400x128xf32>
    %sub3A = arith.constant 1.000000e+00 : f32
    %sub3A_39 = vector.broadcast %sub3A : f32 to vector<400x128xf32>
    %sub3A_40 = arith.subf %exp3A, %sub3A_39 : vector<400x128xf32>
    %select_n3A = arith.select %gt3A_36, %add3A_31, %sub3A_40 : vector<400x128xi1>, vector<400x128xf32>
    %add3A_41 = arith.addf %get3A_34, %select_n3A : vector<400x128xf32>
    %swap3A = arith.constant 0 : index
    %swap3A_42 = arith.constant 0 : index
    %swap3A_43 = vector.load %arg5[%swap3A, %swap3A_42] : memref<400x128xf32, #tpu.memory_space<vmem>>, vector<400x128xf32>
    tpu.vector_store %arg5[%swap3A, %swap3A_42], %add3A_41 {strides = array<i32>} : memref<400x128xf32, #tpu.memory_space<vmem>>, vector<400x128xf32>,
    return
  }
  func.func @transform_0(%arg0: i32) -> (i32, i32, i32) {
    %c0_i32 = arith.constant 0 : i32
    %c0_i32_0 = arith.constant 0 : i32
    %c0_i32_1 = arith.constant 0 : i32
    return %c0_i32, %arg0, %c0_i32_0 : i32, i32, i32
  }
  func.func @transform_1(%arg0: i32) -> (i32, i32) {
    %c0_i32 = arith.constant 0 : i32
    %c0_i32_0 = arith.constant 0 : i32
    %c0_i32_1 = arith.constant 0 : i32
    return %c0_i32, %c0_i32_0 : i32, i32
  }
  func.func @transform_2(%arg0: i32) -> (i32, i32) {
    %c0_i32 = arith.constant 0 : i32
    %c0_i32_0 = arith.constant 0 : i32
    %c0_i32_1 = arith.constant 0 : i32
    return %c0_i32, %c0_i32_0 : i32, i32
  }
  func.func @transform_3(%arg0: i32) -> (i32, i32) {
    %c0_i32 = arith.constant 0 : i32
    %c0_i32_0 = arith.constant 0 : i32
    return %arg0, %c0_i32 : i32, i32
  }
  func.func @transform_4(%arg0: i32) -> (i32, i32) {
    %c0_i32 = arith.constant 0 : i32
    %c0_i32_0 = arith.constant 0 : i32
    return %arg0, %c0_i32 : i32, i32
  }
}

</mosaic_0001>

<sc_bundles>
// kernel: kernel.11.cloned.1.call-start
scs
__scs_entry_jumppad:
0x0: {  	(pc) =	sbr.rel $0x88, $3  }
0x1: {  	(tag) =	ssettag $0x0;
	lr =	simm.s32 $0x1  }
0x2: {  	[smem:$0x3F99] =	sst lr;
	_ =	strace $0xD0000000  }
0x3: {  	_ = 	snop  }
0x4: {  	_ = 	snop  }
0x5: {  	_ = 	snop  }
0x6: {  	_ = 	snop  }
0x7: {  	_ = 	snop  }
__scs_overlays_trampoline_lowered:
0x8: {  	[smem:$0x3FA8] =	sst s0  }
0x9: {  	[smem:$0x3FA9] =	sst s1  }
0xa: {  	[smem:$0x3FAA] =	sst s2  }
0xb: {  	[smem:$0x3FAB] =	sst s3  }
0xc: {  	[smem:$0x3FAC] =	sst s4  }
0xd: {  	[smem:$0x3FAD] =	sst s5  }
0xe: {  	[smem:$0x3FAE] =	sst s6  }
0xf: {  	[smem:$0x3FAF] =	sst s7  }
0x10: {  	[smem:$0x3FB0] =	sst s8  }
0x11: {  	[smem:$0x3FB1] =	sst s9;
	s0 =	simm.s32 @!p0 $0x0  }
0x12: {  	s1 =	sld [smem:$0x3F97];
	s0 =	simm.s32 @p0 $0x1  }
0x13: {  	[smem:$0x3FB2] =	sst s0;
	s0 =	simm.s32 @!p1 $0x0  }
0x14: {  	s2 =	sld [smem:$0x3F96];
	s0 =	simm.s32 @p1 $0x1  }
0x15: {  	[smem:$0x3FB3] =	sst s0;
	s0 =	simm.s32 @!p2 $0x0  }
0x16: {  	s3 =	sld [smem:$0x3FDB];
	s0 =	simm.s32 @p2 $0x1  }
0x17: {  	s4 =	simm.s32 $0x1BF5;
	[smem:$0x3FB5] =	sst s0  }
0x18: {  	s0 =	sld [smem:$0x3F98];
	_ =	swait.ge [sflag:s4], $0x0  }
0x19: {  	s7 =	sld [smem:$0x3F99]  }
0x1a: {  	s8 =	sadd.s32 $0xFFFFE003, lr  }
0x1b: {  	s9 =	sadd.s32 $0xFFFFFEF7, lr;
	s5 =	simm.s32 $0xFFFFFFFF;
	p2 =	slt.u32 s8, $0xFFFFF086  }
0x1c: {  	p1 =	slt.u32 s9, $0xF7A;
	s5 =	simm.s32 @!p2 $0x0  }
0x1d: {  	s5 =	simm.s32 @p1 $0x1;
	p0 =	seq.s32 s7, s2  }
0x1e: {  	s7 =	smul.u32 @!p0 $0xF7A, s2;
	p2 =	seq.s32 @!p0 s5, $0x0  }
0x1f: {  	s9 =	smul.u32 $0xF7A, s1;
	s8 =	simm.s32 @!p0 $0x1BF5;
	p2 =	por !p2, p0  }
0x20: {  	[sflag:s8] =	ssyncset.s32 @!p0 $0xFFFFF086;
	s6 =	sadd.s32 @!p0 s3, s7;
	s7 =	simm.s32 @!p0 $0x108  }
0x21: {  	s3 =	sadd.s32 s3, s9;
	s6 =	sadd.s32 @!p0 $0x88, s6;
	s7 =	simm.s32 @p2 $0x1082  }
0x22: {  	[simem:s7], [sflag:s8] =	dma.local @!p0 [hbm:s6], $0xF7A  }
0x23: {  	s9 =	sor.u32 $0xD0000000, s2;
	s6 =	simm.s32 $0x108;
	_ =	swait.ge @!p0 [sflag:s8], $0x0  }
0x24: {  	s3 =	sadd.s32 $0x88, s3;
	s6 =	simm.s32 @!p1 $0x1082;
	[sflag:s4] =	ssyncset.s32 $0xFFFFF086  }
0x25: {  	[simem:s6], [sflag:s4] =	dma.local [hbm:s3], $0xF7A  }
0x26: {  	[smem:$0x3F99] =	sst s1;
	(tag) =	ssettag s2;
	_ =	strace s9  }
0x27: {  	s1 =	sld [smem:$0x3FA9]  }
0x28: {  	s2 =	sld [smem:$0x3FAA]  }
0x29: {  	s4 =	sld [smem:$0x3FAC]  }
0x2a: {  	p0 =	seq.s32 s5, $0x0;
	s5 =	sld [smem:$0x3FAD]  }
0x2b: {  	s6 =	sld [smem:$0x3FAE]  }
0x2c: {  	s7 =	sld [smem:$0x3FAF]  }
0x2d: {  	s3 =	simm.s32 $0x108;
	s8 =	sld [smem:$0x3FB0]  }
0x2e: {  	s3 =	simm.s32 @!p0 $0x1082;
	s9 =	sld [smem:$0x3FB1]  }
0x2f: {  	lr =	sadd.s32 s0, s3;
	s0 =	sld [smem:$0x3FA8]  }
0x30: {  	s3 =	sld [smem:$0x3FAB]  }
0x31: {  	[smem:$0x3FB4] =	sst s10  }
0x32: {  	s10 =	sld [smem:$0x3FB2];
	_ =	sdelay $0x3  }
0x33: {  	p0 =	seq.s32 s10, $0x1;
	s10 =	sld [smem:$0x3FB4];
	_ =	sdelay $0x3  }
0x34: {  	[smem:$0x3FB4] =	sst s10  }
0x35: {  	s10 =	sld [smem:$0x3FB3];
	_ =	sdelay $0x3  }
0x36: {  	p1 =	seq.s32 s10, $0x1;
	s10 =	sld [smem:$0x3FB4];
	_ =	sdelay $0x3  }
0x37: {  	[smem:$0x3FB4] =	sst s10  }
0x38: {  	s10 =	sld [smem:$0x3FB5]  }
0x39: {  	_ = 	snop;
	(pc) =	sbr.ind lr, $3  }
0x3a: {  	_ = 	snop  }
0x3b: {  	_ = 	snop  }
0x3c: {  	p2 =	seq.s32 s10, $0x1;
	s10 =	sld [smem:$0x3FB4]  }
0x3d: {  	_ =	shalt  }
0x3e: {  	_ =	shalt  }
0x3f: {  	_ =	shalt  }
0x40: {  	_ =	shalt  }
0x41: {  	_ =	shalt  }
0x42: {  	_ =	shalt  }
0x43: {  	_ =	shalt  }
0x44: {  	_ =	shalt  }
0x45: {  	_ =	shalt  }
0x46: {  	_ =	shalt  }
0x47: {  	_ =	shalt  }
0x48: {  	_ =	shalt  }
0x49: {  	_ =	shalt  }
0x4a: {  	_ =	shalt  }
0x4b: {  	_ =	shalt  }
0x4c: {  	_ =	shalt  }
0x4d: {  	_ =	shalt  }
0x4e: {  	_ =	shalt  }
0x4f: {  	_ =	shalt  }
0x50: {  	_ =	shalt  }
0x51: {  	_ =	shalt  }
0x52: {  	_ =	shalt  }
0x53: {  	_ =	shalt  }
0x54: {  	_ =	shalt  }
0x55: {  	_ =	shalt  }
0x56: {  	_ =	shalt  }
0x57: {  	_ =	shalt  }
0x58: {  	_ =	shalt  }
0x59: {  	_ =	shalt  }
0x5a: {  	_ =	shalt  }
0x5b: {  	_ =	shalt  }
0x5c: {  	_ =	shalt  }
0x5d: {  	_ =	shalt  }
0x5e: {  	_ =	shalt  }
0x5f: {  	_ =	shalt  }
0x60: {  	_ =	shalt  }
0x61: {  	_ =	shalt  }
0x62: {  	_ =	shalt  }
0x63: {  	_ =	shalt  }
0x64: {  	_ =	shalt  }
0x65: {  	_ =	shalt  }
0x66: {  	_ =	shalt  }
0x67: {  	_ =	shalt  }
0x68: {  	_ =	shalt  }
0x69: {  	_ =	shalt  }
0x6a: {  	_ =	shalt  }
0x6b: {  	_ =	shalt  }
0x6c: {  	_ =	shalt  }
0x6d: {  	_ =	shalt  }
0x6e: {  	_ =	shalt  }
0x6f: {  	_ =	shalt  }
0x70: {  	_ =	shalt  }
0x71: {  	_ =	shalt  }
0x72: {  	_ =	shalt  }
0x73: {  	_ =	shalt  }
0x74: {  	_ =	shalt  }
0x75: {  	_ =	shalt  }
0x76: {  	_ =	shalt  }
0x77: {  	_ =	shalt  }
0x78: {  	_ =	shalt  }
0x79: {  	_ =	shalt  }
0x7a: {  	_ =	shalt  }
0x7b: {  	_ =	shalt  }
0x7c: {  	_ =	shalt  }
0x7d: {  	_ =	shalt  }
0x7e: {  	_ =	shalt  }
0x7f: {  	_ =	shalt  }
0x80: {  	_ =	shalt  }
0x81: {  	_ =	shalt  }
0x82: {  	_ =	shalt  }
0x83: {  	_ =	shalt  }
0x84: {  	_ =	shalt  }
0x85: {  	_ =	shalt  }
0x86: {  	_ =	shalt  }
0x87: {  	_ =	shalt  }
.Lfunc_end0:
.L_simem_size_0:
called_computation.1_lowered:
.L_overlay_start_0:
0x88: {  	s2 =	sld [smem:$0x3FD9]  }
0x89: {  	s3 =	sld [smem:$0x3FFE];
	_ =	sdelay $0x1  }
0x8a: {  	s1 =	srdreg.scid  }
0x8b: {  	s0 =	sand.u32 $0x1, s1  }
0x8c: {  	s17 =	sshll.u32 s0, $0xA;
	s2 =	sadd.s32 s3, s2  }
0x8d: {  	s2 =	sadd.s32 s2, s17  }
0x8e: {  	[smem:$0x3FC0] =	sst s2  }
0x8f: {  	_ = 	snop  }
0x90: {  	s2 =	sld [smem:$0x3FD0];
	(tm) =	ssettm $0x1  }
0x91: {  	s18 =	sld [smem:$0x3FFB];
	_ =	sdelay $0x3  }
0x92: {  	_ =	strace s18  }
0x93: {  	s3 =	sld [smem:$0x3FFC];
	_ =	sdelay $0x3  }
0x94: {  	_ =	strace s3  }
0x95: {  	s3 =	sld [smem:$0x3FFD];
	_ =	sdelay $0x3  }
0x96: {  	_ =	strace s3  }
0x97: {  	_ =	strace $0x8FFFFFFF  }
0x98: {  	s19 =	sld [smem:$0x3FDB];
	_ =	sdelay $0x1  }
0x99: {  	s4 =	simm.s32 $_scs_section_size  }
0x9a: {  	s5 =	simm.s32 $_size__tile_overlayer_lowered;
	s6 =	simm.s32 $_tile_overlayer_lowered  }
0x9b: {  	s22 =	simm.s32 $0x1BFF;
	s21 =	sshll.u32 s6, $0x1;
	s3 =	sadd.s32 s4, s19  }
0x9c: {  	s7 =	simm.s32 $0x0;
	s20 =	sshll.u32 s5, $0x1;
	s5 =	sadd.s32 s21, s3  }
0x9d: {  	[timem:s7], [sflag:s22] =	dma.local [hbm:s5], s20  }
0x9e: {  	_ =	swait.ge [sflag:s22], s20  }
0x9f: {  	s4 =	ssub.s32 $0x0, s20;
	[sflag:s22] =	ssyncset.done $0x0  }
0xa0: {  	[sflag:s22] =	ssyncadd.s32 s4;
	_ =	sdelay $0x1  }
0xa1: {  	s23 =	simm.s32 $0x1B8B  }
0xa2: {  	_ =	swait.ge [sflag:s23], $0x1  }
0xa3: {  	[sflag:s23] =	ssyncset.done $0x0  }
0xa4: {  	s25 =	simm.s32 $0x1B8E;
	s24 =	sld [smem:$0x3FFE];
	[sflag:s23] =	ssyncadd.s32 $0xFFFFFFFF  }
0xa5: {  	s26 =	simm.s32 $execute0_lowered;
	[smem:$0x3FD2] =	sst s25  }
0xa6: {  	s5 =	sshll.u32 s26, $0x1;
	_ =	strace $0x80000049;
	[dreg:$0x1] =	wrdreg $0xFFFFFFFF  }
0xa7: {  	s28 =	simm.s32 $_size_execute0_lowered;
	s3 =	sadd.s32 s3, s5;
	[dreg:$0x0] =	wrdreg $0x0  }
0xa8: {  	s5 =	sshll.u32 s28, $0x1;
	[dreg:$0x2] =	wrdreg s3  }
0xa9: {  	[dreg:$0x3] =	wrdreg s5  }
0xaa: {  	[dreg:$0x4] =	wrdreg $0xC0  }
0xab: {  	_ =	task [dreg:s7], $0x5FFFF  }
0xac: {  	[dreg:$0x1] =	wrdreg $0xFFFFFFFF  }
0xad: {  	[dreg:$0x0] =	wrdreg $0x60  }
0xae: {  	[dreg:$0x2] =	wrdreg s24  }
0xaf: {  	[dreg:$0x3] =	wrdreg s2  }
0xb0: {  	[dreg:$0x4] =	wrdreg $0x0  }
0xb1: {  	[dreg:$0x5] =	wrdreg $0x9  }
0xb2: {  	_ =	task.clear_ibuf [dreg:s7], $0x6FFFF;
	_ =	strace $0x90000049  }
0xb3: {  	s29 =	simm.s32 $0x9;
	_ =	strace $0x8000004B  }
0xb4: {  	_ =	swait.ge [sflag:s29], $0x1  }
0xb5: {  	[sflag:s29] =	ssyncadd.s32 $0xFFFFFFFF  }
0xb6: {  	_ =	strace $0x9000004B  }
0xb7: {  	_ =	sfence  }
0xb8: {  	s30 =	sld [smem:$0x0];
	_ =	sdelay $0x2  }
0xb9: {  	s31 =	sshll.u32 s1, $0xD;
	s1 =	sshrl.u32 s1, $0x2  }
0xba: {  	s3 =	sand.u32 $0x4000, s31;
	s1 =	sadd.s32 s1, s30  }
0xbb: {  	s0 =	sor.u32 s3, s0;
	s1 =	sshll.u32 s1, $0x11  }
0xbc: {  	s0 =	sor.u32 s1, s0  }
0xbd: {  	s0 =	sadd.s32 $0x8F2B, s0  }
0xbe: {  	[sflag:s0] =	ssyncadd.remote.s32 $0x1  }
0xbf: {  	_ =	sfence.sel $0xFFFF  }
0xc0: {  	[dreg:$0x0] =	wrdreg $0xFFFFFFFF;
	(pc) =	sbr.abs _section_cstart, $3  }
0xc1: {  	[dreg:$0x1] =	wrdreg $0xFFFFFFFF  }
0xc2: {  	_ =	task.clear_ibuf [dreg:s7], $0x2FFFF;
	_ =	strace $0x9FFFFFFF  }
0xc3: {  	(tm) =	ssettm $0x7FFFFFFF  }
tec
execute0_lowered:
.L_overlay_start_1:
0x0: {  	(tag) =	ssettag $0x1  }
0x1: {  	s21 =	rddreg [dreg:$0x0]  }
0x2: {  	s2 =	rddreg [dreg:$0x1]  }
0x3: {  	s3 =	rddreg [dreg:$0x2]  }
0x4: {  	s4 =	simm.s32 $0x0;
	s0 =	srdreg.scid;
	s22 =	stileid.u32  }
0x5: {  	[smem:$0x7FF] =	sst s4;
	s6 =	sadd.s32 $0x31200, s21;
	s0 =	sand.u32 $0x1, s0  }
0x6: {  	s7 =	sshll.u32 s22, $0x7;
	s9 =	smul.u32 $0x12000, s22;
	s5 =	ssub.s32 $0x2, s0  }
0x7: {  	s10 =	sor.u32 $0x800, s7;
	s25 =	sshll.u32 s0, $0x4;
	s0 =	smul.u32 $0x15F900, s0  }
0x8: {  	s1 =	sadd.s32 $0x3BE00, s21;
	s11 =	sor.u32 $0x1000, s7;
	s24 =	smul.u32 $0x240, s10  }
0x9: {  	s17 =	sshll.u32 s22, $0x6;
	s13 =	sor.u32 $0x1800, s7;
	s12 =	smul.u32 $0x240, s11  }
0xa: {  	p0 =	seq.s32 s22, $0xF;
	s29 =	sadd.s32 $0x200, s21;
	s15 =	smul.u32 $0x240, s13  }
0xb: {  	s30 =	sadd.s32 $0x2C200, s21;
	s31 =	sadd.s32 $0x3B400, s21;
	s10 =	smul.u32 $0x90, s10  }
0xc: {  	_ =	strace $0x8000004A;
	s14 =	sor.u32 $0x2000, s7;
	s11 =	smul.u32 $0x90, s11  }
0xd: {  	s8 =	sshrl.u32 s5, $0x1;
	s16 =	smin.u32 s14, $0x2691;
	s13 =	smul.u32 $0x90, s13  }
0xe: {  	s7 =	sor.u32 s22, s25;
	s9 =	sshrl.u32 s9, $0x2;
	s16 =	smul.u32 $0x240, s16  }
0xf: {  	s14 =	smin.u32 s14, $0x2690;
	s5 =	ssub.s32 s5, s8;
	s18 =	smul.u32 $0x2800, s7  }
0x10: {  	s9 =	sadd.s32 s9, s3;
	s7 =	sor.u32 $0x1C03, s17;
	s17 =	smul.u32 $0x4800, s22  }
0x11: {  	s14 =	smul.u32 $0x90, s14;
	s8 =	sshrl.u32 s24, $0x2;
	s12 =	sshrl.u32 s12, $0x2  }
0x12: {  	s15 =	sshrl.u32 s15, $0x2;
	s20 =	sadd.s32 s0, s10;
	s23 =	sadd.s32 s0, s13  }
0x13: {  	s10 =	sadd.s32 s10, s3;
	s13 =	sadd.s32 s13, s3;
	s5 =	smax.u32 s5, $0x1  }
0x14: {  	s8 =	sadd.s32 s8, s3;
	s12 =	sadd.s32 s12, s3;
	s16 =	sshrl.u32 s16, $0x2  }
0x15: {  	s19 =	sadd.s32 s17, s0;
	s20 =	sshrl.u32 s20, $0x3;
	s24 =	sshrl.u32 s23, $0x3  }
0x16: {  	s25 =	sshrl.u32 s18, $0x3;
	[dreg:$0xb] =	wrdreg s5;
	s23 =	sshrl.u32 s9, $0x3  }
0x17: {  	s5 =	simm.s32 $0x15FA0;
	s9 =	simm.s32 $0x161A0;
	s19 =	sshrl.u32 s19, $0x3  }
0x18: {  	s26 =	sadd.s32 s1, s20;
	s20 =	sadd.s32 s0, s11;
	s0 =	sadd.s32 s0, s14  }
0x19: {  	s11 =	sadd.s32 s11, s3;
	s14 =	sadd.s32 s14, s3;
	[dreg:$0xc] =	wrdreg s23  }
0x1a: {  	s19 =	sadd.s32 s1, s19;
	[dreg:$0x5] =	wrdreg s26;
	s0 =	sshrl.u32 s0, $0x3  }
0x1b: {  	s26 =	sadd.s32 s15, s3;
	s15 =	sor.u32 $0x80, s18;
	s28 =	sshrl.u32 @!p0 s14, $0x3  }
0x1c: {  	[dreg:$0x4] =	wrdreg s19;
	s19 =	sshrl.u32 s20, $0x3;
	s0 =	sadd.s32 s1, s0  }
0x1d: {  	s14 =	simm.s32 $0x1;
	s19 =	sadd.s32 s1, s19;
	[dreg:$0x8] =	wrdreg s0  }
0x1e: {  	s20 =	sadd.s32 s17, s3;
	s0 =	sadd.s32 s6, s25;
	[dreg:$0x6] =	wrdreg s19  }
0x1f: {  	s17 =	simm.s32 $0x2;
	s19 =	sadd.s32 s1, s24;
	[dreg:$0xa] =	wrdreg s0  }
0x20: {  	s24 =	sshrl.u32 s8, $0x3;
	s1 =	sshrl.u32 s26, $0x3;
	[dreg:$0x7] =	wrdreg s19  }
0x21: {  	s0 =	sshrl.u32 s20, $0x3;
	s26 =	sshrl.u32 s10, $0x3;
	[dreg:$0xd] =	wrdreg s24  }
0x22: {  	s8 =	simm.s32 $0x80;
	s10 =	simm.s32 $0x16020;
	[dreg:$0xf] =	wrdreg s1  }
0x23: {  	s19 =	sadd.s32 s16, s3;
	s16 =	sadd.s32 s2, s25;
	[dreg:$0x11] =	wrdreg s0  }
0x24: {  	s25 =	sshrl.u32 s12, $0x3;
	[dreg:$0x12] =	wrdreg s26;
	s26 =	sshrl.u32 s13, $0x3  }
0x25: {  	s0 =	simm.s32 $0x3;
	s12 =	simm.s32 $0x1A9A0;
	[dreg:$0x9] =	wrdreg s16  }
0x26: {  	s13 =	simm.s32 $0x1F1A0;
	s16 =	sor.u32 $0x100, s18;
	[dreg:$0xe] =	wrdreg s25  }
0x27: {  	vm0 =	vmmov $0xf;
	v0 =	vimm.s32 $0x0;
	s1 =	sshrl.u32 @!p0 s19, $0x3;
	s25 =	sshrl.u32 s11, $0x3;
	s11 =	simm.s32 $0x16120  }
0x28: {  	v1 =	vimm.s32 $0x1;
	v2 =	vimm.s32 $0x2;
	v3 =	vimm.s32 $0x3;
	s18 =	simm.s32 $0x0;
	[dreg:$0x10] =	wrdreg s1;
	s1 =	simm.s32 $0x160A0  }
.LBB2_1:
0x29: {  	s19 =	rddreg [dreg:$0xc]  }
0x2a: {  	[spmem:s19], [sflag:s7] =	dma.local [hbm:s31], $0x900  }
0x2b: {  	_ =	swait.ge [sflag:s0], $0x900  }
0x2c: {  	[sflag:s0] =	ssyncset.done $0x0  }
0x2d: {  	s20 =	rddreg [dreg:$0xd];
	[sflag:s0] =	ssyncadd.s32 $0xFFFFF700  }
0x2e: {  	[spmem:s20], [sflag:s7] =	dma.local [hbm:s31], $0x900  }
0x2f: {  	_ =	swait.ge [sflag:s0], $0x900  }
0x30: {  	[sflag:s0] =	ssyncset.done $0x0  }
0x31: {  	s21 =	rddreg [dreg:$0xe];
	[sflag:s0] =	ssyncadd.s32 $0xFFFFF700  }
0x32: {  	[spmem:s21], [sflag:s7] =	dma.local [hbm:s31], $0x900  }
0x33: {  	_ =	swait.ge [sflag:s0], $0x900  }
0x34: {  	[sflag:s0] =	ssyncset.done $0x0  }
0x35: {  	s22 =	rddreg [dreg:$0xf];
	[sflag:s0] =	ssyncadd.s32 $0xFFFFF700  }
0x36: {  	[spmem:s22], [sflag:s7] =	dma.local [hbm:s31], $0x900  }
0x37: {  	_ =	swait.ge [sflag:s0], $0x900  }
0x38: {  	[sflag:s0] =	ssyncset.done $0x0  }
0x39: {  	s19 =	rddreg [dreg:$0x10];
	[sflag:s0] =	ssyncadd.s32 $0xFFFFF700  }
0x3a: {  	[spmem:s19], [sflag:s7] =	dma.local @!p0 [hbm:s31], $0x900  }
0x3b: {  	s19 =	simm.s32 @!p0 $0x3  }
0x3c: {  	_ =	swait.ge @!p0 [sflag:s19], $0x900  }
0x3d: {  	[sflag:s19] =	ssyncset.done @!p0 $0x0  }
0x3e: {  	[sflag:s19] =	ssyncadd.s32 @!p0 $0xFFFFF700  }
0x3f: {  	s20 =	simm.s32 $0x1F9A0;
	s19 =	rddreg [dreg:$0x0]  }
0x40: {  	[tilespmem:s20], [sflag:$0x3] =	stream.linear.gather [hbm4b:s19+s4], $0x10, $0x38;
	[tilespmem:$0x1F9B0] =	vst v63  }
0x41: {  	_ =	swait.ge [sflag:s0], $0x10  }
0x42: {  	[sflag:s0] =	ssyncset.done $0x0  }
0x43: {  	[sflag:s0] =	ssyncadd.s32 $0xFFFFFFF0  }
0x44: {  	[bflag:$0x0] =	sbarrier.arrive $0xFFFF  }
0x45: {  	s23 =	rddreg [dreg:$0x9]  }
0x46: {  	v4 =	vld [tilespmem:$0x1F9A0];
	[tilespmem:s5], [sflag:$0x3] =	stream.linear.gather [hbm4b:s23+s4], $0x80, $0x38  }
0x47: {  	_ =	swait.ge [sflag:s0], $0x80  }
0x48: {  	[sflag:s0] =	ssyncset.done $0x0  }
0x49: {  	s24 =	rddreg [dreg:$0xa];
	[sflag:s0] =	ssyncadd.s32 $0xFFFFFF80  }
0x4a: {  	[tilespmem:s1], [sflag:$0x3] =	stream.linear.gather [hbm4b:s24+s4], $0x80, $0x38;
	[tilespmem:$0x1F9B0] =	vst v63  }
0x4b: {  	_ =	swait.ge [sflag:s0], $0x80  }
0x4c: {  	[sflag:s0] =	ssyncset.done $0x0  }
0x4d: {  	s19 =	simm.s32 $0x0;
	[sflag:s0] =	ssyncadd.s32 $0xFFFFFF80  }
0x4e: {  	[tilespmem:s9], [sflag:$0x1] =	stream.indirect.gather [hbm4b:s29+s8], $0x90, s5, s8, $0xb8;
	[tilespmem:$0x1F9B0] =	vst v63  }
.LBB2_2:
0x4f: {  	s20 =	sshll.u32 s19, $0x8  }
0x50: {  	s21 =	sadd.s32 s20, s15  }
0x51: {  	s21 =	sshrl.u32 s21, $0x3  }
0x52: {  	s22 =	sadd.s32 s2, s21  }
0x53: {  	[tilespmem:s10], [sflag:$0x3] =	stream.linear.gather [hbm4b:s22+s4], $0x80, $0x38;
	[tilespmem:$0x1F9B0] =	vst v63  }
0x54: {  	_ =	swait.ge [sflag:s0], $0x80  }
0x55: {  	[sflag:s0] =	ssyncset.done $0x0  }
0x56: {  	s21 =	sadd.s32 s6, s21;
	[sflag:s0] =	ssyncadd.s32 $0xFFFFFF80  }
0x57: {  	[tilespmem:s11], [sflag:$0x3] =	stream.linear.gather [hbm4b:s21+s4], $0x80, $0x38;
	[tilespmem:$0x1F9B0] =	vst v63  }
0x58: {  	_ =	swait.ge [sflag:s0], $0x80  }
0x59: {  	[sflag:s0] =	ssyncset.done $0x0  }
0x5a: {  	[sflag:s0] =	ssyncadd.s32 $0xFFFFFF80  }
0x5b: {  	[tilespmem:s12], [sflag:$0x2] =	stream.indirect.gather [hbm4b:s29+s8], $0x90, s10, s8, $0xb8;
	[tilespmem:$0x1F9B0] =	vst v63  }
0x5c: {  	_ = 	snop  }
0x5d: {  	[tilespmem:s13], [sflag:$0x3] =	stream.indirect.gather [hbm4b:s30+s8], $0x10, s1, s8, $0xb8;
	[tilespmem:$0x1F9B0] =	vst v63  }
0x5e: {  	_ =	swait.ge [sflag:s0], $0x800  }
0x5f: {  	[sflag:s0] =	ssyncset.done $0x0  }
0x60: {  	[sflag:s0] =	ssyncadd.s32 $0xFFFFF800  }
0x61: {  	_ =	swait.ge [sflag:s14], $0x4800  }
0x62: {  	[sflag:s14] =	ssyncset.done $0x0  }
0x63: {  	s21 =	simm.s32 $0x162C0;
	[sflag:s14] =	ssyncadd.s32 $0xFFFFB800  }
0x64: {  	s22 =	simm.s32 $0x1F1C0;
	v5 =	vld [tilespmem:s21+$0x110]  }
0x65: {  	v6 =	vld [tilespmem:s22+$0x10]  }
0x66: {  	v7 =	vld [tilespmem:s22+$0xFFFFFFE0]  }
0x67: {  	v8 =	vld [tilespmem:s21+$0xFFFFFFF0]  }
0x68: {  	v9 =	vld [tilespmem:s22+$0xFFFFFFF0]  }
0x69: {  	v10 =	vld [tilespmem:s21+$0x80]  }
0x6a: {  	v11 =	vld [tilespmem:s22+$0x0]  }
0x6b: {  	v12 =	vld [tilespmem:s21+$0xFFFFFF60];
	v5 =	vadd.f32 v6, v5;
	v6 =	vadd.f32 v6, v4  }
0x6c: {  	v20 =	vld [tilespmem:s21+$0xFFFFFEE0]  }
0x6d: {  	v21 =	vld [tilespmem:s21+$0xFFFFFEF0];
	v13 =	vmul.f32 $2.000000030e-01, v5;
	v14 =	vmul.f32 $2.000000030e-01, v6  }
0x6e: {  	v24 =	vld [tilespmem:s21+$0xFFFFFF00];
	v15 =	vadd.f32 v7, v4;
	v8 =	vadd.f32 v9, v8  }
0x6f: {  	v35 =	vld [tilespmem:s21+$0xFFFFFF10];
	v16 =	vadd.f32 v9, v4;
	v5 =	vmax.f32 v5, v13;
	v6 =	vmax.f32 v6, v14  }
0x70: {  	v37 =	vld [tilespmem:s21+$0xFFFFFF20];
	v13 =	vmul.f32 $2.000000030e-01, v15;
	v5 =	vsub.f32 v5, v6;
	v6 =	vadd.f32 v7, v12  }
0x71: {  	v38 =	vld [tilespmem:s21+$0xFFFFFF30];
	v7 =	vmul.f32 $2.000000030e-01, v8;
	v12 =	vmul.f32 $2.000000030e-01, v16  }
0x72: {  	v18 =	vld [tilespmem:s21+$0xFFFFFF80];
	v10 =	vadd.f32 v11, v10;
	v5 =	vmul.f32 $1.442695020e+00, v5;
	v17 =	vmul.f32 $2.000000030e-01, v6  }
0x73: {  	v19 =	vld [tilespmem:s21+$0xFFFFFF90];
	v14 =	vadd.f32 v11, v4;
	v7 =	vmax.f32 v8, v7;
	v8 =	vmax.f32 v16, v12  }
0x74: {  	v22 =	vld [tilespmem:s21+$0xFFFFFFA0];
	(erf) = vpow2.f32 v5;
	v5 =	vmax.f32 v6, v17;
	v6 =	vsub.f32 v7, v8  }
0x75: {  	v23 =	vld [tilespmem:s21+$0xFFFFFFB0];
	v15 =	vmax.f32 v15, v13;
	v7 =	vmul.f32 $2.000000030e-01, v10;
	v8 =	vmul.f32 $2.000000030e-01, v14  }
0x76: {  	v25 =	vld [tilespmem:s21+$0xFFFFFFC0];
	v5 =	vsub.f32 v5, v15;
	v6 =	vmul.f32 $1.442695020e+00, v6  }
0x77: {  	v26 =	vld [tilespmem:s21+$0xFFFFFFD0];
	v7 =	vmax.f32 v10, v7;
	v8 =	vmax.f32 v14, v8  }
0x78: {  	v28 =	vld [tilespmem:s21+$0xFFFFFFE0];
	v5 =	vmul.f32 $1.442695020e+00, v5;
	v7 =	vsub.f32 v7, v8;
	(erf) = vpow2.f32 v6  }
0x79: {  	v29 =	vld [tilespmem:s21+$0x0]  }
0x7a: {  	v33 =	vld [tilespmem:s21+$0x10];
	(erf) = vpow2.f32 v5;
	v5 =	vmul.f32 $1.442695020e+00, v7  }
0x7b: {  	v31 =	vld [tilespmem:s21+$0x20]  }
0x7c: {  	v30 =	vld [tilespmem:s21+$0x30];
	(erf) = vpow2.f32 v5  }
0x7d: {  	v6 =	vld [tilespmem:s21+$0x100]  }
0x7e: {  	v34 =	vld [tilespmem:s21+$0x40];
	v5 =	vpop (erf)  }
0x7f: {  	v27 =	vld [tilespmem:s21+$0x50];
	v14 =	vnsel vm0, $0x0, v5  }
0x80: {  	v9 =	vld [tilespmem:s21+$0xFFFFFF40];
	v5 =	vperm.xlane v14, v3  }
0x81: {  	v11 =	vld [tilespmem:s21+$0xFFFFFF50];
	v8 =	vperm.xlane v14, v0;
	v7 =	vperm.xlane v14, v1;
	v12 =	vpop (erf)  }
0x82: {  	v13 =	vld [tilespmem:s21+$0xFFFFFF70];
	v10 =	vmul.f32 v6, v5;
	v6 =	vperm.xlane v14, v2;
	v17 =	vnsel vm0, $0x0, v12  }
0x83: {  	v16 =	vld [tilespmem:s21+$0x70];
	v12 =	vpop (erf);
	v45 =	vperm.xlane v17, v0;
	v43 =	vperm.xlane v17, v1  }
0x84: {  	[tilespmem:s21+$0x110] =	vst v14;
	v14 =	vld [tilespmem:s21+$0xA0];
	v36 =	vnsel vm0, $0x0, v12;
	v47 =	vperm.xlane v17, v2;
	v46 =	vperm.xlane v17, v3  }
0x85: {  	v12 =	vld [tilespmem:s21+$0x60];
	v39 =	vperm.xlane v36, v0;
	v40 =	vperm.xlane v36, v1;
	v15 =	vpop (erf)  }
0x86: {  	[tilespmem:s21+$0x100] =	vst v10;
	v10 =	vld [tilespmem:s21+$0x90];
	v51 =	vperm.xlane v36, v2;
	v48 =	vperm.xlane v36, v3;
	v49 =	vnsel vm0, $0x0, v15  }
0x87: {  	[tilespmem:s21+$0xFFFFFFF0] =	vst v17;
	v17 =	vld [tilespmem:s21+$0xC0];
	v44 =	vperm.xlane v49, v0;
	v42 =	vperm.xlane v49, v1  }
0x88: {  	v15 =	vld [tilespmem:s21+$0xB0];
	v41 =	vperm.xlane v49, v2;
	v32 =	vperm.xlane v49, v3  }
0x89: {  	[tilespmem:s21+$0xFFFFFF60] =	vst v36;
	v52 =	vmul.f32 v20, v39;
	v50 =	vmul.f32 v21, v39;
	v20 =	vld [tilespmem:s21+$0xD0]  }
0x8a: {  	[tilespmem:s21+$0x80] =	vst v49;
	v49 =	vmul.f32 v24, v40;
	v36 =	vmul.f32 v35, v40;
	v21 =	vld [tilespmem:s21+$0xE0]  }
0x8b: {  	s23 =	simm.s32 $0x0;
	s24 =	simm.s32 $0x16500;
	v37 =	vmul.f32 v37, v51;
	v35 =	vmul.f32 v38, v51;
	v24 =	vld [tilespmem:s21+$0xF0];
	[tilespmem:s21+$0xFFFFFEE0] =	vst v52  }
.LBB2_3:
0x8c: {  	v38 =	vld [tilespmem:s24+$0x110];
	[tilespmem:s21+$0xFFFFFEF0] =	vst v50;
	v9 =	vmul.f32 v9, v48;
	v11 =	vmul.f32 v11, v48;
	s22 =	sadd.s32 $0x40, s22  }
0x8d: {  	s23 =	sadd.s32 $0x4, s23;
	v13 =	vmul.f32 v13, v45;
	v18 =	vmul.f32 v18, v45;
	v39 =	vld [tilespmem:s22+$0x10];
	[tilespmem:s21+$0xFFFFFF00] =	vst v49  }
0x8e: {  	v19 =	vmul.f32 v19, v43;
	v22 =	vmul.f32 v22, v43;
	p1 =	slt.u32 s23, $0x7C;
	v40 =	vld [tilespmem:s22+$0xFFFFFFE0];
	[tilespmem:s21+$0xFFFFFF10] =	vst v36  }
0x8f: {  	v23 =	vmul.f32 v23, v47;
	v25 =	vmul.f32 v25, v47;
	v43 =	vld [tilespmem:s24+$0xFFFFFFF0];
	[tilespmem:s21+$0xFFFFFF20] =	vst v37  }
0x90: {  	v26 =	vmul.f32 v26, v46;
	v28 =	vmul.f32 v28, v46;
	v37 =	vld [tilespmem:s22+$0xFFFFFFF0];
	[tilespmem:s21+$0xFFFFFF30] =	vst v35  }
0x91: {  	v29 =	vmul.f32 v29, v44;
	v33 =	vmul.f32 v33, v44;
	v45 =	vld [tilespmem:s24+$0x80];
	[tilespmem:s21+$0xFFFFFF40] =	vst v9  }
0x92: {  	v31 =	vmul.f32 v31, v42;
	v9 =	vld [tilespmem:s22+$0x0];
	v38 =	vadd.f32 v39, v38;
	v39 =	vadd.f32 v39, v4;
	[tilespmem:s21+$0xFFFFFF50] =	vst v11  }
0x93: {  	v30 =	vmul.f32 v30, v42;
	v34 =	vmul.f32 v34, v41;
	v11 =	vld [tilespmem:s24+$0xFFFFFF60];
	v44 =	vadd.f32 v40, v4;
	[tilespmem:s21+$0xFFFFFF70] =	vst v13  }
0x94: {  	v35 =	vld [tilespmem:s24+$0xFFFFFEE0];
	v13 =	vmul.f32 $2.000000030e-01, v38;
	v42 =	vmul.f32 $2.000000030e-01, v39;
	[tilespmem:s21+$0xFFFFFF80] =	vst v18  }
0x95: {  	v18 =	vmul.f32 $2.000000030e-01, v44;
	v36 =	vld [tilespmem:s24+$0xFFFFFEF0];
	v43 =	vadd.f32 v37, v43;
	v46 =	vadd.f32 v37, v4;
	[tilespmem:s21+$0xFFFFFF90] =	vst v19  }
0x96: {  	v27 =	vmul.f32 v27, v41;
	v37 =	vld [tilespmem:s24+$0xFFFFFF00];
	v13 =	vmax.f32 v38, v13;
	v19 =	vmax.f32 v39, v42;
	[tilespmem:s21+$0xFFFFFFA0] =	vst v22  }
0x97: {  	v38 =	vld [tilespmem:s24+$0xFFFFFF10];
	v22 =	vmul.f32 $2.000000030e-01, v43;
	v41 =	vadd.f32 v9, v45;
	v13 =	vsub.f32 v13, v19;
	[tilespmem:s21+$0xFFFFFFB0] =	vst v23  }
0x98: {  	v23 =	vmul.f32 $2.000000030e-01, v46;
	v42 =	vadd.f32 v9, v4;
	v19 =	vadd.f32 v40, v11;
	v39 =	vld [tilespmem:s24+$0xFFFFFF20];
	[tilespmem:s21+$0xFFFFFFC0] =	vst v25  }
0x99: {  	v18 =	vmax.f32 v44, v18;
	v40 =	vld [tilespmem:s24+$0xFFFFFF30];
	v25 =	vmul.f32 $2.000000030e-01, v41;
	v13 =	vmul.f32 $1.442695020e+00, v13;
	[tilespmem:s21+$0xFFFFFFD0] =	vst v26  }
0x9a: {  	v22 =	vmax.f32 v43, v22;
	v43 =	vmul.f32 $2.000000030e-01, v42;
	v26 =	vmul.f32 $2.000000030e-01, v19;
	v9 =	vld [tilespmem:s24+$0xFFFFFF40];
	[tilespmem:s21+$0xFFFFFFE0] =	vst v28  }
0x9b: {  	v23 =	vmax.f32 v46, v23;
	v11 =	vld [tilespmem:s24+$0xFFFFFF50];
	v25 =	vmax.f32 v41, v25;
	(erf) = vpow2.f32 v13;
	[tilespmem:s21+$0x0] =	vst v29  }
0x9c: {  	v22 =	vsub.f32 v22, v23;
	v23 =	vmax.f32 v42, v43;
	v19 =	vmax.f32 v19, v26;
	v13 =	vld [tilespmem:s24+$0xFFFFFF70];
	[tilespmem:s21+$0x10] =	vst v33  }
0x9d: {  	v12 =	vmul.f32 v12, v32;
	v23 =	vsub.f32 v25, v23;
	v26 =	vsub.f32 v19, v18;
	v18 =	vld [tilespmem:s24+$0xFFFFFF80];
	[tilespmem:s21+$0x20] =	vst v31  }
0x9e: {  	v16 =	vmul.f32 v16, v32;
	v25 =	vmul.f32 $1.442695020e+00, v22;
	v19 =	vld [tilespmem:s24+$0xFFFFFF90];
	[tilespmem:s21+$0x30] =	vst v30  }
0x9f: {  	v28 =	vmul.f32 $1.442695020e+00, v23;
	v26 =	vmul.f32 $1.442695020e+00, v26;
	v22 =	vld [tilespmem:s24+$0xFFFFFFA0];
	[tilespmem:s21+$0x40] =	vst v34  }
0xa0: {  	v10 =	vmul.f32 v10, v8;
	v23 =	vld [tilespmem:s24+$0xFFFFFFB0];
	(erf) = vpow2.f32 v25;
	[tilespmem:s21+$0x50] =	vst v27  }
0xa1: {  	v8 =	vmul.f32 v14, v8;
	v25 =	vld [tilespmem:s24+$0xFFFFFFC0];
	(erf) = vpow2.f32 v26;
	[tilespmem:s21+$0x60] =	vst v12  }
0xa2: {  	v12 =	vmul.f32 v15, v7;
	v26 =	vld [tilespmem:s24+$0xFFFFFFD0];
	(erf) = vpow2.f32 v28;
	[tilespmem:s21+$0x70] =	vst v16  }
0xa3: {  	v7 =	vmul.f32 v17, v7;
	v14 =	vld [tilespmem:s24+$0x100];
	[tilespmem:s21+$0x90] =	vst v10;
	v10 =	vmul.f32 v20, v6  }
0xa4: {  	v17 =	vmul.f32 v24, v5;
	v16 =	vmul.f32 v21, v6;
	v28 =	vld [tilespmem:s24+$0xFFFFFFE0];
	v15 =	vpop (erf);
	[tilespmem:s21+$0xA0] =	vst v8  }
0xa5: {  	v29 =	vld [tilespmem:s24+$0x0];
	v15 =	vnsel vm0, $0x0, v15;
	[tilespmem:s21+$0xB0] =	vst v12  }
0xa6: {  	v33 =	vld [tilespmem:s24+$0x10];
	v8 =	vperm.xlane v15, v0;
	v5 =	vperm.xlane v15, v3;
	[tilespmem:s21+$0xC0] =	vst v7  }
0xa7: {  	v7 =	vperm.xlane v15, v1;
	v6 =	vperm.xlane v15, v2;
	v31 =	vld [tilespmem:s24+$0x20];
	[tilespmem:s21+$0xD0] =	vst v10  }
0xa8: {  	v30 =	vld [tilespmem:s24+$0x30];
	v20 =	vmul.f32 v14, v5;
	[tilespmem:s21+$0xE0] =	vst v16  }
0xa9: {  	v34 =	vld [tilespmem:s24+$0x40];
	v12 =	vpop (erf);
	[tilespmem:s21+$0xF0] =	vst v17;
	s21 =	smov.u32 s24  }
0xaa: {  	v14 =	vnsel vm0, $0x0, v12;
	v27 =	vld [tilespmem:s24+$0x50];
	[tilespmem:s24+$0x100] =	vst v20;
	v10 =	vpop (erf)  }
0xab: {  	v10 =	vnsel vm0, $0x0, v10;
	[tilespmem:s24+$0xFFFFFFF0] =	vst v14;
	v45 =	vperm.xlane v14, v0;
	v43 =	vperm.xlane v14, v1;
	v12 =	vld [tilespmem:s24+$0x60];
	v16 =	vpop (erf)  }
0xac: {  	[tilespmem:s24+$0xFFFFFF60] =	vst v10;
	v20 =	vperm.xlane v10, v0;
	v21 =	vperm.xlane v10, v1;
	v17 =	vnsel vm0, $0x0, v16;
	v16 =	vld [tilespmem:s24+$0x70]  }
0xad: {  	v24 =	vperm.xlane v10, v2;
	v48 =	vperm.xlane v10, v3;
	[tilespmem:s24+$0x80] =	vst v17;
	v10 =	vld [tilespmem:s24+$0x90]  }
0xae: {  	v47 =	vperm.xlane v14, v2;
	v46 =	vperm.xlane v14, v3;
	[tilespmem:s24+$0x110] =	vst v15;
	v14 =	vld [tilespmem:s24+$0xA0]  }
.Ltmp0:
0xaf: {  	v44 =	vperm.xlane v17, v0;
	v42 =	vperm.xlane v17, v1;
	v15 =	vld [tilespmem:s24+$0xB0];
	(pc) =	sbr.rel @p1 .LBB2_3-.Ltmp0, $4  }
0xb0: {  	v41 =	vperm.xlane v17, v2;
	v32 =	vperm.xlane v17, v3;
	v17 =	vld [tilespmem:s24+$0xC0]  }
0xb1: {  	v35 =	vmul.f32 v35, v20;
	v50 =	vmul.f32 v36, v20;
	v20 =	vld [tilespmem:s24+$0xD0]  }
0xb2: {  	v49 =	vmul.f32 v37, v21;
	v36 =	vmul.f32 v38, v21;
	v21 =	vld [tilespmem:s24+$0xE0]  }
0xb3: {  	v37 =	vmul.f32 v39, v24;
	s24 =	sadd.s32 $0x240, s24;
	[tilespmem:s21+$0xFFFFFEE0] =	vst v35;
	v35 =	vmul.f32 v40, v24;
	v24 =	vld [tilespmem:s21+$0xF0]  }
0xb4: {  	[tilespmem:s21+$0xFFFFFEF0] =	vst v50  }
0xb5: {  	[tilespmem:s21+$0xFFFFFF00] =	vst v49  }
0xb6: {  	[tilespmem:s21+$0xFFFFFF10] =	vst v36  }
0xb7: {  	v9 =	vmul.f32 v9, v48;
	[tilespmem:s21+$0xFFFFFF20] =	vst v37  }
0xb8: {  	v11 =	vmul.f32 v11, v48;
	[tilespmem:s21+$0xFFFFFF30] =	vst v35  }
0xb9: {  	v13 =	vmul.f32 v13, v45;
	[tilespmem:s21+$0xFFFFFF40] =	vst v9  }
0xba: {  	v9 =	vmul.f32 v18, v45;
	[tilespmem:s21+$0xFFFFFF50] =	vst v11  }
0xbb: {  	v11 =	vmul.f32 v19, v43;
	[tilespmem:s21+$0xFFFFFF70] =	vst v13  }
0xbc: {  	v13 =	vmul.f32 v22, v43;
	[tilespmem:s21+$0xFFFFFF80] =	vst v9  }
0xbd: {  	v9 =	vmul.f32 v23, v47;
	[tilespmem:s21+$0xFFFFFF90] =	vst v11  }
0xbe: {  	v11 =	vmul.f32 v25, v47;
	[tilespmem:s21+$0xFFFFFFA0] =	vst v13  }
0xbf: {  	v13 =	vmul.f32 v26, v46;
	[tilespmem:s21+$0xFFFFFFB0] =	vst v9  }
0xc0: {  	v5 =	vmul.f32 v24, v5;
	[tilespmem:s21+$0xFFFFFFC0] =	vst v11  }
0xc1: {  	v9 =	vmul.f32 v28, v46;
	[tilespmem:s21+$0xFFFFFFD0] =	vst v13  }
0xc2: {  	v11 =	vmul.f32 v29, v44;
	[tilespmem:s21+$0xF0] =	vst v5  }
0xc3: {  	v13 =	vmul.f32 v33, v44;
	[tilespmem:s21+$0xFFFFFFE0] =	vst v9  }
0xc4: {  	v9 =	vmul.f32 v31, v42;
	[tilespmem:s21+$0x0] =	vst v11  }
0xc5: {  	v11 =	vmul.f32 v30, v42;
	[tilespmem:s21+$0x10] =	vst v13  }
0xc6: {  	v13 =	vmul.f32 v34, v41;
	[tilespmem:s21+$0x20] =	vst v9  }
0xc7: {  	v9 =	vmul.f32 v27, v41;
	[tilespmem:s21+$0x30] =	vst v11  }
0xc8: {  	v11 =	vmul.f32 v12, v32;
	[tilespmem:s21+$0x40] =	vst v13  }
0xc9: {  	v12 =	vmul.f32 v16, v32;
	[tilespmem:s21+$0x50] =	vst v9  }
0xca: {  	v9 =	vmul.f32 v10, v8;
	[tilespmem:s21+$0x60] =	vst v11  }
0xcb: {  	v8 =	vmul.f32 v14, v8;
	[tilespmem:s21+$0x70] =	vst v12  }
0xcc: {  	v10 =	vmul.f32 v15, v7;
	[tilespmem:s21+$0x90] =	vst v9  }
0xcd: {  	v7 =	vmul.f32 v17, v7;
	[tilespmem:s21+$0xA0] =	vst v8  }
0xce: {  	v8 =	vmul.f32 v20, v6;
	[tilespmem:s21+$0xB0] =	vst v10  }
0xcf: {  	v6 =	vmul.f32 v21, v6;
	[tilespmem:s21+$0xC0] =	vst v7  }
0xd0: {  	[tilespmem:s21+$0xD0] =	vst v8  }
0xd1: {  	[tilespmem:s21+$0xE0] =	vst v6  }
0xd2: {  	[spmem:s3] =	stream.indirect.scatter.add.f32 [tilespmem:s9], [sflag:$0x3], $0x90, s1, s8, $0xb8;
	[tilespmem:$0x1F9B0] =	vst v63  }
0xd3: {  	s20 =	sadd.s32 s20, s16;
	_ =	swait.ge [sflag:s0], $0x4800  }
0xd4: {  	s20 =	sshrl.u32 s20, $0x3;
	[sflag:s0] =	ssyncset.done $0x0  }
0xd5: {  	s24 =	sadd.s32 s2, s20;
	[sflag:s0] =	ssyncadd.s32 $0xFFFFB800  }
0xd6: {  	[tilespmem:s5], [sflag:$0x3] =	stream.linear.gather [hbm4b:s24+s4], $0x80, $0x38;
	[tilespmem:$0x1F9B0] =	vst v63  }
0xd7: {  	_ =	swait.ge [sflag:s0], $0x80  }
0xd8: {  	[sflag:s0] =	ssyncset.done $0x0  }
0xd9: {  	s20 =	sadd.s32 s6, s20;
	[sflag:s0] =	ssyncadd.s32 $0xFFFFFF80  }
0xda: {  	[tilespmem:s1], [sflag:$0x3] =	stream.linear.gather [hbm4b:s20+s4], $0x80, $0x38;
	[tilespmem:$0x1F9B0] =	vst v63  }
0xdb: {  	_ =	swait.ge [sflag:s0], $0x80  }
0xdc: {  	[sflag:s0] =	ssyncset.done $0x0  }
0xdd: {  	[sflag:s0] =	ssyncadd.s32 $0xFFFFFF80  }
0xde: {  	[tilespmem:s9], [sflag:$0x1] =	stream.indirect.gather [hbm4b:s29+s8], $0x90, s5, s8, $0xb8;
	[tilespmem:$0x1F9B0] =	vst v63  }
0xdf: {  	_ = 	snop  }
0xe0: {  	[tilespmem:s13], [sflag:$0x3] =	stream.indirect.gather [hbm4b:s30+s8], $0x10, s11, s8, $0xb8;
	[tilespmem:$0x1F9B0] =	vst v63  }
0xe1: {  	_ =	swait.ge [sflag:s0], $0x800  }
0xe2: {  	[sflag:s0] =	ssyncset.done $0x0  }
0xe3: {  	[sflag:s0] =	ssyncadd.s32 $0xFFFFF800  }
0xe4: {  	_ =	swait.ge [sflag:s17], $0x4800  }
0xe5: {  	[sflag:s17] =	ssyncset.done $0x0  }
0xe6: {  	s20 =	simm.s32 $0x1AAC0;
	[sflag:s17] =	ssyncadd.s32 $0xFFFFB800  }
0xe7: {  	s21 =	simm.s32 $0x1F1C0;
	v5 =	vld [tilespmem:s20+$0x110]  }
0xe8: {  	v6 =	vld [tilespmem:s21+$0x10]  }
0xe9: {  	v7 =	vld [tilespmem:s21+$0xFFFFFFE0]  }
0xea: {  	v8 =	vld [tilespmem:s20+$0xFFFFFFF0]  }
0xeb: {  	v9 =	vld [tilespmem:s21+$0xFFFFFFF0]  }
0xec: {  	v10 =	vld [tilespmem:s20+$0x80]  }
0xed: {  	v11 =	vld [tilespmem:s21+$0x0]  }
0xee: {  	v12 =	vld [tilespmem:s20+$0xFFFFFF60];
	v5 =	vadd.f32 v6, v5;
	v6 =	vadd.f32 v6, v4  }
0xef: {  	v20 =	vld [tilespmem:s20+$0xFFFFFEE0]  }
0xf0: {  	v21 =	vld [tilespmem:s20+$0xFFFFFEF0];
	v13 =	vmul.f32 $2.000000030e-01, v5;
	v14 =	vmul.f32 $2.000000030e-01, v6  }
0xf1: {  	v24 =	vld [tilespmem:s20+$0xFFFFFF00];
	v15 =	vadd.f32 v7, v4;
	v8 =	vadd.f32 v9, v8  }
0xf2: {  	v60 =	vld [tilespmem:s20+$0xFFFFFF10];
	v16 =	vadd.f32 v9, v4;
	v5 =	vmax.f32 v5, v13;
	v6 =	vmax.f32 v6, v14  }
0xf3: {  	v61 =	vld [tilespmem:s20+$0xFFFFFF20];
	v13 =	vmul.f32 $2.000000030e-01, v15;
	v5 =	vsub.f32 v5, v6;
	v6 =	vadd.f32 v7, v12  }
0xf4: {  	v38 =	vld [tilespmem:s20+$0xFFFFFF30];
	v7 =	vmul.f32 $2.000000030e-01, v8;
	v12 =	vmul.f32 $2.000000030e-01, v16  }
0xf5: {  	v18 =	vld [tilespmem:s20+$0xFFFFFF80];
	v10 =	vadd.f32 v11, v10;
	v5 =	vmul.f32 $1.442695020e+00, v5;
	v17 =	vmul.f32 $2.000000030e-01, v6  }
0xf6: {  	v19 =	vld [tilespmem:s20+$0xFFFFFF90];
	v14 =	vadd.f32 v11, v4;
	v7 =	vmax.f32 v8, v7;
	v8 =	vmax.f32 v16, v12  }
0xf7: {  	v22 =	vld [tilespmem:s20+$0xFFFFFFA0];
	(erf) = vpow2.f32 v5;
	v5 =	vmax.f32 v6, v17;
	v6 =	vsub.f32 v7, v8  }
0xf8: {  	v23 =	vld [tilespmem:s20+$0xFFFFFFB0];
	v15 =	vmax.f32 v15, v13;
	v7 =	vmul.f32 $2.000000030e-01, v10;
	v8 =	vmul.f32 $2.000000030e-01, v14  }
0xf9: {  	v25 =	vld [tilespmem:s20+$0xFFFFFFC0];
	v5 =	vsub.f32 v5, v15;
	v6 =	vmul.f32 $1.442695020e+00, v6  }
0xfa: {  	v26 =	vld [tilespmem:s20+$0xFFFFFFD0];
	v7 =	vmax.f32 v10, v7;
	v8 =	vmax.f32 v14, v8  }
0xfb: {  	v28 =	vld [tilespmem:s20+$0xFFFFFFE0];
	v5 =	vmul.f32 $1.442695020e+00, v5;
	v7 =	vsub.f32 v7, v8;
	(erf) = vpow2.f32 v6  }
0xfc: {  	v29 =	vld [tilespmem:s20+$0x0]  }
0xfd: {  	v33 =	vld [tilespmem:s20+$0x10];
	(erf) = vpow2.f32 v5;
	v5 =	vmul.f32 $1.442695020e+00, v7  }
0xfe: {  	v31 =	vld [tilespmem:s20+$0x20]  }
0xff: {  	v30 =	vld [tilespmem:s20+$0x30];
	(erf) = vpow2.f32 v5  }
0x100: {  	v6 =	vld [tilespmem:s20+$0x100]  }
0x101: {  	v34 =	vld [tilespmem:s20+$0x40];
	v5 =	vpop (erf)  }
0x102: {  	v27 =	vld [tilespmem:s20+$0x50];
	v14 =	vnsel vm0, $0x0, v5  }
0x103: {  	v9 =	vld [tilespmem:s20+$0xFFFFFF40];
	v5 =	vperm.xlane v14, v3  }
0x104: {  	v11 =	vld [tilespmem:s20+$0xFFFFFF50];
	v8 =	vperm.xlane v14, v0;
	v7 =	vperm.xlane v14, v1;
	v12 =	vpop (erf)  }
0x105: {  	v13 =	vld [tilespmem:s20+$0xFFFFFF70];
	v10 =	vmul.f32 v6, v5;
	v6 =	vperm.xlane v14, v2;
	v17 =	vnsel vm0, $0x0, v12  }
0x106: {  	v16 =	vld [tilespmem:s20+$0x70];
	v12 =	vpop (erf);
	v45 =	vperm.xlane v17, v0;
	v43 =	vperm.xlane v17, v1  }
0x107: {  	[tilespmem:s20+$0x110] =	vst v14;
	v14 =	vld [tilespmem:s20+$0xA0];
	v62 =	vnsel vm0, $0x0, v12;
	v47 =	vperm.xlane v17, v2;
	v46 =	vperm.xlane v17, v3  }
0x108: {  	v12 =	vld [tilespmem:s20+$0x60];
	v39 =	vperm.xlane v62, v0;
	v40 =	vperm.xlane v62, v1;
	v15 =	vpop (erf)  }
0x109: {  	[tilespmem:s20+$0x100] =	vst v10;
	v10 =	vld [tilespmem:s20+$0x90];
	v51 =	vperm.xlane v62, v2;
	v48 =	vperm.xlane v62, v3;
	v63 =	vnsel vm0, $0x0, v15  }
0x10a: {  	[tilespmem:s20+$0xFFFFFFF0] =	vst v17;
	v17 =	vld [tilespmem:s20+$0xC0];
	v44 =	vperm.xlane v63, v0;
	v42 =	vperm.xlane v63, v1  }
0x10b: {  	v15 =	vld [tilespmem:s20+$0xB0];
	v41 =	vperm.xlane v63, v2;
	v32 =	vperm.xlane v63, v3  }
0x10c: {  	[tilespmem:s20+$0xFFFFFF60] =	vst v62;
	v52 =	vmul.f32 v20, v39;
	v50 =	vmul.f32 v21, v39;
	v20 =	vld [tilespmem:s20+$0xD0]  }
0x10d: {  	[tilespmem:s20+$0x80] =	vst v63;
	v49 =	vmul.f32 v24, v40;
	v36 =	vmul.f32 v60, v40;
	v21 =	vld [tilespmem:s20+$0xE0]  }
0x10e: {  	s22 =	simm.s32 $0x0;
	s23 =	simm.s32 $0x1AD00;
	v37 =	vmul.f32 v61, v51;
	v35 =	vmul.f32 v38, v51;
	v24 =	vld [tilespmem:s20+$0xF0];
	[tilespmem:s20+$0xFFFFFEE0] =	vst v52  }
.LBB2_5:
0x10f: {  	v38 =	vld [tilespmem:s23+$0x110];
	[tilespmem:s20+$0xFFFFFEF0] =	vst v50;
	v9 =	vmul.f32 v9, v48;
	v11 =	vmul.f32 v11, v48;
	s21 =	sadd.s32 $0x40, s21  }
0x110: {  	s22 =	sadd.s32 $0x4, s22;
	v13 =	vmul.f32 v13, v45;
	v18 =	vmul.f32 v18, v45;
	v39 =	vld [tilespmem:s21+$0x10];
	[tilespmem:s20+$0xFFFFFF00] =	vst v49  }
0x111: {  	v19 =	vmul.f32 v19, v43;
	v22 =	vmul.f32 v22, v43;
	p1 =	slt.u32 s22, $0x7C;
	v40 =	vld [tilespmem:s21+$0xFFFFFFE0];
	[tilespmem:s20+$0xFFFFFF10] =	vst v36  }
0x112: {  	v23 =	vmul.f32 v23, v47;
	v25 =	vmul.f32 v25, v47;
	v43 =	vld [tilespmem:s23+$0xFFFFFFF0];
	[tilespmem:s20+$0xFFFFFF20] =	vst v37  }
0x113: {  	v26 =	vmul.f32 v26, v46;
	v28 =	vmul.f32 v28, v46;
	v37 =	vld [tilespmem:s21+$0xFFFFFFF0];
	[tilespmem:s20+$0xFFFFFF30] =	vst v35  }
0x114: {  	v29 =	vmul.f32 v29, v44;
	v33 =	vmul.f32 v33, v44;
	v45 =	vld [tilespmem:s23+$0x80];
	[tilespmem:s20+$0xFFFFFF40] =	vst v9  }
0x115: {  	v31 =	vmul.f32 v31, v42;
	v9 =	vld [tilespmem:s21+$0x0];
	v38 =	vadd.f32 v39, v38;
	v39 =	vadd.f32 v39, v4;
	[tilespmem:s20+$0xFFFFFF50] =	vst v11  }
0x116: {  	v30 =	vmul.f32 v30, v42;
	v34 =	vmul.f32 v34, v41;
	v11 =	vld [tilespmem:s23+$0xFFFFFF60];
	v44 =	vadd.f32 v40, v4;
	[tilespmem:s20+$0xFFFFFF70] =	vst v13  }
0x117: {  	v35 =	vld [tilespmem:s23+$0xFFFFFEE0];
	v13 =	vmul.f32 $2.000000030e-01, v38;
	v42 =	vmul.f32 $2.000000030e-01, v39;
	[tilespmem:s20+$0xFFFFFF80] =	vst v18  }
0x118: {  	v18 =	vmul.f32 $2.000000030e-01, v44;
	v36 =	vld [tilespmem:s23+$0xFFFFFEF0];
	v43 =	vadd.f32 v37, v43;
	v46 =	vadd.f32 v37, v4;
	[tilespmem:s20+$0xFFFFFF90] =	vst v19  }
0x119: {  	v27 =	vmul.f32 v27, v41;
	v37 =	vld [tilespmem:s23+$0xFFFFFF00];
	v13 =	vmax.f32 v38, v13;
	v19 =	vmax.f32 v39, v42;
	[tilespmem:s20+$0xFFFFFFA0] =	vst v22  }
0x11a: {  	v38 =	vld [tilespmem:s23+$0xFFFFFF10];
	v22 =	vmul.f32 $2.000000030e-01, v43;
	v41 =	vadd.f32 v9, v45;
	v13 =	vsub.f32 v13, v19;
	[tilespmem:s20+$0xFFFFFFB0] =	vst v23  }
0x11b: {  	v23 =	vmul.f32 $2.000000030e-01, v46;
	v42 =	vadd.f32 v9, v4;
	v19 =	vadd.f32 v40, v11;
	v39 =	vld [tilespmem:s23+$0xFFFFFF20];
	[tilespmem:s20+$0xFFFFFFC0] =	vst v25  }
0x11c: {  	v18 =	vmax.f32 v44, v18;
	v40 =	vld [tilespmem:s23+$0xFFFFFF30];
	v25 =	vmul.f32 $2.000000030e-01, v41;
	v13 =	vmul.f32 $1.442695020e+00, v13;
	[tilespmem:s20+$0xFFFFFFD0] =	vst v26  }
0x11d: {  	v22 =	vmax.f32 v43, v22;
	v43 =	vmul.f32 $2.000000030e-01, v42;
	v26 =	vmul.f32 $2.000000030e-01, v19;
	v9 =	vld [tilespmem:s23+$0xFFFFFF40];
	[tilespmem:s20+$0xFFFFFFE0] =	vst v28  }
0x11e: {  	v23 =	vmax.f32 v46, v23;
	v11 =	vld [tilespmem:s23+$0xFFFFFF50];
	v25 =	vmax.f32 v41, v25;
	(erf) = vpow2.f32 v13;
	[tilespmem:s20+$0x0] =	vst v29  }
0x11f: {  	v22 =	vsub.f32 v22, v23;
	v23 =	vmax.f32 v42, v43;
	v19 =	vmax.f32 v19, v26;
	v13 =	vld [tilespmem:s23+$0xFFFFFF70];
	[tilespmem:s20+$0x10] =	vst v33  }
0x120: {  	v12 =	vmul.f32 v12, v32;
	v23 =	vsub.f32 v25, v23;
	v26 =	vsub.f32 v19, v18;
	v18 =	vld [tilespmem:s23+$0xFFFFFF80];
	[tilespmem:s20+$0x20] =	vst v31  }
0x121: {  	v16 =	vmul.f32 v16, v32;
	v25 =	vmul.f32 $1.442695020e+00, v22;
	v19 =	vld [tilespmem:s23+$0xFFFFFF90];
	[tilespmem:s20+$0x30] =	vst v30  }
0x122: {  	v28 =	vmul.f32 $1.442695020e+00, v23;
	v26 =	vmul.f32 $1.442695020e+00, v26;
	v22 =	vld [tilespmem:s23+$0xFFFFFFA0];
	[tilespmem:s20+$0x40] =	vst v34  }
0x123: {  	v10 =	vmul.f32 v10, v8;
	v23 =	vld [tilespmem:s23+$0xFFFFFFB0];
	(erf) = vpow2.f32 v25;
	[tilespmem:s20+$0x50] =	vst v27  }
0x124: {  	v8 =	vmul.f32 v14, v8;
	v25 =	vld [tilespmem:s23+$0xFFFFFFC0];
	(erf) = vpow2.f32 v26;
	[tilespmem:s20+$0x60] =	vst v12  }
0x125: {  	v12 =	vmul.f32 v15, v7;
	v26 =	vld [tilespmem:s23+$0xFFFFFFD0];
	(erf) = vpow2.f32 v28;
	[tilespmem:s20+$0x70] =	vst v16  }
0x126: {  	v7 =	vmul.f32 v17, v7;
	v14 =	vld [tilespmem:s23+$0x100];
	[tilespmem:s20+$0x90] =	vst v10;
	v10 =	vmul.f32 v20, v6  }
0x127: {  	v17 =	vmul.f32 v24, v5;
	v16 =	vmul.f32 v21, v6;
	v28 =	vld [tilespmem:s23+$0xFFFFFFE0];
	v15 =	vpop (erf);
	[tilespmem:s20+$0xA0] =	vst v8  }
0x128: {  	v29 =	vld [tilespmem:s23+$0x0];
	v15 =	vnsel vm0, $0x0, v15;
	[tilespmem:s20+$0xB0] =	vst v12  }
0x129: {  	v33 =	vld [tilespmem:s23+$0x10];
	v8 =	vperm.xlane v15, v0;
	v5 =	vperm.xlane v15, v3;
	[tilespmem:s20+$0xC0] =	vst v7  }
0x12a: {  	v7 =	vperm.xlane v15, v1;
	v6 =	vperm.xlane v15, v2;
	v31 =	vld [tilespmem:s23+$0x20];
	[tilespmem:s20+$0xD0] =	vst v10  }
0x12b: {  	v30 =	vld [tilespmem:s23+$0x30];
	v20 =	vmul.f32 v14, v5;
	[tilespmem:s20+$0xE0] =	vst v16  }
0x12c: {  	v34 =	vld [tilespmem:s23+$0x40];
	v12 =	vpop (erf);
	[tilespmem:s20+$0xF0] =	vst v17;
	s20 =	smov.u32 s23  }
0x12d: {  	v14 =	vnsel vm0, $0x0, v12;
	v27 =	vld [tilespmem:s23+$0x50];
	[tilespmem:s23+$0x100] =	vst v20;
	v10 =	vpop (erf)  }
0x12e: {  	v10 =	vnsel vm0, $0x0, v10;
	[tilespmem:s23+$0xFFFFFFF0] =	vst v14;
	v45 =	vperm.xlane v14, v0;
	v43 =	vperm.xlane v14, v1;
	v12 =	vld [tilespmem:s23+$0x60];
	v16 =	vpop (erf)  }
0x12f: {  	[tilespmem:s23+$0xFFFFFF60] =	vst v10;
	v20 =	vperm.xlane v10, v0;
	v21 =	vperm.xlane v10, v1;
	v17 =	vnsel vm0, $0x0, v16;
	v16 =	vld [tilespmem:s23+$0x70]  }
0x130: {  	v24 =	vperm.xlane v10, v2;
	v48 =	vperm.xlane v10, v3;
	[tilespmem:s23+$0x80] =	vst v17;
	v10 =	vld [tilespmem:s23+$0x90]  }
0x131: {  	v47 =	vperm.xlane v14, v2;
	v46 =	vperm.xlane v14, v3;
	[tilespmem:s23+$0x110] =	vst v15;
	v14 =	vld [tilespmem:s23+$0xA0]  }
.Ltmp1:
0x132: {  	v44 =	vperm.xlane v17, v0;
	v42 =	vperm.xlane v17, v1;
	v15 =	vld [tilespmem:s23+$0xB0];
	(pc) =	sbr.rel @p1 .LBB2_5-.Ltmp1, $4  }
0x133: {  	v41 =	vperm.xlane v17, v2;
	v32 =	vperm.xlane v17, v3;
	v17 =	vld [tilespmem:s23+$0xC0]  }
0x134: {  	v35 =	vmul.f32 v35, v20;
	v50 =	vmul.f32 v36, v20;
	v20 =	vld [tilespmem:s23+$0xD0]  }
0x135: {  	v49 =	vmul.f32 v37, v21;
	v36 =	vmul.f32 v38, v21;
	v21 =	vld [tilespmem:s23+$0xE0]  }
0x136: {  	v37 =	vmul.f32 v39, v24;
	s23 =	sadd.s32 $0x240, s23;
	[tilespmem:s20+$0xFFFFFEE0] =	vst v35;
	v35 =	vmul.f32 v40, v24;
	v24 =	vld [tilespmem:s20+$0xF0]  }
0x137: {  	[tilespmem:s20+$0xFFFFFEF0] =	vst v50  }
0x138: {  	[tilespmem:s20+$0xFFFFFF00] =	vst v49  }
0x139: {  	[tilespmem:s20+$0xFFFFFF10] =	vst v36  }
0x13a: {  	v9 =	vmul.f32 v9, v48;
	[tilespmem:s20+$0xFFFFFF20] =	vst v37  }
0x13b: {  	v11 =	vmul.f32 v11, v48;
	[tilespmem:s20+$0xFFFFFF30] =	vst v35  }
0x13c: {  	v13 =	vmul.f32 v13, v45;
	[tilespmem:s20+$0xFFFFFF40] =	vst v9  }
0x13d: {  	v39 =	vmul.f32 v18, v45;
	[tilespmem:s20+$0xFFFFFF50] =	vst v11  }
0x13e: {  	v40 =	vmul.f32 v19, v43;
	[tilespmem:s20+$0xFFFFFF70] =	vst v13  }
0x13f: {  	v45 =	vmul.f32 v22, v43;
	[tilespmem:s20+$0xFFFFFF80] =	vst v39  }
0x140: {  	v48 =	vmul.f32 v23, v47;
	[tilespmem:s20+$0xFFFFFF90] =	vst v40  }
0x141: {  	v49 =	vmul.f32 v25, v47;
	[tilespmem:s20+$0xFFFFFFA0] =	vst v45  }
0x142: {  	v50 =	vmul.f32 v26, v46;
	[tilespmem:s20+$0xFFFFFFB0] =	vst v48  }
0x143: {  	v51 =	vmul.f32 v28, v46;
	[tilespmem:s20+$0xFFFFFFC0] =	vst v49  }
0x144: {  	v52 =	vmul.f32 v29, v44;
	[tilespmem:s20+$0xFFFFFFD0] =	vst v50  }
0x145: {  	v53 =	vmul.f32 v33, v44;
	[tilespmem:s20+$0xFFFFFFE0] =	vst v51  }
0x146: {  	v54 =	vmul.f32 v31, v42;
	[tilespmem:s20+$0x0] =	vst v52  }
0x147: {  	v55 =	vmul.f32 v30, v42;
	[tilespmem:s20+$0x10] =	vst v53  }
0x148: {  	v56 =	vmul.f32 v34, v41;
	[tilespmem:s20+$0x20] =	vst v54  }
0x149: {  	v57 =	vmul.f32 v27, v41;
	[tilespmem:s20+$0x30] =	vst v55  }
0x14a: {  	v58 =	vmul.f32 v12, v32;
	[tilespmem:s20+$0x40] =	vst v56  }
0x14b: {  	v59 =	vmul.f32 v16, v32;
	[tilespmem:s20+$0x50] =	vst v57  }
0x14c: {  	v60 =	vmul.f32 v10, v8;
	[tilespmem:s20+$0x60] =	vst v58  }
0x14d: {  	v61 =	vmul.f32 v14, v8;
	[tilespmem:s20+$0x70] =	vst v59  }
0x14e: {  	v62 =	vmul.f32 v15, v7;
	[tilespmem:s20+$0x90] =	vst v60  }
0x14f: {  	v7 =	vmul.f32 v17, v7;
	[tilespmem:s20+$0xA0] =	vst v61  }
0x150: {  	v63 =	vmul.f32 v20, v6;
	[tilespmem:s20+$0xB0] =	vst v62  }
0x151: {  	v6 =	vmul.f32 v21, v6;
	[tilespmem:s20+$0xC0] =	vst v7  }
0x152: {  	s19 =	sadd.s32 $0x1, s19;
	v5 =	vmul.f32 v24, v5;
	[tilespmem:s20+$0xD0] =	vst v63  }
0x153: {  	p1 =	sne.s32 s19, $0x28;
	[tilespmem:s20+$0xE0] =	vst v6  }
.Ltmp2:
0x154: {  	[tilespmem:s20+$0xF0] =	vst v5;
	(pc) =	sbr.rel @p1 .LBB2_2-.Ltmp2, $4  }
0x155: {  	[spmem:s3] =	stream.indirect.scatter.add.f32 [tilespmem:s12], [sflag:$0x3], $0x90, s11, s8, $0xb8;
	[tilespmem:$0x1F9B0] =	vst v63  }
0x156: {  	_ =	swait.ge [sflag:s0], $0x4800  }
0x157: {  	[sflag:s0] =	ssyncset.done $0x0  }
0x158: {  	[sflag:s0] =	ssyncadd.s32 $0xFFFFB800  }
0x159: {  	_ =	swait.ge [sflag:s14], $0x4800  }
0x15a: {  	[sflag:s14] =	ssyncset.done $0x0  }
0x15b: {  	[sflag:s14] =	ssyncadd.s32 $0xFFFFB800  }
0x15c: {  	[bflag:$0x0] =	sbarrier.arrive $0xFFFF  }
0x15d: {  	s19 =	rddreg [dreg:$0x4]  }
0x15e: {  	s20 =	rddreg [dreg:$0x11]  }
0x15f: {  	[hbm:s19], [sflag:s7] =	dma.local [spmem:s20], $0x900  }
0x160: {  	_ =	swait.ge [sflag:s0], $0x900  }
0x161: {  	[sflag:s0] =	ssyncset.done $0x0;
	s20 =	rddreg [dreg:$0x5]  }
0x162: {  	s21 =	rddreg [dreg:$0x12];
	[sflag:s0] =	ssyncadd.s32 $0xFFFFF700  }
0x163: {  	[hbm:s20], [sflag:s7] =	dma.local [spmem:s21], $0x900  }
0x164: {  	_ =	swait.ge [sflag:s0], $0x900  }
0x165: {  	[sflag:s0] =	ssyncset.done $0x0  }
0x166: {  	s22 =	rddreg [dreg:$0x6];
	[sflag:s0] =	ssyncadd.s32 $0xFFFFF700  }
0x167: {  	[hbm:s22], [sflag:s7] =	dma.local [spmem:s25], $0x900  }
0x168: {  	_ =	swait.ge [sflag:s0], $0x900  }
0x169: {  	[sflag:s0] =	ssyncset.done $0x0  }
0x16a: {  	s23 =	rddreg [dreg:$0x7];
	[sflag:s0] =	ssyncadd.s32 $0xFFFFF700  }
0x16b: {  	[hbm:s23], [sflag:s7] =	dma.local [spmem:s26], $0x900  }
0x16c: {  	_ =	swait.ge [sflag:s0], $0x900  }
0x16d: {  	[sflag:s0] =	ssyncset.done $0x0  }
0x16e: {  	s19 =	rddreg [dreg:$0x8];
	[sflag:s0] =	ssyncadd.s32 $0xFFFFF700  }
0x16f: {  	[hbm:s19], [sflag:s7] =	dma.local @!p0 [spmem:s28], $0x900  }
0x170: {  	s19 =	simm.s32 @!p0 $0x3  }
0x171: {  	_ =	swait.ge @!p0 [sflag:s19], $0x900  }
0x172: {  	s18 =	sadd.s32 $0x1, s18;
	s24 =	rddreg [dreg:$0xb]  }
0x173: {  	p1 =	sne.s32 s18, s24  }
.Ltmp3:
0x174: {  	_ = 	snop;
	(pc) =	sbr.rel @p1 .LBB2_1-.Ltmp3, $3  }
0x175: {  	_ =	sdelay $0x1  }
0x176: {  	[sflag:s19] =	ssyncset.done @!p0 $0x0  }
0x177: {  	[sflag:s19] =	ssyncadd.s32 @!p0 $0xFFFFF700  }
0x178: {  	_ =	sfence.sel $0x180000  }
0x179: {  	[bflag:$0x0] =	sbarrier.arrive $0xFFFF  }
0x17a: {  	_ =	strace $0x9000004A  }
0x17b: {  	s0 =	stileid.u32;
	[bflag:$0x2] =	sbarrier.arrive $0xFFFF  }
0x17c: {  	p0 =	sne.s32 s0, $0x0;
	s0 =	rddreg [dreg:$0x3]  }
0x17d: {  	s0 =	sadd.s32 @!p0 $0x100000, s0  }
0x17e: {  	[sflag:s0] =	ssyncadd.tile.s32 @!p0 $0x1;
	_ =	shalt  }
.Lfunc_end2:
_tile_overlayer_lowered:
.L_overlay_start_2:
0x17f: {  	(tag) =	ssettag $0x2  }
0x180: {  	s0 =	rddreg [dreg:$0x0];
	s2 =	stileid.u32  }
0x181: {  	s1 =	rddreg [dreg:$0x1];
	p0 =	sne.s32 s2, $0x0  }
0x182: {  	s3 =	rddreg [dreg:$0x2];
	[bflag:$0x3] =	sbarrier.arrive $0xFFFF;
	s2 =	simm.s32 @!p0 $0x1C03  }
0x183: {  	[timem:s3], [sflag:s2] =	dma.local @!p0 [hbm:s0], s1  }
0x184: {  	s0 =	simm.s32 @!p0 $0x3  }
0x185: {  	_ =	swait.ge @!p0 [sflag:s0], s1  }
0x186: {  	s1 =	ssub.s32 @!p0 $0x0, s1;
	[sflag:s0] =	ssyncset.done @!p0 $0x0  }
0x187: {  	[sflag:s0] =	ssyncadd.s32 @!p0 s1  }
0x188: {  	[bflag:$0x3] =	sbarrier.arrive $0xFFFF  }
0x189: {  	_ =	shalt  }

// kernel: kernel.8.cloned.1.call-start
scs
__scs_entry_jumppad:
0x0: {  	(pc) =	sbr.rel $0x88, $3  }
0x1: {  	(tag) =	ssettag $0x0;
	lr =	simm.s32 $0x1  }
0x2: {  	[smem:$0x3F99] =	sst lr;
	_ =	strace $0xD0000000  }
0x3: {  	_ = 	snop  }
0x4: {  	_ = 	snop  }
0x5: {  	_ = 	snop  }
0x6: {  	_ = 	snop  }
0x7: {  	_ = 	snop  }
__scs_overlays_trampoline_lowered:
0x8: {  	[smem:$0x3FA8] =	sst s0  }
0x9: {  	[smem:$0x3FA9] =	sst s1  }
0xa: {  	[smem:$0x3FAA] =	sst s2  }
0xb: {  	[smem:$0x3FAB] =	sst s3  }
0xc: {  	[smem:$0x3FAC] =	sst s4  }
0xd: {  	[smem:$0x3FAD] =	sst s5  }
0xe: {  	[smem:$0x3FAE] =	sst s6  }
0xf: {  	[smem:$0x3FAF] =	sst s7  }
0x10: {  	[smem:$0x3FB0] =	sst s8  }
0x11: {  	[smem:$0x3FB1] =	sst s9;
	s0 =	simm.s32 @!p0 $0x0  }
0x12: {  	s1 =	sld [smem:$0x3F97];
	s0 =	simm.s32 @p0 $0x1  }
0x13: {  	[smem:$0x3FB2] =	sst s0;
	s0 =	simm.s32 @!p1 $0x0  }
0x14: {  	s2 =	sld [smem:$0x3F96];
	s0 =	simm.s32 @p1 $0x1  }
0x15: {  	[smem:$0x3FB3] =	sst s0;
	s0 =	simm.s32 @!p2 $0x0  }
0x16: {  	s3 =	sld [smem:$0x3FDB];
	s0 =	simm.s32 @p2 $0x1  }
0x17: {  	s4 =	simm.s32 $0x1BF5;
	[smem:$0x3FB5] =	sst s0  }
0x18: {  	s0 =	sld [smem:$0x3F98];
	_ =	swait.ge [sflag:s4], $0x0  }
0x19: {  	s7 =	sld [smem:$0x3F99]  }
0x1a: {  	s8 =	sadd.s32 $0xFFFFE003, lr  }
0x1b: {  	s9 =	sadd.s32 $0xFFFFFEF7, lr;
	s5 =	simm.s32 $0xFFFFFFFF;
	p2 =	slt.u32 s8, $0xFFFFF086  }
0x1c: {  	p1 =	slt.u32 s9, $0xF7A;
	s5 =	simm.s32 @!p2 $0x0  }
0x1d: {  	s5 =	simm.s32 @p1 $0x1;
	p0 =	seq.s32 s7, s2  }
0x1e: {  	s7 =	smul.u32 @!p0 $0xF7A, s2;
	p2 =	seq.s32 @!p0 s5, $0x0  }
0x1f: {  	s9 =	smul.u32 $0xF7A, s1;
	s8 =	simm.s32 @!p0 $0x1BF5;
	p2 =	por !p2, p0  }
0x20: {  	[sflag:s8] =	ssyncset.s32 @!p0 $0xFFFFF086;
	s6 =	sadd.s32 @!p0 s3, s7;
	s7 =	simm.s32 @!p0 $0x108  }
0x21: {  	s3 =	sadd.s32 s3, s9;
	s6 =	sadd.s32 @!p0 $0x88, s6;
	s7 =	simm.s32 @p2 $0x1082  }
0x22: {  	[simem:s7], [sflag:s8] =	dma.local @!p0 [hbm:s6], $0xF7A  }
0x23: {  	s9 =	sor.u32 $0xD0000000, s2;
	s6 =	simm.s32 $0x108;
	_ =	swait.ge @!p0 [sflag:s8], $0x0  }
0x24: {  	s3 =	sadd.s32 $0x88, s3;
	s6 =	simm.s32 @!p1 $0x1082;
	[sflag:s4] =	ssyncset.s32 $0xFFFFF086  }
0x25: {  	[simem:s6], [sflag:s4] =	dma.local [hbm:s3], $0xF7A  }
0x26: {  	[smem:$0x3F99] =	sst s1;
	(tag) =	ssettag s2;
	_ =	strace s9  }
0x27: {  	s1 =	sld [smem:$0x3FA9]  }
0x28: {  	s2 =	sld [smem:$0x3FAA]  }
0x29: {  	s4 =	sld [smem:$0x3FAC]  }
0x2a: {  	p0 =	seq.s32 s5, $0x0;
	s5 =	sld [smem:$0x3FAD]  }
0x2b: {  	s6 =	sld [smem:$0x3FAE]  }
0x2c: {  	s7 =	sld [smem:$0x3FAF]  }
0x2d: {  	s3 =	simm.s32 $0x108;
	s8 =	sld [smem:$0x3FB0]  }
0x2e: {  	s3 =	simm.s32 @!p0 $0x1082;
	s9 =	sld [smem:$0x3FB1]  }
0x2f: {  	lr =	sadd.s32 s0, s3;
	s0 =	sld [smem:$0x3FA8]  }
0x30: {  	s3 =	sld [smem:$0x3FAB]  }
0x31: {  	[smem:$0x3FB4] =	sst s10  }
0x32: {  	s10 =	sld [smem:$0x3FB2];
	_ =	sdelay $0x3  }
0x33: {  	p0 =	seq.s32 s10, $0x1;
	s10 =	sld [smem:$0x3FB4];
	_ =	sdelay $0x3  }
0x34: {  	[smem:$0x3FB4] =	sst s10  }
0x35: {  	s10 =	sld [smem:$0x3FB3];
	_ =	sdelay $0x3  }
0x36: {  	p1 =	seq.s32 s10, $0x1;
	s10 =	sld [smem:$0x3FB4];
	_ =	sdelay $0x3  }
0x37: {  	[smem:$0x3FB4] =	sst s10  }
0x38: {  	s10 =	sld [smem:$0x3FB5]  }
0x39: {  	_ = 	snop;
	(pc) =	sbr.ind lr, $3  }
0x3a: {  	_ = 	snop  }
0x3b: {  	_ = 	snop  }
0x3c: {  	p2 =	seq.s32 s10, $0x1;
	s10 =	sld [smem:$0x3FB4]  }
0x3d: {  	_ =	shalt  }
0x3e: {  	_ =	shalt  }
0x3f: {  	_ =	shalt  }
0x40: {  	_ =	shalt  }
0x41: {  	_ =	shalt  }
0x42: {  	_ =	shalt  }
0x43: {  	_ =	shalt  }
0x44: {  	_ =	shalt  }
0x45: {  	_ =	shalt  }
0x46: {  	_ =	shalt  }
0x47: {  	_ =	shalt  }
0x48: {  	_ =	shalt  }
0x49: {  	_ =	shalt  }
0x4a: {  	_ =	shalt  }
0x4b: {  	_ =	shalt  }
0x4c: {  	_ =	shalt  }
0x4d: {  	_ =	shalt  }
0x4e: {  	_ =	shalt  }
0x4f: {  	_ =	shalt  }
0x50: {  	_ =	shalt  }
0x51: {  	_ =	shalt  }
0x52: {  	_ =	shalt  }
0x53: {  	_ =	shalt  }
0x54: {  	_ =	shalt  }
0x55: {  	_ =	shalt  }
0x56: {  	_ =	shalt  }
0x57: {  	_ =	shalt  }
0x58: {  	_ =	shalt  }
0x59: {  	_ =	shalt  }
0x5a: {  	_ =	shalt  }
0x5b: {  	_ =	shalt  }
0x5c: {  	_ =	shalt  }
0x5d: {  	_ =	shalt  }
0x5e: {  	_ =	shalt  }
0x5f: {  	_ =	shalt  }
0x60: {  	_ =	shalt  }
0x61: {  	_ =	shalt  }
0x62: {  	_ =	shalt  }
0x63: {  	_ =	shalt  }
0x64: {  	_ =	shalt  }
0x65: {  	_ =	shalt  }
0x66: {  	_ =	shalt  }
0x67: {  	_ =	shalt  }
0x68: {  	_ =	shalt  }
0x69: {  	_ =	shalt  }
0x6a: {  	_ =	shalt  }
0x6b: {  	_ =	shalt  }
0x6c: {  	_ =	shalt  }
0x6d: {  	_ =	shalt  }
0x6e: {  	_ =	shalt  }
0x6f: {  	_ =	shalt  }
0x70: {  	_ =	shalt  }
0x71: {  	_ =	shalt  }
0x72: {  	_ =	shalt  }
0x73: {  	_ =	shalt  }
0x74: {  	_ =	shalt  }
0x75: {  	_ =	shalt  }
0x76: {  	_ =	shalt  }
0x77: {  	_ =	shalt  }
0x78: {  	_ =	shalt  }
0x79: {  	_ =	shalt  }
0x7a: {  	_ =	shalt  }
0x7b: {  	_ =	shalt  }
0x7c: {  	_ =	shalt  }
0x7d: {  	_ =	shalt  }
0x7e: {  	_ =	shalt  }
0x7f: {  	_ =	shalt  }
0x80: {  	_ =	shalt  }
0x81: {  	_ =	shalt  }
0x82: {  	_ =	shalt  }
0x83: {  	_ =	shalt  }
0x84: {  	_ =	shalt  }
0x85: {  	_ =	shalt  }
0x86: {  	_ =	shalt  }
0x87: {  	_ =	shalt  }
.Lfunc_end0:
.L_simem_size_0:
called_computation_lowered:
.L_overlay_start_0:
0x88: {  	s2 =	sld [smem:$0x3FD9]  }
0x89: {  	s3 =	sld [smem:$0x3FFE];
	_ =	sdelay $0x1  }
0x8a: {  	s1 =	srdreg.scid  }
0x8b: {  	s0 =	sand.u32 $0x1, s1  }
0x8c: {  	s17 =	sshll.u32 s0, $0xA;
	s2 =	sadd.s32 s3, s2  }
0x8d: {  	s2 =	sadd.s32 s2, s17  }
0x8e: {  	[smem:$0x3FC0] =	sst s2  }
0x8f: {  	_ = 	snop  }
0x90: {  	s2 =	sld [smem:$0x3FD0];
	(tm) =	ssettm $0x1  }
0x91: {  	s18 =	sld [smem:$0x3FFB];
	_ =	sdelay $0x3  }
0x92: {  	_ =	strace s18  }
0x93: {  	s3 =	sld [smem:$0x3FFC];
	_ =	sdelay $0x3  }
0x94: {  	_ =	strace s3  }
0x95: {  	s3 =	sld [smem:$0x3FFD];
	_ =	sdelay $0x3  }
0x96: {  	_ =	strace s3  }
0x97: {  	_ =	strace $0x8FFFFFFF  }
0x98: {  	s19 =	sld [smem:$0x3FDB];
	_ =	sdelay $0x1  }
0x99: {  	s4 =	simm.s32 $_scs_section_size  }
0x9a: {  	s5 =	simm.s32 $_size__tile_overlayer_lowered;
	s6 =	simm.s32 $_tile_overlayer_lowered  }
0x9b: {  	s22 =	simm.s32 $0x1BFF;
	s21 =	sshll.u32 s6, $0x1;
	s3 =	sadd.s32 s4, s19  }
0x9c: {  	s7 =	simm.s32 $0x0;
	s20 =	sshll.u32 s5, $0x1;
	s5 =	sadd.s32 s21, s3  }
0x9d: {  	[timem:s7], [sflag:s22] =	dma.local [hbm:s5], s20  }
0x9e: {  	_ =	swait.ge [sflag:s22], s20  }
0x9f: {  	s4 =	ssub.s32 $0x0, s20;
	[sflag:s22] =	ssyncset.done $0x0  }
0xa0: {  	[sflag:s22] =	ssyncadd.s32 s4;
	_ =	sdelay $0x1  }
0xa1: {  	s23 =	simm.s32 $0x1B8B  }
0xa2: {  	_ =	swait.ge [sflag:s23], $0x1  }
0xa3: {  	[sflag:s23] =	ssyncset.done $0x0  }
0xa4: {  	s25 =	simm.s32 $0x1B8E;
	s24 =	sld [smem:$0x3FFE];
	[sflag:s23] =	ssyncadd.s32 $0xFFFFFFFF  }
0xa5: {  	s26 =	simm.s32 $execute0_lowered;
	[smem:$0x3FD2] =	sst s25  }
0xa6: {  	s5 =	sshll.u32 s26, $0x1;
	_ =	strace $0x80000046;
	[dreg:$0x1] =	wrdreg $0xFFFFFFFF  }
0xa7: {  	s28 =	simm.s32 $_size_execute0_lowered;
	s3 =	sadd.s32 s3, s5;
	[dreg:$0x0] =	wrdreg $0x0  }
0xa8: {  	s5 =	sshll.u32 s28, $0x1;
	[dreg:$0x2] =	wrdreg s3  }
0xa9: {  	[dreg:$0x3] =	wrdreg s5  }
0xaa: {  	[dreg:$0x4] =	wrdreg $0xC0  }
0xab: {  	_ =	task [dreg:s7], $0x5FFFF  }
0xac: {  	[dreg:$0x1] =	wrdreg $0xFFFFFFFF  }
0xad: {  	[dreg:$0x0] =	wrdreg $0x60  }
0xae: {  	[dreg:$0x2] =	wrdreg s24  }
0xaf: {  	[dreg:$0x3] =	wrdreg s2  }
0xb0: {  	[dreg:$0x4] =	wrdreg $0x0  }
0xb1: {  	[dreg:$0x5] =	wrdreg $0x9  }
0xb2: {  	_ =	task.clear_ibuf [dreg:s7], $0x6FFFF;
	_ =	strace $0x90000046  }
0xb3: {  	s29 =	simm.s32 $0x9;
	_ =	strace $0x80000048  }
0xb4: {  	_ =	swait.ge [sflag:s29], $0x1  }
0xb5: {  	[sflag:s29] =	ssyncadd.s32 $0xFFFFFFFF  }
0xb6: {  	_ =	strace $0x90000048  }
0xb7: {  	_ =	sfence  }
0xb8: {  	s30 =	sld [smem:$0x0];
	_ =	sdelay $0x2  }
0xb9: {  	s31 =	sshll.u32 s1, $0xD;
	s1 =	sshrl.u32 s1, $0x2  }
0xba: {  	s3 =	sand.u32 $0x4000, s31;
	s1 =	sadd.s32 s1, s30  }
0xbb: {  	s0 =	sor.u32 s3, s0;
	s1 =	sshll.u32 s1, $0x11  }
0xbc: {  	s0 =	sor.u32 s1, s0  }
0xbd: {  	s0 =	sadd.s32 $0x8F2B, s0  }
0xbe: {  	[sflag:s0] =	ssyncadd.remote.s32 $0x1  }
0xbf: {  	_ =	sfence.sel $0xFFFF  }
0xc0: {  	[dreg:$0x0] =	wrdreg $0xFFFFFFFF;
	(pc) =	sbr.abs _section_cstart, $3  }
0xc1: {  	[dreg:$0x1] =	wrdreg $0xFFFFFFFF  }
0xc2: {  	_ =	task.clear_ibuf [dreg:s7], $0x2FFFF;
	_ =	strace $0x9FFFFFFF  }
0xc3: {  	(tm) =	ssettm $0x7FFFFFFF  }
tec
execute0_lowered:
.L_overlay_start_1:
0x0: {  	(tag) =	ssettag $0x1  }
0x1: {  	s21 =	rddreg [dreg:$0x0]  }
0x2: {  	s2 =	rddreg [dreg:$0x1]  }
0x3: {  	s3 =	rddreg [dreg:$0x2]  }
0x4: {  	s4 =	simm.s32 $0x0;
	s0 =	srdreg.scid;
	s22 =	stileid.u32  }
0x5: {  	[smem:$0x7FF] =	sst s4;
	s6 =	sadd.s32 $0x31200, s21;
	s0 =	sand.u32 $0x1, s0  }
0x6: {  	s7 =	sshll.u32 s22, $0x7;
	s9 =	smul.u32 $0x12000, s22;
	s5 =	ssub.s32 $0x2, s0  }
0x7: {  	s10 =	sor.u32 $0x800, s7;
	s25 =	sshll.u32 s0, $0x4;
	s0 =	smul.u32 $0x15F900, s0  }
0x8: {  	s1 =	sadd.s32 $0x3BE00, s21;
	s11 =	sor.u32 $0x1000, s7;
	s24 =	smul.u32 $0x240, s10  }
0x9: {  	s17 =	sshll.u32 s22, $0x6;
	s13 =	sor.u32 $0x1800, s7;
	s12 =	smul.u32 $0x240, s11  }
0xa: {  	p0 =	seq.s32 s22, $0xF;
	s29 =	sadd.s32 $0x200, s21;
	s15 =	smul.u32 $0x240, s13  }
0xb: {  	s30 =	sadd.s32 $0x2C200, s21;
	s31 =	sadd.s32 $0x3B400, s21;
	s10 =	smul.u32 $0x90, s10  }
0xc: {  	_ =	strace $0x80000047;
	s14 =	sor.u32 $0x2000, s7;
	s11 =	smul.u32 $0x90, s11  }
0xd: {  	s8 =	sshrl.u32 s5, $0x1;
	s16 =	smin.u32 s14, $0x2691;
	s13 =	smul.u32 $0x90, s13  }
0xe: {  	s7 =	sor.u32 s22, s25;
	s9 =	sshrl.u32 s9, $0x2;
	s16 =	smul.u32 $0x240, s16  }
0xf: {  	s14 =	smin.u32 s14, $0x2690;
	s5 =	ssub.s32 s5, s8;
	s18 =	smul.u32 $0x2800, s7  }
0x10: {  	s9 =	sadd.s32 s9, s3;
	s7 =	sor.u32 $0x1C03, s17;
	s17 =	smul.u32 $0x4800, s22  }
0x11: {  	s14 =	smul.u32 $0x90, s14;
	s8 =	sshrl.u32 s24, $0x2;
	s12 =	sshrl.u32 s12, $0x2  }
0x12: {  	s15 =	sshrl.u32 s15, $0x2;
	s20 =	sadd.s32 s0, s10;
	s23 =	sadd.s32 s0, s13  }
0x13: {  	s10 =	sadd.s32 s10, s3;
	s13 =	sadd.s32 s13, s3;
	s5 =	smax.u32 s5, $0x1  }
0x14: {  	s8 =	sadd.s32 s8, s3;
	s12 =	sadd.s32 s12, s3;
	s16 =	sshrl.u32 s16, $0x2  }
0x15: {  	s19 =	sadd.s32 s17, s0;
	s20 =	sshrl.u32 s20, $0x3;
	s24 =	sshrl.u32 s23, $0x3  }
0x16: {  	s25 =	sshrl.u32 s18, $0x3;
	[dreg:$0xb] =	wrdreg s5;
	s23 =	sshrl.u32 s9, $0x3  }
0x17: {  	s5 =	simm.s32 $0x15FA0;
	s9 =	simm.s32 $0x161A0;
	s19 =	sshrl.u32 s19, $0x3  }
0x18: {  	s26 =	sadd.s32 s1, s20;
	s20 =	sadd.s32 s0, s11;
	s0 =	sadd.s32 s0, s14  }
0x19: {  	s11 =	sadd.s32 s11, s3;
	s14 =	sadd.s32 s14, s3;
	[dreg:$0xc] =	wrdreg s23  }
0x1a: {  	s19 =	sadd.s32 s1, s19;
	[dreg:$0x5] =	wrdreg s26;
	s0 =	sshrl.u32 s0, $0x3  }
0x1b: {  	s26 =	sadd.s32 s15, s3;
	s15 =	sor.u32 $0x80, s18;
	s28 =	sshrl.u32 @!p0 s14, $0x3  }
0x1c: {  	[dreg:$0x4] =	wrdreg s19;
	s19 =	sshrl.u32 s20, $0x3;
	s0 =	sadd.s32 s1, s0  }
0x1d: {  	s14 =	simm.s32 $0x1;
	s19 =	sadd.s32 s1, s19;
	[dreg:$0x8] =	wrdreg s0  }
0x1e: {  	s20 =	sadd.s32 s17, s3;
	s0 =	sadd.s32 s6, s25;
	[dreg:$0x6] =	wrdreg s19  }
0x1f: {  	s17 =	simm.s32 $0x2;
	s19 =	sadd.s32 s1, s24;
	[dreg:$0xa] =	wrdreg s0  }
0x20: {  	s24 =	sshrl.u32 s8, $0x3;
	s1 =	sshrl.u32 s26, $0x3;
	[dreg:$0x7] =	wrdreg s19  }
0x21: {  	s0 =	sshrl.u32 s20, $0x3;
	s26 =	sshrl.u32 s10, $0x3;
	[dreg:$0xd] =	wrdreg s24  }
0x22: {  	s8 =	simm.s32 $0x80;
	s10 =	simm.s32 $0x16020;
	[dreg:$0xf] =	wrdreg s1  }
0x23: {  	s19 =	sadd.s32 s16, s3;
	s16 =	sadd.s32 s2, s25;
	[dreg:$0x11] =	wrdreg s0  }
0x24: {  	s25 =	sshrl.u32 s12, $0x3;
	[dreg:$0x12] =	wrdreg s26;
	s26 =	sshrl.u32 s13, $0x3  }
0x25: {  	s0 =	simm.s32 $0x3;
	s12 =	simm.s32 $0x1A9A0;
	[dreg:$0x9] =	wrdreg s16  }
0x26: {  	s13 =	simm.s32 $0x1F1A0;
	s16 =	sor.u32 $0x100, s18;
	[dreg:$0xe] =	wrdreg s25  }
0x27: {  	vm0 =	vmmov $0xf;
	v0 =	vimm.s32 $0x0;
	s1 =	sshrl.u32 @!p0 s19, $0x3;
	s25 =	sshrl.u32 s11, $0x3;
	s11 =	simm.s32 $0x16120  }
0x28: {  	v1 =	vimm.s32 $0x1;
	v2 =	vimm.s32 $0x2;
	v3 =	vimm.s32 $0x3;
	s18 =	simm.s32 $0x0;
	[dreg:$0x10] =	wrdreg s1;
	s1 =	simm.s32 $0x160A0  }
.LBB2_1:
0x29: {  	s19 =	rddreg [dreg:$0xc]  }
0x2a: {  	[spmem:s19], [sflag:s7] =	dma.local [hbm:s31], $0x900  }
0x2b: {  	_ =	swait.ge [sflag:s0], $0x900  }
0x2c: {  	[sflag:s0] =	ssyncset.done $0x0  }
0x2d: {  	s20 =	rddreg [dreg:$0xd];
	[sflag:s0] =	ssyncadd.s32 $0xFFFFF700  }
0x2e: {  	[spmem:s20], [sflag:s7] =	dma.local [hbm:s31], $0x900  }
0x2f: {  	_ =	swait.ge [sflag:s0], $0x900  }
0x30: {  	[sflag:s0] =	ssyncset.done $0x0  }
0x31: {  	s21 =	rddreg [dreg:$0xe];
	[sflag:s0] =	ssyncadd.s32 $0xFFFFF700  }
0x32: {  	[spmem:s21], [sflag:s7] =	dma.local [hbm:s31], $0x900  }
0x33: {  	_ =	swait.ge [sflag:s0], $0x900  }
0x34: {  	[sflag:s0] =	ssyncset.done $0x0  }
0x35: {  	s22 =	rddreg [dreg:$0xf];
	[sflag:s0] =	ssyncadd.s32 $0xFFFFF700  }
0x36: {  	[spmem:s22], [sflag:s7] =	dma.local [hbm:s31], $0x900  }
0x37: {  	_ =	swait.ge [sflag:s0], $0x900  }
0x38: {  	[sflag:s0] =	ssyncset.done $0x0  }
0x39: {  	s19 =	rddreg [dreg:$0x10];
	[sflag:s0] =	ssyncadd.s32 $0xFFFFF700  }
0x3a: {  	[spmem:s19], [sflag:s7] =	dma.local @!p0 [hbm:s31], $0x900  }
0x3b: {  	s19 =	simm.s32 @!p0 $0x3  }
0x3c: {  	_ =	swait.ge @!p0 [sflag:s19], $0x900  }
0x3d: {  	[sflag:s19] =	ssyncset.done @!p0 $0x0  }
0x3e: {  	[sflag:s19] =	ssyncadd.s32 @!p0 $0xFFFFF700  }
0x3f: {  	s20 =	simm.s32 $0x1F9A0;
	s19 =	rddreg [dreg:$0x0]  }
0x40: {  	[tilespmem:s20], [sflag:$0x3] =	stream.linear.gather [hbm4b:s19+s4], $0x10, $0x38;
	[tilespmem:$0x1F9B0] =	vst v63  }
0x41: {  	_ =	swait.ge [sflag:s0], $0x10  }
0x42: {  	[sflag:s0] =	ssyncset.done $0x0  }
0x43: {  	[sflag:s0] =	ssyncadd.s32 $0xFFFFFFF0  }
0x44: {  	[bflag:$0x0] =	sbarrier.arrive $0xFFFF  }
0x45: {  	s23 =	rddreg [dreg:$0x9]  }
0x46: {  	v4 =	vld [tilespmem:$0x1F9A0];
	[tilespmem:s5], [sflag:$0x3] =	stream.linear.gather [hbm4b:s23+s4], $0x80, $0x38  }
0x47: {  	_ =	swait.ge [sflag:s0], $0x80  }
0x48: {  	[sflag:s0] =	ssyncset.done $0x0  }
0x49: {  	s24 =	rddreg [dreg:$0xa];
	[sflag:s0] =	ssyncadd.s32 $0xFFFFFF80  }
0x4a: {  	[tilespmem:s1], [sflag:$0x3] =	stream.linear.gather [hbm4b:s24+s4], $0x80, $0x38;
	[tilespmem:$0x1F9B0] =	vst v63  }
0x4b: {  	_ =	swait.ge [sflag:s0], $0x80  }
0x4c: {  	[sflag:s0] =	ssyncset.done $0x0  }
0x4d: {  	s19 =	simm.s32 $0x0;
	[sflag:s0] =	ssyncadd.s32 $0xFFFFFF80  }
0x4e: {  	[tilespmem:s9], [sflag:$0x1] =	stream.indirect.gather [hbm4b:s29+s8], $0x90, s5, s8, $0xb8;
	[tilespmem:$0x1F9B0] =	vst v63  }
.LBB2_2:
0x4f: {  	s20 =	sshll.u32 s19, $0x8  }
0x50: {  	s21 =	sadd.s32 s20, s15  }
0x51: {  	s21 =	sshrl.u32 s21, $0x3  }
0x52: {  	s22 =	sadd.s32 s2, s21  }
0x53: {  	[tilespmem:s10], [sflag:$0x3] =	stream.linear.gather [hbm4b:s22+s4], $0x80, $0x38;
	[tilespmem:$0x1F9B0] =	vst v63  }
0x54: {  	_ =	swait.ge [sflag:s0], $0x80  }
0x55: {  	[sflag:s0] =	ssyncset.done $0x0  }
0x56: {  	s21 =	sadd.s32 s6, s21;
	[sflag:s0] =	ssyncadd.s32 $0xFFFFFF80  }
0x57: {  	[tilespmem:s11], [sflag:$0x3] =	stream.linear.gather [hbm4b:s21+s4], $0x80, $0x38;
	[tilespmem:$0x1F9B0] =	vst v63  }
0x58: {  	_ =	swait.ge [sflag:s0], $0x80  }
0x59: {  	[sflag:s0] =	ssyncset.done $0x0  }
0x5a: {  	[sflag:s0] =	ssyncadd.s32 $0xFFFFFF80  }
0x5b: {  	[tilespmem:s12], [sflag:$0x2] =	stream.indirect.gather [hbm4b:s29+s8], $0x90, s10, s8, $0xb8;
	[tilespmem:$0x1F9B0] =	vst v63  }
0x5c: {  	_ = 	snop  }
0x5d: {  	[tilespmem:s13], [sflag:$0x3] =	stream.indirect.gather [hbm4b:s30+s8], $0x10, s1, s8, $0xb8;
	[tilespmem:$0x1F9B0] =	vst v63  }
0x5e: {  	_ =	swait.ge [sflag:s0], $0x800  }
0x5f: {  	[sflag:s0] =	ssyncset.done $0x0  }
0x60: {  	[sflag:s0] =	ssyncadd.s32 $0xFFFFF800  }
0x61: {  	_ =	swait.ge [sflag:s14], $0x4800  }
0x62: {  	[sflag:s14] =	ssyncset.done $0x0  }
0x63: {  	s21 =	simm.s32 $0x162C0;
	[sflag:s14] =	ssyncadd.s32 $0xFFFFB800  }
0x64: {  	s22 =	simm.s32 $0x1F1C0;
	v5 =	vld [tilespmem:s21+$0x110]  }
0x65: {  	v6 =	vld [tilespmem:s22+$0x10]  }
0x66: {  	v7 =	vld [tilespmem:s22+$0xFFFFFFE0]  }
0x67: {  	v8 =	vld [tilespmem:s21+$0xFFFFFFF0]  }
0x68: {  	v9 =	vld [tilespmem:s22+$0xFFFFFFF0]  }
0x69: {  	v10 =	vld [tilespmem:s21+$0x80]  }
0x6a: {  	v11 =	vld [tilespmem:s22+$0x0]  }
0x6b: {  	v12 =	vld [tilespmem:s21+$0xFFFFFF60];
	v5 =	vadd.f32 v6, v5;
	v6 =	vadd.f32 v6, v4  }
0x6c: {  	v20 =	vld [tilespmem:s21+$0xFFFFFEE0]  }
0x6d: {  	v21 =	vld [tilespmem:s21+$0xFFFFFEF0];
	v13 =	vmul.f32 $2.000000030e-01, v5;
	v14 =	vmul.f32 $2.000000030e-01, v6  }
0x6e: {  	v24 =	vld [tilespmem:s21+$0xFFFFFF00];
	v15 =	vadd.f32 v7, v4;
	v8 =	vadd.f32 v9, v8  }
0x6f: {  	v35 =	vld [tilespmem:s21+$0xFFFFFF10];
	v16 =	vadd.f32 v9, v4;
	v5 =	vmax.f32 v5, v13;
	v6 =	vmax.f32 v6, v14  }
0x70: {  	v37 =	vld [tilespmem:s21+$0xFFFFFF20];
	v13 =	vmul.f32 $2.000000030e-01, v15;
	v5 =	vsub.f32 v5, v6;
	v6 =	vadd.f32 v7, v12  }
0x71: {  	v38 =	vld [tilespmem:s21+$0xFFFFFF30];
	v7 =	vmul.f32 $2.000000030e-01, v8;
	v12 =	vmul.f32 $2.000000030e-01, v16  }
0x72: {  	v18 =	vld [tilespmem:s21+$0xFFFFFF80];
	v10 =	vadd.f32 v11, v10;
	v5 =	vmul.f32 $1.442695020e+00, v5;
	v17 =	vmul.f32 $2.000000030e-01, v6  }
0x73: {  	v19 =	vld [tilespmem:s21+$0xFFFFFF90];
	v14 =	vadd.f32 v11, v4;
	v7 =	vmax.f32 v8, v7;
	v8 =	vmax.f32 v16, v12  }
0x74: {  	v22 =	vld [tilespmem:s21+$0xFFFFFFA0];
	(erf) = vpow2.f32 v5;
	v5 =	vmax.f32 v6, v17;
	v6 =	vsub.f32 v7, v8  }
0x75: {  	v23 =	vld [tilespmem:s21+$0xFFFFFFB0];
	v15 =	vmax.f32 v15, v13;
	v7 =	vmul.f32 $2.000000030e-01, v10;
	v8 =	vmul.f32 $2.000000030e-01, v14  }
0x76: {  	v25 =	vld [tilespmem:s21+$0xFFFFFFC0];
	v5 =	vsub.f32 v5, v15;
	v6 =	vmul.f32 $1.442695020e+00, v6  }
0x77: {  	v26 =	vld [tilespmem:s21+$0xFFFFFFD0];
	v7 =	vmax.f32 v10, v7;
	v8 =	vmax.f32 v14, v8  }
0x78: {  	v28 =	vld [tilespmem:s21+$0xFFFFFFE0];
	v5 =	vmul.f32 $1.442695020e+00, v5;
	v7 =	vsub.f32 v7, v8;
	(erf) = vpow2.f32 v6  }
0x79: {  	v29 =	vld [tilespmem:s21+$0x0]  }
0x7a: {  	v33 =	vld [tilespmem:s21+$0x10];
	(erf) = vpow2.f32 v5;
	v5 =	vmul.f32 $1.442695020e+00, v7  }
0x7b: {  	v31 =	vld [tilespmem:s21+$0x20]  }
0x7c: {  	v30 =	vld [tilespmem:s21+$0x30];
	(erf) = vpow2.f32 v5  }
0x7d: {  	v6 =	vld [tilespmem:s21+$0x100]  }
0x7e: {  	v34 =	vld [tilespmem:s21+$0x40];
	v5 =	vpop (erf)  }
0x7f: {  	v27 =	vld [tilespmem:s21+$0x50];
	v14 =	vnsel vm0, $0x0, v5  }
0x80: {  	v9 =	vld [tilespmem:s21+$0xFFFFFF40];
	v5 =	vperm.xlane v14, v3  }
0x81: {  	v11 =	vld [tilespmem:s21+$0xFFFFFF50];
	v8 =	vperm.xlane v14, v0;
	v7 =	vperm.xlane v14, v1;
	v12 =	vpop (erf)  }
0x82: {  	v13 =	vld [tilespmem:s21+$0xFFFFFF70];
	v10 =	vmul.f32 v6, v5;
	v6 =	vperm.xlane v14, v2;
	v17 =	vnsel vm0, $0x0, v12  }
0x83: {  	v16 =	vld [tilespmem:s21+$0x70];
	v12 =	vpop (erf);
	v45 =	vperm.xlane v17, v0;
	v43 =	vperm.xlane v17, v1  }
0x84: {  	[tilespmem:s21+$0x110] =	vst v14;
	v14 =	vld [tilespmem:s21+$0xA0];
	v36 =	vnsel vm0, $0x0, v12;
	v47 =	vperm.xlane v17, v2;
	v46 =	vperm.xlane v17, v3  }
0x85: {  	v12 =	vld [tilespmem:s21+$0x60];
	v39 =	vperm.xlane v36, v0;
	v40 =	vperm.xlane v36, v1;
	v15 =	vpop (erf)  }
0x86: {  	[tilespmem:s21+$0x100] =	vst v10;
	v10 =	vld [tilespmem:s21+$0x90];
	v51 =	vperm.xlane v36, v2;
	v48 =	vperm.xlane v36, v3;
	v49 =	vnsel vm0, $0x0, v15  }
0x87: {  	[tilespmem:s21+$0xFFFFFFF0] =	vst v17;
	v17 =	vld [tilespmem:s21+$0xC0];
	v44 =	vperm.xlane v49, v0;
	v42 =	vperm.xlane v49, v1  }
0x88: {  	v15 =	vld [tilespmem:s21+$0xB0];
	v41 =	vperm.xlane v49, v2;
	v32 =	vperm.xlane v49, v3  }
0x89: {  	[tilespmem:s21+$0xFFFFFF60] =	vst v36;
	v52 =	vmul.f32 v20, v39;
	v50 =	vmul.f32 v21, v39;
	v20 =	vld [tilespmem:s21+$0xD0]  }
0x8a: {  	[tilespmem:s21+$0x80] =	vst v49;
	v49 =	vmul.f32 v24, v40;
	v36 =	vmul.f32 v35, v40;
	v21 =	vld [tilespmem:s21+$0xE0]  }
0x8b: {  	s23 =	simm.s32 $0x0;
	s24 =	simm.s32 $0x16500;
	v37 =	vmul.f32 v37, v51;
	v35 =	vmul.f32 v38, v51;
	v24 =	vld [tilespmem:s21+$0xF0];
	[tilespmem:s21+$0xFFFFFEE0] =	vst v52  }
.LBB2_3:
0x8c: {  	v38 =	vld [tilespmem:s24+$0x110];
	[tilespmem:s21+$0xFFFFFEF0] =	vst v50;
	v9 =	vmul.f32 v9, v48;
	v11 =	vmul.f32 v11, v48;
	s22 =	sadd.s32 $0x40, s22  }
0x8d: {  	s23 =	sadd.s32 $0x4, s23;
	v13 =	vmul.f32 v13, v45;
	v18 =	vmul.f32 v18, v45;
	v39 =	vld [tilespmem:s22+$0x10];
	[tilespmem:s21+$0xFFFFFF00] =	vst v49  }
0x8e: {  	v19 =	vmul.f32 v19, v43;
	v22 =	vmul.f32 v22, v43;
	p1 =	slt.u32 s23, $0x7C;
	v40 =	vld [tilespmem:s22+$0xFFFFFFE0];
	[tilespmem:s21+$0xFFFFFF10] =	vst v36  }
0x8f: {  	v23 =	vmul.f32 v23, v47;
	v25 =	vmul.f32 v25, v47;
	v43 =	vld [tilespmem:s24+$0xFFFFFFF0];
	[tilespmem:s21+$0xFFFFFF20] =	vst v37  }
0x90: {  	v26 =	vmul.f32 v26, v46;
	v28 =	vmul.f32 v28, v46;
	v37 =	vld [tilespmem:s22+$0xFFFFFFF0];
	[tilespmem:s21+$0xFFFFFF30] =	vst v35  }
0x91: {  	v29 =	vmul.f32 v29, v44;
	v33 =	vmul.f32 v33, v44;
	v45 =	vld [tilespmem:s24+$0x80];
	[tilespmem:s21+$0xFFFFFF40] =	vst v9  }
0x92: {  	v31 =	vmul.f32 v31, v42;
	v9 =	vld [tilespmem:s22+$0x0];
	v38 =	vadd.f32 v39, v38;
	v39 =	vadd.f32 v39, v4;
	[tilespmem:s21+$0xFFFFFF50] =	vst v11  }
0x93: {  	v30 =	vmul.f32 v30, v42;
	v34 =	vmul.f32 v34, v41;
	v11 =	vld [tilespmem:s24+$0xFFFFFF60];
	v44 =	vadd.f32 v40, v4;
	[tilespmem:s21+$0xFFFFFF70] =	vst v13  }
0x94: {  	v35 =	vld [tilespmem:s24+$0xFFFFFEE0];
	v13 =	vmul.f32 $2.000000030e-01, v38;
	v42 =	vmul.f32 $2.000000030e-01, v39;
	[tilespmem:s21+$0xFFFFFF80] =	vst v18  }
0x95: {  	v18 =	vmul.f32 $2.000000030e-01, v44;
	v36 =	vld [tilespmem:s24+$0xFFFFFEF0];
	v43 =	vadd.f32 v37, v43;
	v46 =	vadd.f32 v37, v4;
	[tilespmem:s21+$0xFFFFFF90] =	vst v19  }
0x96: {  	v27 =	vmul.f32 v27, v41;
	v37 =	vld [tilespmem:s24+$0xFFFFFF00];
	v13 =	vmax.f32 v38, v13;
	v19 =	vmax.f32 v39, v42;
	[tilespmem:s21+$0xFFFFFFA0] =	vst v22  }
0x97: {  	v38 =	vld [tilespmem:s24+$0xFFFFFF10];
	v22 =	vmul.f32 $2.000000030e-01, v43;
	v41 =	vadd.f32 v9, v45;
	v13 =	vsub.f32 v13, v19;
	[tilespmem:s21+$0xFFFFFFB0] =	vst v23  }
0x98: {  	v23 =	vmul.f32 $2.000000030e-01, v46;
	v42 =	vadd.f32 v9, v4;
	v19 =	vadd.f32 v40, v11;
	v39 =	vld [tilespmem:s24+$0xFFFFFF20];
	[tilespmem:s21+$0xFFFFFFC0] =	vst v25  }
0x99: {  	v18 =	vmax.f32 v44, v18;
	v40 =	vld [tilespmem:s24+$0xFFFFFF30];
	v25 =	vmul.f32 $2.000000030e-01, v41;
	v13 =	vmul.f32 $1.442695020e+00, v13;
	[tilespmem:s21+$0xFFFFFFD0] =	vst v26  }
0x9a: {  	v22 =	vmax.f32 v43, v22;
	v43 =	vmul.f32 $2.000000030e-01, v42;
	v26 =	vmul.f32 $2.000000030e-01, v19;
	v9 =	vld [tilespmem:s24+$0xFFFFFF40];
	[tilespmem:s21+$0xFFFFFFE0] =	vst v28  }
0x9b: {  	v23 =	vmax.f32 v46, v23;
	v11 =	vld [tilespmem:s24+$0xFFFFFF50];
	v25 =	vmax.f32 v41, v25;
	(erf) = vpow2.f32 v13;
	[tilespmem:s21+$0x0] =	vst v29  }
0x9c: {  	v22 =	vsub.f32 v22, v23;
	v23 =	vmax.f32 v42, v43;
	v19 =	vmax.f32 v19, v26;
	v13 =	vld [tilespmem:s24+$0xFFFFFF70];
	[tilespmem:s21+$0x10] =	vst v33  }
0x9d: {  	v12 =	vmul.f32 v12, v32;
	v23 =	vsub.f32 v25, v23;
	v26 =	vsub.f32 v19, v18;
	v18 =	vld [tilespmem:s24+$0xFFFFFF80];
	[tilespmem:s21+$0x20] =	vst v31  }
0x9e: {  	v16 =	vmul.f32 v16, v32;
	v25 =	vmul.f32 $1.442695020e+00, v22;
	v19 =	vld [tilespmem:s24+$0xFFFFFF90];
	[tilespmem:s21+$0x30] =	vst v30  }
0x9f: {  	v28 =	vmul.f32 $1.442695020e+00, v23;
	v26 =	vmul.f32 $1.442695020e+00, v26;
	v22 =	vld [tilespmem:s24+$0xFFFFFFA0];
	[tilespmem:s21+$0x40] =	vst v34  }
0xa0: {  	v10 =	vmul.f32 v10, v8;
	v23 =	vld [tilespmem:s24+$0xFFFFFFB0];
	(erf) = vpow2.f32 v25;
	[tilespmem:s21+$0x50] =	vst v27  }
0xa1: {  	v8 =	vmul.f32 v14, v8;
	v25 =	vld [tilespmem:s24+$0xFFFFFFC0];
	(erf) = vpow2.f32 v26;
	[tilespmem:s21+$0x60] =	vst v12  }
0xa2: {  	v12 =	vmul.f32 v15, v7;
	v26 =	vld [tilespmem:s24+$0xFFFFFFD0];
	(erf) = vpow2.f32 v28;
	[tilespmem:s21+$0x70] =	vst v16  }
0xa3: {  	v7 =	vmul.f32 v17, v7;
	v14 =	vld [tilespmem:s24+$0x100];
	[tilespmem:s21+$0x90] =	vst v10;
	v10 =	vmul.f32 v20, v6  }
0xa4: {  	v17 =	vmul.f32 v24, v5;
	v16 =	vmul.f32 v21, v6;
	v28 =	vld [tilespmem:s24+$0xFFFFFFE0];
	v15 =	vpop (erf);
	[tilespmem:s21+$0xA0] =	vst v8  }
0xa5: {  	v29 =	vld [tilespmem:s24+$0x0];
	v15 =	vnsel vm0, $0x0, v15;
	[tilespmem:s21+$0xB0] =	vst v12  }
0xa6: {  	v33 =	vld [tilespmem:s24+$0x10];
	v8 =	vperm.xlane v15, v0;
	v5 =	vperm.xlane v15, v3;
	[tilespmem:s21+$0xC0] =	vst v7  }
0xa7: {  	v7 =	vperm.xlane v15, v1;
	v6 =	vperm.xlane v15, v2;
	v31 =	vld [tilespmem:s24+$0x20];
	[tilespmem:s21+$0xD0] =	vst v10  }
0xa8: {  	v30 =	vld [tilespmem:s24+$0x30];
	v20 =	vmul.f32 v14, v5;
	[tilespmem:s21+$0xE0] =	vst v16  }
0xa9: {  	v34 =	vld [tilespmem:s24+$0x40];
	v12 =	vpop (erf);
	[tilespmem:s21+$0xF0] =	vst v17;
	s21 =	smov.u32 s24  }
0xaa: {  	v14 =	vnsel vm0, $0x0, v12;
	v27 =	vld [tilespmem:s24+$0x50];
	[tilespmem:s24+$0x100] =	vst v20;
	v10 =	vpop (erf)  }
0xab: {  	v10 =	vnsel vm0, $0x0, v10;
	[tilespmem:s24+$0xFFFFFFF0] =	vst v14;
	v45 =	vperm.xlane v14, v0;
	v43 =	vperm.xlane v14, v1;
	v12 =	vld [tilespmem:s24+$0x60];
	v16 =	vpop (erf)  }
0xac: {  	[tilespmem:s24+$0xFFFFFF60] =	vst v10;
	v20 =	vperm.xlane v10, v0;
	v21 =	vperm.xlane v10, v1;
	v17 =	vnsel vm0, $0x0, v16;
	v16 =	vld [tilespmem:s24+$0x70]  }
0xad: {  	v24 =	vperm.xlane v10, v2;
	v48 =	vperm.xlane v10, v3;
	[tilespmem:s24+$0x80] =	vst v17;
	v10 =	vld [tilespmem:s24+$0x90]  }
0xae: {  	v47 =	vperm.xlane v14, v2;
	v46 =	vperm.xlane v14, v3;
	[tilespmem:s24+$0x110] =	vst v15;
	v14 =	vld [tilespmem:s24+$0xA0]  }
.Ltmp0:
0xaf: {  	v44 =	vperm.xlane v17, v0;
	v42 =	vperm.xlane v17, v1;
	v15 =	vld [tilespmem:s24+$0xB0];
	(pc) =	sbr.rel @p1 .LBB2_3-.Ltmp0, $4  }
0xb0: {  	v41 =	vperm.xlane v17, v2;
	v32 =	vperm.xlane v17, v3;
	v17 =	vld [tilespmem:s24+$0xC0]  }
0xb1: {  	v35 =	vmul.f32 v35, v20;
	v50 =	vmul.f32 v36, v20;
	v20 =	vld [tilespmem:s24+$0xD0]  }
0xb2: {  	v49 =	vmul.f32 v37, v21;
	v36 =	vmul.f32 v38, v21;
	v21 =	vld [tilespmem:s24+$0xE0]  }
0xb3: {  	v37 =	vmul.f32 v39, v24;
	s24 =	sadd.s32 $0x240, s24;
	[tilespmem:s21+$0xFFFFFEE0] =	vst v35;
	v35 =	vmul.f32 v40, v24;
	v24 =	vld [tilespmem:s21+$0xF0]  }
0xb4: {  	[tilespmem:s21+$0xFFFFFEF0] =	vst v50  }
0xb5: {  	[tilespmem:s21+$0xFFFFFF00] =	vst v49  }
0xb6: {  	[tilespmem:s21+$0xFFFFFF10] =	vst v36  }
0xb7: {  	v9 =	vmul.f32 v9, v48;
	[tilespmem:s21+$0xFFFFFF20] =	vst v37  }
0xb8: {  	v11 =	vmul.f32 v11, v48;
	[tilespmem:s21+$0xFFFFFF30] =	vst v35  }
0xb9: {  	v13 =	vmul.f32 v13, v45;
	[tilespmem:s21+$0xFFFFFF40] =	vst v9  }
0xba: {  	v9 =	vmul.f32 v18, v45;
	[tilespmem:s21+$0xFFFFFF50] =	vst v11  }
0xbb: {  	v11 =	vmul.f32 v19, v43;
	[tilespmem:s21+$0xFFFFFF70] =	vst v13  }
0xbc: {  	v13 =	vmul.f32 v22, v43;
	[tilespmem:s21+$0xFFFFFF80] =	vst v9  }
0xbd: {  	v9 =	vmul.f32 v23, v47;
	[tilespmem:s21+$0xFFFFFF90] =	vst v11  }
0xbe: {  	v11 =	vmul.f32 v25, v47;
	[tilespmem:s21+$0xFFFFFFA0] =	vst v13  }
0xbf: {  	v13 =	vmul.f32 v26, v46;
	[tilespmem:s21+$0xFFFFFFB0] =	vst v9  }
0xc0: {  	v5 =	vmul.f32 v24, v5;
	[tilespmem:s21+$0xFFFFFFC0] =	vst v11  }
0xc1: {  	v9 =	vmul.f32 v28, v46;
	[tilespmem:s21+$0xFFFFFFD0] =	vst v13  }
0xc2: {  	v11 =	vmul.f32 v29, v44;
	[tilespmem:s21+$0xF0] =	vst v5  }
0xc3: {  	v13 =	vmul.f32 v33, v44;
	[tilespmem:s21+$0xFFFFFFE0] =	vst v9  }
0xc4: {  	v9 =	vmul.f32 v31, v42;
	[tilespmem:s21+$0x0] =	vst v11  }
0xc5: {  	v11 =	vmul.f32 v30, v42;
	[tilespmem:s21+$0x10] =	vst v13  }
0xc6: {  	v13 =	vmul.f32 v34, v41;
	[tilespmem:s21+$0x20] =	vst v9  }
0xc7: {  	v9 =	vmul.f32 v27, v41;
	[tilespmem:s21+$0x30] =	vst v11  }
0xc8: {  	v11 =	vmul.f32 v12, v32;
	[tilespmem:s21+$0x40] =	vst v13  }
0xc9: {  	v12 =	vmul.f32 v16, v32;
	[tilespmem:s21+$0x50] =	vst v9  }
0xca: {  	v9 =	vmul.f32 v10, v8;
	[tilespmem:s21+$0x60] =	vst v11  }
0xcb: {  	v8 =	vmul.f32 v14, v8;
	[tilespmem:s21+$0x70] =	vst v12  }
0xcc: {  	v10 =	vmul.f32 v15, v7;
	[tilespmem:s21+$0x90] =	vst v9  }
0xcd: {  	v7 =	vmul.f32 v17, v7;
	[tilespmem:s21+$0xA0] =	vst v8  }
0xce: {  	v8 =	vmul.f32 v20, v6;
	[tilespmem:s21+$0xB0] =	vst v10  }
0xcf: {  	v6 =	vmul.f32 v21, v6;
	[tilespmem:s21+$0xC0] =	vst v7  }
0xd0: {  	[tilespmem:s21+$0xD0] =	vst v8  }
0xd1: {  	[tilespmem:s21+$0xE0] =	vst v6  }
0xd2: {  	[spmem:s3] =	stream.indirect.scatter.add.f32 [tilespmem:s9], [sflag:$0x3], $0x90, s1, s8, $0xb8;
	[tilespmem:$0x1F9B0] =	vst v63  }
0xd3: {  	s20 =	sadd.s32 s20, s16;
	_ =	swait.ge [sflag:s0], $0x4800  }
0xd4: {  	s20 =	sshrl.u32 s20, $0x3;
	[sflag:s0] =	ssyncset.done $0x0  }
0xd5: {  	s24 =	sadd.s32 s2, s20;
	[sflag:s0] =	ssyncadd.s32 $0xFFFFB800  }
0xd6: {  	[tilespmem:s5], [sflag:$0x3] =	stream.linear.gather [hbm4b:s24+s4], $0x80, $0x38;
	[tilespmem:$0x1F9B0] =	vst v63  }
0xd7: {  	_ =	swait.ge [sflag:s0], $0x80  }
0xd8: {  	[sflag:s0] =	ssyncset.done $0x0  }
0xd9: {  	s20 =	sadd.s32 s6, s20;
	[sflag:s0] =	ssyncadd.s32 $0xFFFFFF80  }
0xda: {  	[tilespmem:s1], [sflag:$0x3] =	stream.linear.gather [hbm4b:s20+s4], $0x80, $0x38;
	[tilespmem:$0x1F9B0] =	vst v63  }
0xdb: {  	_ =	swait.ge [sflag:s0], $0x80  }
0xdc: {  	[sflag:s0] =	ssyncset.done $0x0  }
0xdd: {  	[sflag:s0] =	ssyncadd.s32 $0xFFFFFF80  }
0xde: {  	[tilespmem:s9], [sflag:$0x1] =	stream.indirect.gather [hbm4b:s29+s8], $0x90, s5, s8, $0xb8;
	[tilespmem:$0x1F9B0] =	vst v63  }
0xdf: {  	_ = 	snop  }
0xe0: {  	[tilespmem:s13], [sflag:$0x3] =	stream.indirect.gather [hbm4b:s30+s8], $0x10, s11, s8, $0xb8;
	[tilespmem:$0x1F9B0] =	vst v63  }
0xe1: {  	_ =	swait.ge [sflag:s0], $0x800  }
0xe2: {  	[sflag:s0] =	ssyncset.done $0x0  }
0xe3: {  	[sflag:s0] =	ssyncadd.s32 $0xFFFFF800  }
0xe4: {  	_ =	swait.ge [sflag:s17], $0x4800  }
0xe5: {  	[sflag:s17] =	ssyncset.done $0x0  }
0xe6: {  	s20 =	simm.s32 $0x1AAC0;
	[sflag:s17] =	ssyncadd.s32 $0xFFFFB800  }
0xe7: {  	s21 =	simm.s32 $0x1F1C0;
	v5 =	vld [tilespmem:s20+$0x110]  }
0xe8: {  	v6 =	vld [tilespmem:s21+$0x10]  }
0xe9: {  	v7 =	vld [tilespmem:s21+$0xFFFFFFE0]  }
0xea: {  	v8 =	vld [tilespmem:s20+$0xFFFFFFF0]  }
0xeb: {  	v9 =	vld [tilespmem:s21+$0xFFFFFFF0]  }
0xec: {  	v10 =	vld [tilespmem:s20+$0x80]  }
0xed: {  	v11 =	vld [tilespmem:s21+$0x0]  }
0xee: {  	v12 =	vld [tilespmem:s20+$0xFFFFFF60];
	v5 =	vadd.f32 v6, v5;
	v6 =	vadd.f32 v6, v4  }
0xef: {  	v20 =	vld [tilespmem:s20+$0xFFFFFEE0]  }
0xf0: {  	v21 =	vld [tilespmem:s20+$0xFFFFFEF0];
	v13 =	vmul.f32 $2.000000030e-01, v5;
	v14 =	vmul.f32 $2.000000030e-01, v6  }
0xf1: {  	v24 =	vld [tilespmem:s20+$0xFFFFFF00];
	v15 =	vadd.f32 v7, v4;
	v8 =	vadd.f32 v9, v8  }
0xf2: {  	v60 =	vld [tilespmem:s20+$0xFFFFFF10];
	v16 =	vadd.f32 v9, v4;
	v5 =	vmax.f32 v5, v13;
	v6 =	vmax.f32 v6, v14  }
0xf3: {  	v61 =	vld [tilespmem:s20+$0xFFFFFF20];
	v13 =	vmul.f32 $2.000000030e-01, v15;
	v5 =	vsub.f32 v5, v6;
	v6 =	vadd.f32 v7, v12  }
0xf4: {  	v38 =	vld [tilespmem:s20+$0xFFFFFF30];
	v7 =	vmul.f32 $2.000000030e-01, v8;
	v12 =	vmul.f32 $2.000000030e-01, v16  }
0xf5: {  	v18 =	vld [tilespmem:s20+$0xFFFFFF80];
	v10 =	vadd.f32 v11, v10;
	v5 =	vmul.f32 $1.442695020e+00, v5;
	v17 =	vmul.f32 $2.000000030e-01, v6  }
0xf6: {  	v19 =	vld [tilespmem:s20+$0xFFFFFF90];
	v14 =	vadd.f32 v11, v4;
	v7 =	vmax.f32 v8, v7;
	v8 =	vmax.f32 v16, v12  }
0xf7: {  	v22 =	vld [tilespmem:s20+$0xFFFFFFA0];
	(erf) = vpow2.f32 v5;
	v5 =	vmax.f32 v6, v17;
	v6 =	vsub.f32 v7, v8  }
0xf8: {  	v23 =	vld [tilespmem:s20+$0xFFFFFFB0];
	v15 =	vmax.f32 v15, v13;
	v7 =	vmul.f32 $2.000000030e-01, v10;
	v8 =	vmul.f32 $2.000000030e-01, v14  }
0xf9: {  	v25 =	vld [tilespmem:s20+$0xFFFFFFC0];
	v5 =	vsub.f32 v5, v15;
	v6 =	vmul.f32 $1.442695020e+00, v6  }
0xfa: {  	v26 =	vld [tilespmem:s20+$0xFFFFFFD0];
	v7 =	vmax.f32 v10, v7;
	v8 =	vmax.f32 v14, v8  }
0xfb: {  	v28 =	vld [tilespmem:s20+$0xFFFFFFE0];
	v5 =	vmul.f32 $1.442695020e+00, v5;
	v7 =	vsub.f32 v7, v8;
	(erf) = vpow2.f32 v6  }
0xfc: {  	v29 =	vld [tilespmem:s20+$0x0]  }
0xfd: {  	v33 =	vld [tilespmem:s20+$0x10];
	(erf) = vpow2.f32 v5;
	v5 =	vmul.f32 $1.442695020e+00, v7  }
0xfe: {  	v31 =	vld [tilespmem:s20+$0x20]  }
0xff: {  	v30 =	vld [tilespmem:s20+$0x30];
	(erf) = vpow2.f32 v5  }
0x100: {  	v6 =	vld [tilespmem:s20+$0x100]  }
0x101: {  	v34 =	vld [tilespmem:s20+$0x40];
	v5 =	vpop (erf)  }
0x102: {  	v27 =	vld [tilespmem:s20+$0x50];
	v14 =	vnsel vm0, $0x0, v5  }
0x103: {  	v9 =	vld [tilespmem:s20+$0xFFFFFF40];
	v5 =	vperm.xlane v14, v3  }
0x104: {  	v11 =	vld [tilespmem:s20+$0xFFFFFF50];
	v8 =	vperm.xlane v14, v0;
	v7 =	vperm.xlane v14, v1;
	v12 =	vpop (erf)  }
0x105: {  	v13 =	vld [tilespmem:s20+$0xFFFFFF70];
	v10 =	vmul.f32 v6, v5;
	v6 =	vperm.xlane v14, v2;
	v17 =	vnsel vm0, $0x0, v12  }
0x106: {  	v16 =	vld [tilespmem:s20+$0x70];
	v12 =	vpop (erf);
	v45 =	vperm.xlane v17, v0;
	v43 =	vperm.xlane v17, v1  }
0x107: {  	[tilespmem:s20+$0x110] =	vst v14;
	v14 =	vld [tilespmem:s20+$0xA0];
	v62 =	vnsel vm0, $0x0, v12;
	v47 =	vperm.xlane v17, v2;
	v46 =	vperm.xlane v17, v3  }
0x108: {  	v12 =	vld [tilespmem:s20+$0x60];
	v39 =	vperm.xlane v62, v0;
	v40 =	vperm.xlane v62, v1;
	v15 =	vpop (erf)  }
0x109: {  	[tilespmem:s20+$0x100] =	vst v10;
	v10 =	vld [tilespmem:s20+$0x90];
	v51 =	vperm.xlane v62, v2;
	v48 =	vperm.xlane v62, v3;
	v63 =	vnsel vm0, $0x0, v15  }
0x10a: {  	[tilespmem:s20+$0xFFFFFFF0] =	vst v17;
	v17 =	vld [tilespmem:s20+$0xC0];
	v44 =	vperm.xlane v63, v0;
	v42 =	vperm.xlane v63, v1  }
0x10b: {  	v15 =	vld [tilespmem:s20+$0xB0];
	v41 =	vperm.xlane v63, v2;
	v32 =	vperm.xlane v63, v3  }
0x10c: {  	[tilespmem:s20+$0xFFFFFF60] =	vst v62;
	v52 =	vmul.f32 v20, v39;
	v50 =	vmul.f32 v21, v39;
	v20 =	vld [tilespmem:s20+$0xD0]  }
0x10d: {  	[tilespmem:s20+$0x80] =	vst v63;
	v49 =	vmul.f32 v24, v40;
	v36 =	vmul.f32 v60, v40;
	v21 =	vld [tilespmem:s20+$0xE0]  }
0x10e: {  	s22 =	simm.s32 $0x0;
	s23 =	simm.s32 $0x1AD00;
	v37 =	vmul.f32 v61, v51;
	v35 =	vmul.f32 v38, v51;
	v24 =	vld [tilespmem:s20+$0xF0];
	[tilespmem:s20+$0xFFFFFEE0] =	vst v52  }
.LBB2_5:
0x10f: {  	v38 =	vld [tilespmem:s23+$0x110];
	[tilespmem:s20+$0xFFFFFEF0] =	vst v50;
	v9 =	vmul.f32 v9, v48;
	v11 =	vmul.f32 v11, v48;
	s21 =	sadd.s32 $0x40, s21  }
0x110: {  	s22 =	sadd.s32 $0x4, s22;
	v13 =	vmul.f32 v13, v45;
	v18 =	vmul.f32 v18, v45;
	v39 =	vld [tilespmem:s21+$0x10];
	[tilespmem:s20+$0xFFFFFF00] =	vst v49  }
0x111: {  	v19 =	vmul.f32 v19, v43;
	v22 =	vmul.f32 v22, v43;
	p1 =	slt.u32 s22, $0x7C;
	v40 =	vld [tilespmem:s21+$0xFFFFFFE0];
	[tilespmem:s20+$0xFFFFFF10] =	vst v36  }
0x112: {  	v23 =	vmul.f32 v23, v47;
	v25 =	vmul.f32 v25, v47;
	v43 =	vld [tilespmem:s23+$0xFFFFFFF0];
	[tilespmem:s20+$0xFFFFFF20] =	vst v37  }
0x113: {  	v26 =	vmul.f32 v26, v46;
	v28 =	vmul.f32 v28, v46;
	v37 =	vld [tilespmem:s21+$0xFFFFFFF0];
	[tilespmem:s20+$0xFFFFFF30] =	vst v35  }
0x114: {  	v29 =	vmul.f32 v29, v44;
	v33 =	vmul.f32 v33, v44;
	v45 =	vld [tilespmem:s23+$0x80];
	[tilespmem:s20+$0xFFFFFF40] =	vst v9  }
0x115: {  	v31 =	vmul.f32 v31, v42;
	v9 =	vld [tilespmem:s21+$0x0];
	v38 =	vadd.f32 v39, v38;
	v39 =	vadd.f32 v39, v4;
	[tilespmem:s20+$0xFFFFFF50] =	vst v11  }
0x116: {  	v30 =	vmul.f32 v30, v42;
	v34 =	vmul.f32 v34, v41;
	v11 =	vld [tilespmem:s23+$0xFFFFFF60];
	v44 =	vadd.f32 v40, v4;
	[tilespmem:s20+$0xFFFFFF70] =	vst v13  }
0x117: {  	v35 =	vld [tilespmem:s23+$0xFFFFFEE0];
	v13 =	vmul.f32 $2.000000030e-01, v38;
	v42 =	vmul.f32 $2.000000030e-01, v39;
	[tilespmem:s20+$0xFFFFFF80] =	vst v18  }
0x118: {  	v18 =	vmul.f32 $2.000000030e-01, v44;
	v36 =	vld [tilespmem:s23+$0xFFFFFEF0];
	v43 =	vadd.f32 v37, v43;
	v46 =	vadd.f32 v37, v4;
	[tilespmem:s20+$0xFFFFFF90] =	vst v19  }
0x119: {  	v27 =	vmul.f32 v27, v41;
	v37 =	vld [tilespmem:s23+$0xFFFFFF00];
	v13 =	vmax.f32 v38, v13;
	v19 =	vmax.f32 v39, v42;
	[tilespmem:s20+$0xFFFFFFA0] =	vst v22  }
0x11a: {  	v38 =	vld [tilespmem:s23+$0xFFFFFF10];
	v22 =	vmul.f32 $2.000000030e-01, v43;
	v41 =	vadd.f32 v9, v45;
	v13 =	vsub.f32 v13, v19;
	[tilespmem:s20+$0xFFFFFFB0] =	vst v23  }
0x11b: {  	v23 =	vmul.f32 $2.000000030e-01, v46;
	v42 =	vadd.f32 v9, v4;
	v19 =	vadd.f32 v40, v11;
	v39 =	vld [tilespmem:s23+$0xFFFFFF20];
	[tilespmem:s20+$0xFFFFFFC0] =	vst v25  }
0x11c: {  	v18 =	vmax.f32 v44, v18;
	v40 =	vld [tilespmem:s23+$0xFFFFFF30];
	v25 =	vmul.f32 $2.000000030e-01, v41;
	v13 =	vmul.f32 $1.442695020e+00, v13;
	[tilespmem:s20+$0xFFFFFFD0] =	vst v26  }
0x11d: {  	v22 =	vmax.f32 v43, v22;
	v43 =	vmul.f32 $2.000000030e-01, v42;
	v26 =	vmul.f32 $2.000000030e-01, v19;
	v9 =	vld [tilespmem:s23+$0xFFFFFF40];
	[tilespmem:s20+$0xFFFFFFE0] =	vst v28  }
0x11e: {  	v23 =	vmax.f32 v46, v23;
	v11 =	vld [tilespmem:s23+$0xFFFFFF50];
	v25 =	vmax.f32 v41, v25;
	(erf) = vpow2.f32 v13;
	[tilespmem:s20+$0x0] =	vst v29  }
0x11f: {  	v22 =	vsub.f32 v22, v23;
	v23 =	vmax.f32 v42, v43;
	v19 =	vmax.f32 v19, v26;
	v13 =	vld [tilespmem:s23+$0xFFFFFF70];
	[tilespmem:s20+$0x10] =	vst v33  }
0x120: {  	v12 =	vmul.f32 v12, v32;
	v23 =	vsub.f32 v25, v23;
	v26 =	vsub.f32 v19, v18;
	v18 =	vld [tilespmem:s23+$0xFFFFFF80];
	[tilespmem:s20+$0x20] =	vst v31  }
0x121: {  	v16 =	vmul.f32 v16, v32;
	v25 =	vmul.f32 $1.442695020e+00, v22;
	v19 =	vld [tilespmem:s23+$0xFFFFFF90];
	[tilespmem:s20+$0x30] =	vst v30  }
0x122: {  	v28 =	vmul.f32 $1.442695020e+00, v23;
	v26 =	vmul.f32 $1.442695020e+00, v26;
	v22 =	vld [tilespmem:s23+$0xFFFFFFA0];
	[tilespmem:s20+$0x40] =	vst v34  }
0x123: {  	v10 =	vmul.f32 v10, v8;
	v23 =	vld [tilespmem:s23+$0xFFFFFFB0];
	(erf) = vpow2.f32 v25;
	[tilespmem:s20+$0x50] =	vst v27  }
0x124: {  	v8 =	vmul.f32 v14, v8;
	v25 =	vld [tilespmem:s23+$0xFFFFFFC0];
	(erf) = vpow2.f32 v26;
	[tilespmem:s20+$0x60] =	vst v12  }
0x125: {  	v12 =	vmul.f32 v15, v7;
	v26 =	vld [tilespmem:s23+$0xFFFFFFD0];
	(erf) = vpow2.f32 v28;
	[tilespmem:s20+$0x70] =	vst v16  }
0x126: {  	v7 =	vmul.f32 v17, v7;
	v14 =	vld [tilespmem:s23+$0x100];
	[tilespmem:s20+$0x90] =	vst v10;
	v10 =	vmul.f32 v20, v6  }
0x127: {  	v17 =	vmul.f32 v24, v5;
	v16 =	vmul.f32 v21, v6;
	v28 =	vld [tilespmem:s23+$0xFFFFFFE0];
	v15 =	vpop (erf);
	[tilespmem:s20+$0xA0] =	vst v8  }
0x128: {  	v29 =	vld [tilespmem:s23+$0x0];
	v15 =	vnsel vm0, $0x0, v15;
	[tilespmem:s20+$0xB0] =	vst v12  }
0x129: {  	v33 =	vld [tilespmem:s23+$0x10];
	v8 =	vperm.xlane v15, v0;
	v5 =	vperm.xlane v15, v3;
	[tilespmem:s20+$0xC0] =	vst v7  }
0x12a: {  	v7 =	vperm.xlane v15, v1;
	v6 =	vperm.xlane v15, v2;
	v31 =	vld [tilespmem:s23+$0x20];
	[tilespmem:s20+$0xD0] =	vst v10  }
0x12b: {  	v30 =	vld [tilespmem:s23+$0x30];
	v20 =	vmul.f32 v14, v5;
	[tilespmem:s20+$0xE0] =	vst v16  }
0x12c: {  	v34 =	vld [tilespmem:s23+$0x40];
	v12 =	vpop (erf);
	[tilespmem:s20+$0xF0] =	vst v17;
	s20 =	smov.u32 s23  }
0x12d: {  	v14 =	vnsel vm0, $0x0, v12;
	v27 =	vld [tilespmem:s23+$0x50];
	[tilespmem:s23+$0x100] =	vst v20;
	v10 =	vpop (erf)  }
0x12e: {  	v10 =	vnsel vm0, $0x0, v10;
	[tilespmem:s23+$0xFFFFFFF0] =	vst v14;
	v45 =	vperm.xlane v14, v0;
	v43 =	vperm.xlane v14, v1;
	v12 =	vld [tilespmem:s23+$0x60];
	v16 =	vpop (erf)  }
0x12f: {  	[tilespmem:s23+$0xFFFFFF60] =	vst v10;
	v20 =	vperm.xlane v10, v0;
	v21 =	vperm.xlane v10, v1;
	v17 =	vnsel vm0, $0x0, v16;
	v16 =	vld [tilespmem:s23+$0x70]  }
0x130: {  	v24 =	vperm.xlane v10, v2;
	v48 =	vperm.xlane v10, v3;
	[tilespmem:s23+$0x80] =	vst v17;
	v10 =	vld [tilespmem:s23+$0x90]  }
0x131: {  	v47 =	vperm.xlane v14, v2;
	v46 =	vperm.xlane v14, v3;
	[tilespmem:s23+$0x110] =	vst v15;
	v14 =	vld [tilespmem:s23+$0xA0]  }
.Ltmp1:
0x132: {  	v44 =	vperm.xlane v17, v0;
	v42 =	vperm.xlane v17, v1;
	v15 =	vld [tilespmem:s23+$0xB0];
	(pc) =	sbr.rel @p1 .LBB2_5-.Ltmp1, $4  }
0x133: {  	v41 =	vperm.xlane v17, v2;
	v32 =	vperm.xlane v17, v3;
	v17 =	vld [tilespmem:s23+$0xC0]  }
0x134: {  	v35 =	vmul.f32 v35, v20;
	v50 =	vmul.f32 v36, v20;
	v20 =	vld [tilespmem:s23+$0xD0]  }
0x135: {  	v49 =	vmul.f32 v37, v21;
	v36 =	vmul.f32 v38, v21;
	v21 =	vld [tilespmem:s23+$0xE0]  }
0x136: {  	v37 =	vmul.f32 v39, v24;
	s23 =	sadd.s32 $0x240, s23;
	[tilespmem:s20+$0xFFFFFEE0] =	vst v35;
	v35 =	vmul.f32 v40, v24;
	v24 =	vld [tilespmem:s20+$0xF0]  }
0x137: {  	[tilespmem:s20+$0xFFFFFEF0] =	vst v50  }
0x138: {  	[tilespmem:s20+$0xFFFFFF00] =	vst v49  }
0x139: {  	[tilespmem:s20+$0xFFFFFF10] =	vst v36  }
0x13a: {  	v9 =	vmul.f32 v9, v48;
	[tilespmem:s20+$0xFFFFFF20] =	vst v37  }
0x13b: {  	v11 =	vmul.f32 v11, v48;
	[tilespmem:s20+$0xFFFFFF30] =	vst v35  }
0x13c: {  	v13 =	vmul.f32 v13, v45;
	[tilespmem:s20+$0xFFFFFF40] =	vst v9  }
0x13d: {  	v39 =	vmul.f32 v18, v45;
	[tilespmem:s20+$0xFFFFFF50] =	vst v11  }
0x13e: {  	v40 =	vmul.f32 v19, v43;
	[tilespmem:s20+$0xFFFFFF70] =	vst v13  }
0x13f: {  	v45 =	vmul.f32 v22, v43;
	[tilespmem:s20+$0xFFFFFF80] =	vst v39  }
0x140: {  	v48 =	vmul.f32 v23, v47;
	[tilespmem:s20+$0xFFFFFF90] =	vst v40  }
0x141: {  	v49 =	vmul.f32 v25, v47;
	[tilespmem:s20+$0xFFFFFFA0] =	vst v45  }
0x142: {  	v50 =	vmul.f32 v26, v46;
	[tilespmem:s20+$0xFFFFFFB0] =	vst v48  }
0x143: {  	v51 =	vmul.f32 v28, v46;
	[tilespmem:s20+$0xFFFFFFC0] =	vst v49  }
0x144: {  	v52 =	vmul.f32 v29, v44;
	[tilespmem:s20+$0xFFFFFFD0] =	vst v50  }
0x145: {  	v53 =	vmul.f32 v33, v44;
	[tilespmem:s20+$0xFFFFFFE0] =	vst v51  }
0x146: {  	v54 =	vmul.f32 v31, v42;
	[tilespmem:s20+$0x0] =	vst v52  }
0x147: {  	v55 =	vmul.f32 v30, v42;
	[tilespmem:s20+$0x10] =	vst v53  }
0x148: {  	v56 =	vmul.f32 v34, v41;
	[tilespmem:s20+$0x20] =	vst v54  }
0x149: {  	v57 =	vmul.f32 v27, v41;
	[tilespmem:s20+$0x30] =	vst v55  }
0x14a: {  	v58 =	vmul.f32 v12, v32;
	[tilespmem:s20+$0x40] =	vst v56  }
0x14b: {  	v59 =	vmul.f32 v16, v32;
	[tilespmem:s20+$0x50] =	vst v57  }
0x14c: {  	v60 =	vmul.f32 v10, v8;
	[tilespmem:s20+$0x60] =	vst v58  }
0x14d: {  	v61 =	vmul.f32 v14, v8;
	[tilespmem:s20+$0x70] =	vst v59  }
0x14e: {  	v62 =	vmul.f32 v15, v7;
	[tilespmem:s20+$0x90] =	vst v60  }
0x14f: {  	v7 =	vmul.f32 v17, v7;
	[tilespmem:s20+$0xA0] =	vst v61  }
0x150: {  	v63 =	vmul.f32 v20, v6;
	[tilespmem:s20+$0xB0] =	vst v62  }
0x151: {  	v6 =	vmul.f32 v21, v6;
	[tilespmem:s20+$0xC0] =	vst v7  }
0x152: {  	s19 =	sadd.s32 $0x1, s19;
	v5 =	vmul.f32 v24, v5;
	[tilespmem:s20+$0xD0] =	vst v63  }
0x153: {  	p1 =	sne.s32 s19, $0x28;
	[tilespmem:s20+$0xE0] =	vst v6  }
.Ltmp2:
0x154: {  	[tilespmem:s20+$0xF0] =	vst v5;
	(pc) =	sbr.rel @p1 .LBB2_2-.Ltmp2, $4  }
0x155: {  	[spmem:s3] =	stream.indirect.scatter.add.f32 [tilespmem:s12], [sflag:$0x3], $0x90, s11, s8, $0xb8;
	[tilespmem:$0x1F9B0] =	vst v63  }
0x156: {  	_ =	swait.ge [sflag:s0], $0x4800  }
0x157: {  	[sflag:s0] =	ssyncset.done $0x0  }
0x158: {  	[sflag:s0] =	ssyncadd.s32 $0xFFFFB800  }
0x159: {  	_ =	swait.ge [sflag:s14], $0x4800  }
0x15a: {  	[sflag:s14] =	ssyncset.done $0x0  }
0x15b: {  	[sflag:s14] =	ssyncadd.s32 $0xFFFFB800  }
0x15c: {  	[bflag:$0x0] =	sbarrier.arrive $0xFFFF  }
0x15d: {  	s19 =	rddreg [dreg:$0x4]  }
0x15e: {  	s20 =	rddreg [dreg:$0x11]  }
0x15f: {  	[hbm:s19], [sflag:s7] =	dma.local [spmem:s20], $0x900  }
0x160: {  	_ =	swait.ge [sflag:s0], $0x900  }
0x161: {  	[sflag:s0] =	ssyncset.done $0x0;
	s20 =	rddreg [dreg:$0x5]  }
0x162: {  	s21 =	rddreg [dreg:$0x12];
	[sflag:s0] =	ssyncadd.s32 $0xFFFFF700  }
0x163: {  	[hbm:s20], [sflag:s7] =	dma.local [spmem:s21], $0x900  }
0x164: {  	_ =	swait.ge [sflag:s0], $0x900  }
0x165: {  	[sflag:s0] =	ssyncset.done $0x0  }
0x166: {  	s22 =	rddreg [dreg:$0x6];
	[sflag:s0] =	ssyncadd.s32 $0xFFFFF700  }
0x167: {  	[hbm:s22], [sflag:s7] =	dma.local [spmem:s25], $0x900  }
0x168: {  	_ =	swait.ge [sflag:s0], $0x900  }
0x169: {  	[sflag:s0] =	ssyncset.done $0x0  }
0x16a: {  	s23 =	rddreg [dreg:$0x7];
	[sflag:s0] =	ssyncadd.s32 $0xFFFFF700  }
0x16b: {  	[hbm:s23], [sflag:s7] =	dma.local [spmem:s26], $0x900  }
0x16c: {  	_ =	swait.ge [sflag:s0], $0x900  }
0x16d: {  	[sflag:s0] =	ssyncset.done $0x0  }
0x16e: {  	s19 =	rddreg [dreg:$0x8];
	[sflag:s0] =	ssyncadd.s32 $0xFFFFF700  }
0x16f: {  	[hbm:s19], [sflag:s7] =	dma.local @!p0 [spmem:s28], $0x900  }
0x170: {  	s19 =	simm.s32 @!p0 $0x3  }
0x171: {  	_ =	swait.ge @!p0 [sflag:s19], $0x900  }
0x172: {  	s18 =	sadd.s32 $0x1, s18;
	s24 =	rddreg [dreg:$0xb]  }
0x173: {  	p1 =	sne.s32 s18, s24  }
.Ltmp3:
0x174: {  	_ = 	snop;
	(pc) =	sbr.rel @p1 .LBB2_1-.Ltmp3, $3  }
0x175: {  	_ =	sdelay $0x1  }
0x176: {  	[sflag:s19] =	ssyncset.done @!p0 $0x0  }
0x177: {  	[sflag:s19] =	ssyncadd.s32 @!p0 $0xFFFFF700  }
0x178: {  	_ =	sfence.sel $0x180000  }
0x179: {  	[bflag:$0x0] =	sbarrier.arrive $0xFFFF  }
0x17a: {  	_ =	strace $0x90000047  }
0x17b: {  	s0 =	stileid.u32;
	[bflag:$0x2] =	sbarrier.arrive $0xFFFF  }
0x17c: {  	p0 =	sne.s32 s0, $0x0;
	s0 =	rddreg [dreg:$0x3]  }
0x17d: {  	s0 =	sadd.s32 @!p0 $0x100000, s0  }
0x17e: {  	[sflag:s0] =	ssyncadd.tile.s32 @!p0 $0x1;
	_ =	shalt  }
.Lfunc_end2:
_tile_overlayer_lowered:
.L_overlay_start_2:
0x17f: {  	(tag) =	ssettag $0x2  }
0x180: {  	s0 =	rddreg [dreg:$0x0];
	s2 =	stileid.u32  }
0x181: {  	s1 =	rddreg [dreg:$0x1];
	p0 =	sne.s32 s2, $0x0  }
0x182: {  	s3 =	rddreg [dreg:$0x2];
	[bflag:$0x3] =	sbarrier.arrive $0xFFFF;
	s2 =	simm.s32 @!p0 $0x1C03  }
0x183: {  	[timem:s3], [sflag:s2] =	dma.local @!p0 [hbm:s0], s1  }
0x184: {  	s0 =	simm.s32 @!p0 $0x3  }
0x185: {  	_ =	swait.ge @!p0 [sflag:s0], s1  }
0x186: {  	s1 =	ssub.s32 @!p0 $0x0, s1;
	[sflag:s0] =	ssyncset.done @!p0 $0x0  }
0x187: {  	[sflag:s0] =	ssyncadd.s32 @!p0 s1  }
0x188: {  	[bflag:$0x3] =	sbarrier.arrive $0xFFFF  }
0x189: {  	_ =	shalt  }

</sc_bundles>
